<compile_context>
chip_gen: v7x
topology: tpu7x:2x2x1
jax: 0.10.2.dev20260603
libtpu: 0.0.44.dev20260713+nightly
codegen_flags: <defaults>
</compile_context>

<pallas_src>
import functools

import jax
import jax.numpy as jnp
from jax import lax
from jax.experimental import pallas as pl
from jax.experimental.pallas import tpu as pltpu
from jax.experimental.pallas import tpu_sc as plsc

N_NODES = 10000
D = 128
NC = 2
NS = 16
LANES = 16
NW = NC * NS
CHUNK = 96
N_ACC = 10240
ROW_B = 1000
CORE0_FRAC = 0.78


def _sc_mesh():
    return plsc.VectorSubcoreMesh(
        core_axis_name="c", subcore_axis_name="s",
        num_cores=NC, num_subcores=NS)


def _make_deg_kernel(n_chunks):

    @functools.partial(
        pl.kernel,
        out_type=jax.ShapeDtypeStruct((NC, N_ACC, D), jnp.float32),
        mesh=_sc_mesh(),
        scratch_types=[
            pltpu.VMEM((n_chunks, CHUNK), jnp.int32),
            pltpu.VMEM((CHUNK, D), jnp.float32),
            pltpu.VMEM_SHARED((N_ACC, D), jnp.float32),
        ],
    )
    def deg_kernel(dst_hbm, zz_hbm, out_hbm, dst_v, ones_v, acc_sh):
        c = lax.axis_index("c")
        s = lax.axis_index("s")
        w = c * NS + s
        pltpu.sync_copy(dst_hbm.at[w], dst_v)

        rows_per_tile = N_ACC // NS
        onesvec = jnp.ones((LANES,), jnp.float32)
        per_row = D // LANES

        def fill(i, _):
            r = i // per_row
            k = i - r * per_row
            ones_v[r, pl.ds(k * LANES, LANES)] = onesvec
            return 0
        lax.fori_loop(0, CHUNK * per_row, fill, 0)

        pltpu.sync_copy(
            zz_hbm, acc_sh.at[pl.ds(s * rows_per_tile, rows_per_tile)])
        plsc.subcore_barrier()

        def body(j, _):
            pltpu.sync_copy(ones_v, acc_sh.at[dst_v.at[j]], add=True)
            return 0
        lax.fori_loop(0, n_chunks, body, 0)
        plsc.subcore_barrier()

        pltpu.sync_copy(acc_sh.at[pl.ds(s * rows_per_tile, rows_per_tile)],
                        out_hbm.at[c, pl.ds(s * rows_per_tile, rows_per_tile)])

    return deg_kernel


def _make_scatter_kernel(k0, k1):

    @functools.partial(
        pl.kernel,
        out_type=jax.ShapeDtypeStruct((NC, N_ACC, D), jnp.float32),
        mesh=_sc_mesh(),
        scratch_types=[
            pltpu.VMEM((2, CHUNK), jnp.int32),
            pltpu.VMEM((2, CHUNK), jnp.int32),
            pltpu.VMEM((2, CHUNK), jnp.int32),
            pltpu.VMEM((CHUNK, D), jnp.float32),
            pltpu.VMEM((CHUNK, D), jnp.float32),
            pltpu.VMEM((CHUNK, D), jnp.float32),
            pltpu.VMEM_SHARED((N_ACC, D), jnp.float32),
            pltpu.SemaphoreType.DMA,
            pltpu.SemaphoreType.DMA,
            pltpu.SemaphoreType.DMA,
            pltpu.SemaphoreType.DMA,
            pltpu.SemaphoreType.DMA,
            pltpu.SemaphoreType.DMA,
        ],
    )
    def scat_kernel(g_hbm, ei_hbm, zz_hbm, out_hbm,
                    ia, ib, ic, bufa, bufb, bufc, acc_sh,
                    sema, semb, semc, semia, semib, semic):
        c = lax.axis_index("c")
        s = lax.axis_index("s")
        base = jnp.where(c == 0, s * k0, NS * k0 + s * k1)
        n_chunks = jnp.where(c == 0, k0, k1)
        rows_per_tile = N_ACC // NS

        pltpu.sync_copy(
            zz_hbm, acc_sh.at[pl.ds(s * rows_per_tile, rows_per_tile)])
        plsc.subcore_barrier()

        pltpu.sync_copy(ei_hbm.at[base], ia)
        pltpu.sync_copy(ei_hbm.at[base + 1], ib)
        pltpu.sync_copy(ei_hbm.at[base + 2], ic)
        pltpu.async_copy(g_hbm.at[ia.at[0]], bufa, sema)
        pltpu.async_copy(g_hbm.at[ib.at[0]], bufb, semb)
        pltpu.async_copy(g_hbm.at[ic.at[0]], bufc, semc)

        def body(i, _):
            j = 3 * i
            pltpu.make_async_copy(g_hbm.at[ia.at[0]], bufa, sema).wait()
            pltpu.sync_copy(bufa, acc_sh.at[ia.at[1]], add=True)

            @pl.when(j + 3 < n_chunks)
            def _():
                pltpu.async_copy(ei_hbm.at[base + j + 3], ia, semia)

            @pl.when(j + 1 < n_chunks)
            def _():
                pltpu.make_async_copy(g_hbm.at[ib.at[0]], bufb, semb).wait()
                pltpu.sync_copy(bufb, acc_sh.at[ib.at[1]], add=True)

            @pl.when(j + 3 < n_chunks)
            def _():
                pltpu.make_async_copy(ei_hbm.at[base + j + 3], ia, semia).wait()
                pltpu.async_copy(g_hbm.at[ia.at[0]], bufa, sema)

            @pl.when(j + 4 < n_chunks)
            def _():
                pltpu.async_copy(ei_hbm.at[base + j + 4], ib, semib)

            @pl.when(j + 2 < n_chunks)
            def _():
                pltpu.make_async_copy(g_hbm.at[ic.at[0]], bufc, semc).wait()
                pltpu.sync_copy(bufc, acc_sh.at[ic.at[1]], add=True)

            @pl.when(j + 4 < n_chunks)
            def _():
                pltpu.make_async_copy(ei_hbm.at[base + j + 4], ib, semib).wait()
                pltpu.async_copy(g_hbm.at[ib.at[0]], bufb, semb)

            @pl.when(j + 5 < n_chunks)
            def _():
                pltpu.async_copy(ei_hbm.at[base + j + 5], ic, semic)
                pltpu.make_async_copy(ei_hbm.at[base + j + 5], ic, semic).wait()
                pltpu.async_copy(g_hbm.at[ic.at[0]], bufc, semc)
            return 0
        lax.fori_loop(0, (n_chunks + 2) // 3, body, 0)
        plsc.subcore_barrier()

        pltpu.sync_copy(acc_sh.at[pl.ds(s * rows_per_tile, rows_per_tile)],
                        out_hbm.at[c, pl.ds(s * rows_per_tile, rows_per_tile)])

    return scat_kernel


def _tc_scale_matmul(x, W, dinv):
    def body(x_ref, w_ref, d_ref, o_ref):
        h = jnp.dot(x_ref[...], w_ref[...], preferred_element_type=jnp.float32)
        o_ref[...] = h * d_ref[...]

    return pl.pallas_call(
        body,
        grid=(N_NODES // ROW_B,),
        in_specs=[
            pl.BlockSpec((ROW_B, D), lambda i: (i, 0)),
            pl.BlockSpec((D, D), lambda i: (0, 0)),
            pl.BlockSpec((ROW_B, 1), lambda i: (i, 0)),
        ],
        out_specs=pl.BlockSpec((ROW_B, D), lambda i: (i, 0)),
        out_shape=jax.ShapeDtypeStruct((N_NODES, D), jnp.float32),
    )(x, W, dinv)


def _tc_mid(parts, g, dinv, b, W):
    def body(p_ref, g_ref, d_ref, b_ref, w_ref, o_ref):
        agg = p_ref[0] + p_ref[1] + g_ref[...]
        t = jnp.maximum(agg * d_ref[...] + b_ref[...], 0.0)
        h = jnp.dot(t, w_ref[...], preferred_element_type=jnp.float32)
        o_ref[...] = h * d_ref[...]

    return pl.pallas_call(
        body,
        grid=(N_NODES // ROW_B,),
        in_specs=[
            pl.BlockSpec((NC, ROW_B, D), lambda i: (0, i, 0)),
            pl.BlockSpec((ROW_B, D), lambda i: (i, 0)),
            pl.BlockSpec((ROW_B, 1), lambda i: (i, 0)),
            pl.BlockSpec((1, D), lambda i: (0, 0)),
            pl.BlockSpec((D, D), lambda i: (0, 0)),
        ],
        out_specs=pl.BlockSpec((ROW_B, D), lambda i: (i, 0)),
        out_shape=jax.ShapeDtypeStruct((N_NODES, D), jnp.float32),
    )(parts, g, dinv, b, W)


def _tc_out(parts, g, dinv, b):
    def body(p_ref, g_ref, d_ref, b_ref, o_ref):
        agg = p_ref[0] + p_ref[1] + g_ref[...]
        z = agg * d_ref[...] + b_ref[...]
        m = jnp.max(z, axis=1, keepdims=True)
        e = jnp.exp(z - m)
        ssum = jnp.sum(e, axis=1, keepdims=True)
        o_ref[...] = (z - m) - jnp.log(ssum)

    return pl.pallas_call(
        body,
        grid=(N_NODES // ROW_B,),
        in_specs=[
            pl.BlockSpec((NC, ROW_B, D), lambda i: (0, i, 0)),
            pl.BlockSpec((ROW_B, D), lambda i: (i, 0)),
            pl.BlockSpec((ROW_B, 1), lambda i: (i, 0)),
            pl.BlockSpec((1, D), lambda i: (0, 0)),
        ],
        out_specs=pl.BlockSpec((ROW_B, D), lambda i: (i, 0)),
        out_shape=jax.ShapeDtypeStruct((N_NODES, D), jnp.float32),
    )(parts, g, dinv, b)


def kernel(x, edge_index, W1, b1, W2, b2):
    src = edge_index[0]
    dst = edge_index[1]
    e = src.shape[0]
    grain = NW * CHUNK
    e_pad = ((e + grain - 1) // grain) * grain
    n_chunks = e_pad // grain

    src_p = jnp.concatenate(
        [src, jnp.zeros((e_pad - e,), jnp.int32)]).reshape(NW, n_chunks, CHUNK)
    dst_p = jnp.concatenate(
        [dst, jnp.full((e_pad - e,), N_NODES, jnp.int32)]
    ).reshape(NW, n_chunks, CHUNK)
    t_chunks = e_pad // CHUNK
    ei_flat = jnp.stack(
        [src_p.reshape(t_chunks, CHUNK), dst_p.reshape(t_chunks, CHUNK)],
        axis=1)
    zz = jnp.zeros((N_ACC // NS, D), jnp.float32)

    deg_parts = _make_deg_kernel(n_chunks)(dst_p, zz)
    deg = deg_parts[:, :N_NODES, 0].sum(axis=0) + 1.0
    dinv = lax.rsqrt(deg).reshape(N_NODES, 1)

    k0 = int(round(CORE0_FRAC * t_chunks / NS))
    k1 = t_chunks // NS - k0
    scat = _make_scatter_kernel(k0, k1)
    b1r = b1.reshape(1, D)
    b2r = b2.reshape(1, D)

    g1 = _tc_scale_matmul(x, W1, dinv)
    parts1 = scat(g1, ei_flat, zz)[:, :N_NODES, :]
    g2 = _tc_mid(parts1, g1, dinv, b1r, W2)
    parts2 = scat(g2, ei_flat, zz)[:, :N_NODES, :]
    return _tc_out(parts2, g2, dinv, b2r)

# --- scband reference (transcript-rebuilt; emitter-appended) ---
"""Pipeline reference for scband-basic-gnn-36687610642595 (READ-ONLY COPY).

The authoritative reference and input builder live on the scoring server;
editing this copy changes nothing except your own understanding.
"""

import jax, jax.numpy as jnp
import numpy as np

N = 10000
E = 320000
D = 128

def setup_inputs(seed: int = 0):
    key = jax.random.key(seed)
    k1, k2, k3, k4, k5, k6 = jax.random.split(key, 6)
    x = jax.random.normal(k1, (N, D), dtype=jnp.float32)
    edge_index = jax.random.randint(k2, (2, E), 0, N, dtype=jnp.int32)
    s = 1.0 / np.sqrt(D)
    W1 = jax.random.normal(k3, (D, D), dtype=jnp.float32) * s
    b1 = jnp.zeros((D,), dtype=jnp.float32)
    W2 = jax.random.normal(k4, (D, D), dtype=jnp.float32) * s
    b2 = jnp.zeros((D,), dtype=jnp.float32)
    return {"x": x, "edge_index": edge_index, "W1": W1, "b1": b1, "W2": W2, "b2": b2}

def reference(x, edge_index, W1, b1, W2, b2):
    # BasicGNN with GCNConv layers: 2 layers, relu between, log_softmax output.
    loop = jnp.arange(N, dtype=edge_index.dtype)
    src = jnp.concatenate([edge_index[0], loop])
    dst = jnp.concatenate([edge_index[1], loop])
    # GCN normalization with self-loops: D^{-1/2} (A+I) D^{-1/2}
    deg = jnp.zeros((N,), dtype=jnp.float32).at[dst].add(1.0)
    dinv = 1.0 / jnp.sqrt(jnp.clip(deg, 1.0))
    norm = dinv[src] * dinv[dst]

    def gcn_layer(h, W, b):
        h = h @ W
        msg = h[src] * norm[:, None]
        out = jax.ops.segment_sum(msg, dst, num_segments=N)
        return out + b

    h = gcn_layer(x, W1, b1)
    h = jax.nn.relu(h)
    # dropout p=0.0 -> no-op
    h = gcn_layer(h, W2, b2)
    return jax.nn.log_softmax(h, axis=1)

if __name__ == "__main__":
    import jax
    _d = setup_inputs()
    print(jax.jit(kernel)(*tuple(_d.values())))

</pallas_src>

<mosaic_0001>
#map = affine_map<(d0, d1) -> (0, 0, 0)>
#map1 = affine_map<(d0, d1) -> (0, 0)>
module attributes {stable_mosaic.version = 14 : i64} {
  func.func @deg_kernel(%arg0: i32, %arg1: i32, %arg2: memref<32x105x96xi32, #tpu.memory_space<hbm>>, %arg3: memref<640x128xf32, #tpu.memory_space<hbm>>, %arg4: memref<2x10240x128xf32, #tpu.memory_space<hbm>>, %arg5: memref<105x96xi32, #tpu.memory_space<vmem>>, %arg6: memref<96x128xf32, #tpu.memory_space<vmem>>, %arg7: memref<10240x128xf32, #tpu.memory_space<vmem_shared>>) attributes {dimension_semantics = [#tpu.dimension_semantics<core_parallel>, #tpu.dimension_semantics<subcore_parallel>], iteration_bounds = array<i64: 2, 16>, scalar_prefetch = 0 : i64, scratch_operands = 3 : i64, tpu.core_type = #tpu.core_type<sc_vector_subcore>, window_params = [{transform_indices = #map}, {transform_indices = #map1}, {transform_indices = #map}]} {
    %mul3A = arith.constant 16 : i32
    %mul3A_0 = arith.muli %arg0, %mul3A : i32
    %add3A = arith.addi %mul3A_0, %arg1 : i32
    "tpu.region"() ({
      %run_scoped3A = tpu.sem_alloc : memref<!tpu.dma_semaphore, #tpu.memory_space<semaphore_mem>>
      %dma_start3A = arith.constant 0 : i32
      %dma_start3A_22 = arith.constant 0 : i32
      %dma_start3A_23 = tpu.memref_slice %arg2[%add3A, %dma_start3A, %dma_start3A_22] : memref<32x105x96xi32, #tpu.memory_space<hbm>> -> memref<1x105x96xi32, #tpu.memory_space<hbm>>
      %dma_start3A_24 = tpu.memref_squeeze %dma_start3A_23 : memref<1x105x96xi32, #tpu.memory_space<hbm>> -> memref<105x96xi32, #tpu.memory_space<hbm>>
      %dma_start3A_25 = arith.constant 0 : i32
      %dma_start3A_26 = arith.constant 0 : i32
      %dma_start3A_27 = tpu.memref_slice %arg2[%add3A, %dma_start3A_25, %dma_start3A_26] : memref<32x105x96xi32, #tpu.memory_space<hbm>> -> memref<1x105x96xi32, #tpu.memory_space<hbm>>
      %dma_start3A_28 = tpu.memref_squeeze %dma_start3A_27 : memref<1x105x96xi32, #tpu.memory_space<hbm>> -> memref<105x96xi32, #tpu.memory_space<hbm>>
      tpu.enqueue_dma source(%dma_start3A_28 : memref<105x96xi32, #tpu.memory_space<hbm>>) target(%arg5 : memref<105x96xi32, #tpu.memory_space<vmem>>) target_semaphore(%run_scoped3A : memref<!tpu.dma_semaphore, #tpu.memory_space<semaphore_mem>>)
      %dma_wait3A = arith.constant 0 : i32
      %dma_wait3A_29 = arith.constant 0 : i32
      %dma_wait3A_30 = tpu.memref_slice %arg2[%add3A, %dma_wait3A, %dma_wait3A_29] : memref<32x105x96xi32, #tpu.memory_space<hbm>> -> memref<1x105x96xi32, #tpu.memory_space<hbm>>
      %dma_wait3A_31 = tpu.memref_squeeze %dma_wait3A_30 : memref<1x105x96xi32, #tpu.memory_space<hbm>> -> memref<105x96xi32, #tpu.memory_space<hbm>>
      %dma_wait3A_32 = arith.constant 0 : i32
      %dma_wait3A_33 = arith.constant 0 : i32
      %dma_wait3A_34 = tpu.memref_slice %arg2[%add3A, %dma_wait3A_32, %dma_wait3A_33] : memref<32x105x96xi32, #tpu.memory_space<hbm>> -> memref<1x105x96xi32, #tpu.memory_space<hbm>>
      %dma_wait3A_35 = tpu.memref_squeeze %dma_wait3A_34 : memref<1x105x96xi32, #tpu.memory_space<hbm>> -> memref<105x96xi32, #tpu.memory_space<hbm>>
      tpu.wait_dma2 semaphore(%run_scoped3A : memref<!tpu.dma_semaphore, #tpu.memory_space<semaphore_mem>>) src(%dma_wait3A_35 : memref<105x96xi32, #tpu.memory_space<hbm>>) dst(%arg5 : memref<105x96xi32, #tpu.memory_space<vmem>>)
      tpu.yield
    }) : () -> ()
    %broadcast_in_dim3A = arith.constant 1.000000e+00 : f32
    %broadcast_in_dim3A_1 = vector.broadcast %broadcast_in_dim3A : f32 to vector<16xf32>
    %scan3A = arith.constant 0 : i32
    %scan3A_2 = arith.constant 0 : i32
    %scan3A_3 = arith.constant 768 : i32
    %scan3A_4 = arith.addi %scan3A_2, %scan3A_3 : i32
    %scan3A_5 = arith.constant 1 : i32
    %scan3A_6 = scf.for %scan3A_22 = %scan3A_2 to %scan3A_4 step %scan3A_5 iter_args(%scan3A_23 = %scan3A) -> (i32)  : i32 {
      %jit3A = arith.constant 8 : i32
      %div3A = arith.divsi %scan3A_22, %jit3A : i32
      %sign3A = arith.constant 0 : i32
      %sign3A_24 = arith.cmpi sgt, %scan3A_22, %sign3A : i32
      %sign3A_25 = arith.extui %sign3A_24 : i1 to i32
      %sign3A_26 = arith.constant 0 : i32
      %sign3A_27 = arith.cmpi slt, %scan3A_22, %sign3A_26 : i32
      %sign3A_28 = arith.extui %sign3A_27 : i1 to i32
      %sign3A_29 = arith.subi %sign3A_25, %sign3A_28 : i32
      %sign3A_30 = arith.constant 0 : i32
      %sign3A_31 = arith.cmpi sgt, %jit3A, %sign3A_30 : i32
      %sign3A_32 = arith.extui %sign3A_31 : i1 to i32
      %sign3A_33 = arith.constant 0 : i32
      %sign3A_34 = arith.cmpi slt, %jit3A, %sign3A_33 : i32
      %sign3A_35 = arith.extui %sign3A_34 : i1 to i32
      %sign3A_36 = arith.subi %sign3A_32, %sign3A_35 : i32
      %ne3A = arith.cmpi ne, %sign3A_29, %sign3A_36 : i32
      %rem3A = arith.remsi %scan3A_22, %jit3A : i32
      %ne3A_37 = arith.constant 0 : i32
      %ne3A_38 = arith.cmpi ne, %rem3A, %ne3A_37 : i32
      %and3A = arith.andi %ne3A, %ne3A_38 : i1
      %sub3A = arith.constant 1 : i32
      %sub3A_39 = arith.subi %div3A, %sub3A : i32
      %select_n3A = arith.select %and3A, %sub3A_39, %div3A : i32
      %mul3A_40 = arith.constant 8 : i32
      %mul3A_41 = arith.muli %select_n3A, %mul3A_40 : i32
      %sub3A_42 = arith.subi %scan3A_22, %mul3A_41 : i32
      %mul3A_43 = arith.constant 16 : i32
      %mul3A_44 = arith.muli %sub3A_42, %mul3A_43 : i32
      %swap3A = arith.index_cast %select_n3A : i32 to index
      %swap3A_45 = arith.index_cast %mul3A_44 : i32 to index
      %swap3A_46 = tpu.vector_load %arg6[%swap3A, %swap3A_45] {strides = array<i32>} : memref<96x128xf32, #tpu.memory_space<vmem>>, vector<1x16xf32>,
      %swap3A_47 = vector.shape_cast %swap3A_46 : vector<1x16xf32> to vector<16xf32>
      %swap3A_48 = vector.shape_cast %broadcast_in_dim3A_1 : vector<16xf32> to vector<1x16xf32>
      tpu.vector_store %arg6[%swap3A, %swap3A_45], %swap3A_48 {strides = array<i32>} : memref<96x128xf32, #tpu.memory_space<vmem>>, vector<1x16xf32>,
      %scan3A_49 = arith.constant 0 : i32
      scf.yield %scan3A_49 : i32
    }
    %scan3A_7 = arith.constant 768 : i32
    %mul3A_8 = arith.constant 640 : i32
    %mul3A_9 = arith.muli %arg1, %mul3A_8 : i32
    "tpu.region"() ({
      %run_scoped3A = tpu.sem_alloc : memref<!tpu.dma_semaphore, #tpu.memory_space<semaphore_mem>>
      %dma_start3A = arith.constant 0 : i32
      %dma_start3A_22 = tpu.memref_slice %arg7[%mul3A_9, %dma_start3A] : memref<10240x128xf32, #tpu.memory_space<vmem_shared>> -> memref<640x128xf32, #tpu.memory_space<vmem_shared>>
      tpu.enqueue_dma source(%arg3 : memref<640x128xf32, #tpu.memory_space<hbm>>) target(%dma_start3A_22 : memref<640x128xf32, #tpu.memory_space<vmem_shared>>) target_semaphore(%run_scoped3A : memref<!tpu.dma_semaphore, #tpu.memory_space<semaphore_mem>>)
      %dma_wait3A = arith.constant 0 : i32
      %dma_wait3A_23 = tpu.memref_slice %arg7[%mul3A_9, %dma_wait3A] : memref<10240x128xf32, #tpu.memory_space<vmem_shared>> -> memref<640x128xf32, #tpu.memory_space<vmem_shared>>
      tpu.wait_dma2 semaphore(%run_scoped3A : memref<!tpu.dma_semaphore, #tpu.memory_space<semaphore_mem>>) src(%arg3 : memref<640x128xf32, #tpu.memory_space<hbm>>) dst(%dma_wait3A_23 : memref<640x128xf32, #tpu.memory_space<vmem_shared>>)
      tpu.yield
    }) : () -> ()
    %barrier3A = arith.constant 0 : index
    tpu.barrier barrier_id(%barrier3A)
    %scan3A_10 = arith.constant 0 : i32
    %scan3A_11 = arith.constant 0 : i32
    %scan3A_12 = arith.constant 105 : i32
    %scan3A_13 = arith.addi %scan3A_11, %scan3A_12 : i32
    %scan3A_14 = arith.constant 1 : i32
    %scan3A_15 = scf.for %scan3A_22 = %scan3A_11 to %scan3A_13 step %scan3A_14 iter_args(%scan3A_23 = %scan3A_10) -> (i32)  : i32 {
      "tpu.region"() ({
        %run_scoped3A = tpu.sem_alloc : memref<!tpu.dma_semaphore, #tpu.memory_space<semaphore_mem>>
        %dma_start3A = arith.constant 0 : i32
        %dma_start3A_25 = tpu.memref_slice %arg5[%scan3A_22, %dma_start3A] : memref<105x96xi32, #tpu.memory_space<vmem>> -> memref<1x96xi32, #tpu.memory_space<vmem>>
        %dma_start3A_26 = tpu.memref_squeeze %dma_start3A_25 : memref<1x96xi32, #tpu.memory_space<vmem>> -> memref<96xi32, #tpu.memory_space<vmem>>
        %dma_start3A_27 = arith.constant 0 : i32
        %dma_start3A_28 = arith.constant 0 : i32
        %dma_start3A_29 = tpu.memref_slice %arg7[%dma_start3A_27, %dma_start3A_28] : memref<10240x128xf32, #tpu.memory_space<vmem_shared>> -> memref<10240x128xf32, #tpu.memory_space<vmem_shared>>
        tpu.enqueue_indirect_dma source(%arg6 : memref<96x128xf32, #tpu.memory_space<vmem>>) target(%dma_start3A_29 : memref<10240x128xf32, #tpu.memory_space<vmem_shared>>) offsets(%dma_start3A_26 : memref<96xi32, #tpu.memory_space<vmem>>) semaphore(%run_scoped3A : memref<!tpu.dma_semaphore, #tpu.memory_space<semaphore_mem>>) {add = true}
        %dma_wait3A = arith.constant 0 : i32
        %dma_wait3A_30 = tpu.memref_slice %arg5[%scan3A_22, %dma_wait3A] : memref<105x96xi32, #tpu.memory_space<vmem>> -> memref<1x96xi32, #tpu.memory_space<vmem>>
        %dma_wait3A_31 = tpu.memref_squeeze %dma_wait3A_30 : memref<1x96xi32, #tpu.memory_space<vmem>> -> memref<96xi32, #tpu.memory_space<vmem>>
        %dma_wait3A_32 = arith.constant 0 : i32
        %dma_wait3A_33 = arith.constant 0 : i32
        %dma_wait3A_34 = tpu.memref_slice %arg7[%dma_wait3A_32, %dma_wait3A_33] : memref<10240x128xf32, #tpu.memory_space<vmem_shared>> -> memref<10240x128xf32, #tpu.memory_space<vmem_shared>>
        tpu.wait_indirect_dma semaphore(%run_scoped3A : memref<!tpu.dma_semaphore, #tpu.memory_space<semaphore_mem>>) src(%arg6 : memref<96x128xf32, #tpu.memory_space<vmem>>) dst(%dma_wait3A_34 : memref<10240x128xf32, #tpu.memory_space<vmem_shared>>)
        tpu.yield
      }) : () -> ()
      %scan3A_24 = arith.constant 0 : i32
      scf.yield %scan3A_24 : i32
    }
    %scan3A_16 = arith.constant 105 : i32
    %barrier3A_17 = arith.constant 0 : index
    tpu.barrier barrier_id(%barrier3A_17)
    %mul3A_18 = arith.constant 640 : i32
    %mul3A_19 = arith.muli %arg1, %mul3A_18 : i32
    %mul3A_20 = arith.constant 640 : i32
    %mul3A_21 = arith.muli %arg1, %mul3A_20 : i32
    "tpu.region"() ({
      %run_scoped3A = tpu.sem_alloc : memref<!tpu.dma_semaphore, #tpu.memory_space<semaphore_mem>>
      %dma_start3A = arith.constant 0 : i32
      %dma_start3A_22 = tpu.memref_slice %arg4[%arg0, %mul3A_21, %dma_start3A] : memref<2x10240x128xf32, #tpu.memory_space<hbm>> -> memref<1x640x128xf32, #tpu.memory_space<hbm>>
      %dma_start3A_23 = tpu.memref_squeeze %dma_start3A_22 : memref<1x640x128xf32, #tpu.memory_space<hbm>> -> memref<640x128xf32, #tpu.memory_space<hbm>>
      %dma_start3A_24 = arith.constant 0 : i32
      %dma_start3A_25 = tpu.memref_slice %arg7[%mul3A_19, %dma_start3A_24] : memref<10240x128xf32, #tpu.memory_space<vmem_shared>> -> memref<640x128xf32, #tpu.memory_space<vmem_shared>>
      tpu.enqueue_dma source(%dma_start3A_25 : memref<640x128xf32, #tpu.memory_space<vmem_shared>>) target(%dma_start3A_23 : memref<640x128xf32, #tpu.memory_space<hbm>>) target_semaphore(%run_scoped3A : memref<!tpu.dma_semaphore, #tpu.memory_space<semaphore_mem>>)
      %dma_wait3A = arith.constant 0 : i32
      %dma_wait3A_26 = tpu.memref_slice %arg4[%arg0, %mul3A_21, %dma_wait3A] : memref<2x10240x128xf32, #tpu.memory_space<hbm>> -> memref<1x640x128xf32, #tpu.memory_space<hbm>>
      %dma_wait3A_27 = tpu.memref_squeeze %dma_wait3A_26 : memref<1x640x128xf32, #tpu.memory_space<hbm>> -> memref<640x128xf32, #tpu.memory_space<hbm>>
      %dma_wait3A_28 = arith.constant 0 : i32
      %dma_wait3A_29 = tpu.memref_slice %arg7[%mul3A_19, %dma_wait3A_28] : memref<10240x128xf32, #tpu.memory_space<vmem_shared>> -> memref<640x128xf32, #tpu.memory_space<vmem_shared>>
      tpu.wait_dma2 semaphore(%run_scoped3A : memref<!tpu.dma_semaphore, #tpu.memory_space<semaphore_mem>>) src(%dma_wait3A_29 : memref<640x128xf32, #tpu.memory_space<vmem_shared>>) dst(%dma_wait3A_27 : memref<640x128xf32, #tpu.memory_space<hbm>>)
      tpu.yield
    }) : () -> ()
    return
  }
}

#map = affine_map<(d0, d1) -> (0, 0)>
#map1 = affine_map<(d0, d1) -> (0, 0, 0)>
module attributes {stable_mosaic.version = 14 : i64} {
  func.func @scat_kernel(%arg0: i32, %arg1: i32, %arg2: memref<10000x128xf32, #tpu.memory_space<hbm>>, %arg3: memref<3360x2x96xi32, #tpu.memory_space<hbm>>, %arg4: memref<640x128xf32, #tpu.memory_space<hbm>>, %arg5: memref<2x10240x128xf32, #tpu.memory_space<hbm>>, %arg6: memref<2x96xi32, #tpu.memory_space<vmem>>, %arg7: memref<2x96xi32, #tpu.memory_space<vmem>>, %arg8: memref<2x96xi32, #tpu.memory_space<vmem>>, %arg9: memref<96x128xf32, #tpu.memory_space<vmem>>, %arg10: memref<96x128xf32, #tpu.memory_space<vmem>>, %arg11: memref<96x128xf32, #tpu.memory_space<vmem>>, %arg12: memref<10240x128xf32, #tpu.memory_space<vmem_shared>>, %arg13: memref<!tpu.dma_semaphore, #tpu.memory_space<semaphore_mem>>, %arg14: memref<!tpu.dma_semaphore, #tpu.memory_space<semaphore_mem>>, %arg15: memref<!tpu.dma_semaphore, #tpu.memory_space<semaphore_mem>>, %arg16: memref<!tpu.dma_semaphore, #tpu.memory_space<semaphore_mem>>, %arg17: memref<!tpu.dma_semaphore, #tpu.memory_space<semaphore_mem>>, %arg18: memref<!tpu.dma_semaphore, #tpu.memory_space<semaphore_mem>>) attributes {dimension_semantics = [#tpu.dimension_semantics<core_parallel>, #tpu.dimension_semantics<subcore_parallel>], iteration_bounds = array<i64: 2, 16>, scalar_prefetch = 0 : i64, scratch_operands = 13 : i64, tpu.core_type = #tpu.core_type<sc_vector_subcore>, window_params = [{transform_indices = #map}, {transform_indices = #map1}, {transform_indices = #map}, {transform_indices = #map1}]} {
    %eq3A = arith.constant 0 : i32
    %eq3A_0 = arith.cmpi eq, %arg0, %eq3A : i32
    %mul3A = arith.constant 164 : i32
    %mul3A_1 = arith.muli %arg1, %mul3A : i32
    %mul3A_2 = arith.constant 46 : i32
    %mul3A_3 = arith.muli %arg1, %mul3A_2 : i32
    %add3A = arith.constant 2624 : i32
    %add3A_4 = arith.addi %add3A, %mul3A_3 : i32
    %select_n3A = arith.select %eq3A_0, %mul3A_1, %add3A_4 : i32
    %eq3A_5 = arith.constant 0 : i32
    %eq3A_6 = arith.cmpi eq, %arg0, %eq3A_5 : i32
    %jit3A = arith.constant 164 : i32
    %jit3A_7 = arith.constant 46 : i32
    %select_n3A_8 = arith.select %eq3A_6, %jit3A, %jit3A_7 : i32
    %mul3A_9 = arith.constant 640 : i32
    %mul3A_10 = arith.muli %arg1, %mul3A_9 : i32
    "tpu.region"() ({
      %run_scoped3A = tpu.sem_alloc : memref<!tpu.dma_semaphore, #tpu.memory_space<semaphore_mem>>
      %dma_start3A_71 = arith.constant 0 : i32
      %dma_start3A_72 = tpu.memref_slice %arg12[%mul3A_10, %dma_start3A_71] : memref<10240x128xf32, #tpu.memory_space<vmem_shared>> -> memref<640x128xf32, #tpu.memory_space<vmem_shared>>
      tpu.enqueue_dma source(%arg4 : memref<640x128xf32, #tpu.memory_space<hbm>>) target(%dma_start3A_72 : memref<640x128xf32, #tpu.memory_space<vmem_shared>>) target_semaphore(%run_scoped3A : memref<!tpu.dma_semaphore, #tpu.memory_space<semaphore_mem>>)
      %dma_wait3A = arith.constant 0 : i32
      %dma_wait3A_73 = tpu.memref_slice %arg12[%mul3A_10, %dma_wait3A] : memref<10240x128xf32, #tpu.memory_space<vmem_shared>> -> memref<640x128xf32, #tpu.memory_space<vmem_shared>>
      tpu.wait_dma2 semaphore(%run_scoped3A : memref<!tpu.dma_semaphore, #tpu.memory_space<semaphore_mem>>) src(%arg4 : memref<640x128xf32, #tpu.memory_space<hbm>>) dst(%dma_wait3A_73 : memref<640x128xf32, #tpu.memory_space<vmem_shared>>)
      tpu.yield
    }) : () -> ()
    %barrier3A = arith.constant 0 : index
    tpu.barrier barrier_id(%barrier3A)
    "tpu.region"() ({
      %run_scoped3A = tpu.sem_alloc : memref<!tpu.dma_semaphore, #tpu.memory_space<semaphore_mem>>
      %dma_start3A_71 = arith.constant 0 : i32
      %dma_start3A_72 = arith.constant 0 : i32
      %dma_start3A_73 = tpu.memref_slice %arg3[%select_n3A, %dma_start3A_71, %dma_start3A_72] : memref<3360x2x96xi32, #tpu.memory_space<hbm>> -> memref<1x2x96xi32, #tpu.memory_space<hbm>>
      %dma_start3A_74 = tpu.memref_squeeze %dma_start3A_73 : memref<1x2x96xi32, #tpu.memory_space<hbm>> -> memref<2x96xi32, #tpu.memory_space<hbm>>
      %dma_start3A_75 = arith.constant 0 : i32
      %dma_start3A_76 = arith.constant 0 : i32
      %dma_start3A_77 = tpu.memref_slice %arg3[%select_n3A, %dma_start3A_75, %dma_start3A_76] : memref<3360x2x96xi32, #tpu.memory_space<hbm>> -> memref<1x2x96xi32, #tpu.memory_space<hbm>>
      %dma_start3A_78 = tpu.memref_squeeze %dma_start3A_77 : memref<1x2x96xi32, #tpu.memory_space<hbm>> -> memref<2x96xi32, #tpu.memory_space<hbm>>
      tpu.enqueue_dma source(%dma_start3A_78 : memref<2x96xi32, #tpu.memory_space<hbm>>) target(%arg6 : memref<2x96xi32, #tpu.memory_space<vmem>>) target_semaphore(%run_scoped3A : memref<!tpu.dma_semaphore, #tpu.memory_space<semaphore_mem>>)
      %dma_wait3A = arith.constant 0 : i32
      %dma_wait3A_79 = arith.constant 0 : i32
      %dma_wait3A_80 = tpu.memref_slice %arg3[%select_n3A, %dma_wait3A, %dma_wait3A_79] : memref<3360x2x96xi32, #tpu.memory_space<hbm>> -> memref<1x2x96xi32, #tpu.memory_space<hbm>>
      %dma_wait3A_81 = tpu.memref_squeeze %dma_wait3A_80 : memref<1x2x96xi32, #tpu.memory_space<hbm>> -> memref<2x96xi32, #tpu.memory_space<hbm>>
      %dma_wait3A_82 = arith.constant 0 : i32
      %dma_wait3A_83 = arith.constant 0 : i32
      %dma_wait3A_84 = tpu.memref_slice %arg3[%select_n3A, %dma_wait3A_82, %dma_wait3A_83] : memref<3360x2x96xi32, #tpu.memory_space<hbm>> -> memref<1x2x96xi32, #tpu.memory_space<hbm>>
      %dma_wait3A_85 = tpu.memref_squeeze %dma_wait3A_84 : memref<1x2x96xi32, #tpu.memory_space<hbm>> -> memref<2x96xi32, #tpu.memory_space<hbm>>
      tpu.wait_dma2 semaphore(%run_scoped3A : memref<!tpu.dma_semaphore, #tpu.memory_space<semaphore_mem>>) src(%dma_wait3A_85 : memref<2x96xi32, #tpu.memory_space<hbm>>) dst(%arg6 : memref<2x96xi32, #tpu.memory_space<vmem>>)
      tpu.yield
    }) : () -> ()
    %add3A_11 = arith.constant 1 : i32
    %add3A_12 = arith.addi %select_n3A, %add3A_11 : i32
    "tpu.region"() ({
      %run_scoped3A = tpu.sem_alloc : memref<!tpu.dma_semaphore, #tpu.memory_space<semaphore_mem>>
      %dma_start3A_71 = arith.constant 0 : i32
      %dma_start3A_72 = arith.constant 0 : i32
      %dma_start3A_73 = tpu.memref_slice %arg3[%add3A_12, %dma_start3A_71, %dma_start3A_72] : memref<3360x2x96xi32, #tpu.memory_space<hbm>> -> memref<1x2x96xi32, #tpu.memory_space<hbm>>
      %dma_start3A_74 = tpu.memref_squeeze %dma_start3A_73 : memref<1x2x96xi32, #tpu.memory_space<hbm>> -> memref<2x96xi32, #tpu.memory_space<hbm>>
      %dma_start3A_75 = arith.constant 0 : i32
      %dma_start3A_76 = arith.constant 0 : i32
      %dma_start3A_77 = tpu.memref_slice %arg3[%add3A_12, %dma_start3A_75, %dma_start3A_76] : memref<3360x2x96xi32, #tpu.memory_space<hbm>> -> memref<1x2x96xi32, #tpu.memory_space<hbm>>
      %dma_start3A_78 = tpu.memref_squeeze %dma_start3A_77 : memref<1x2x96xi32, #tpu.memory_space<hbm>> -> memref<2x96xi32, #tpu.memory_space<hbm>>
      tpu.enqueue_dma source(%dma_start3A_78 : memref<2x96xi32, #tpu.memory_space<hbm>>) target(%arg7 : memref<2x96xi32, #tpu.memory_space<vmem>>) target_semaphore(%run_scoped3A : memref<!tpu.dma_semaphore, #tpu.memory_space<semaphore_mem>>)
      %dma_wait3A = arith.constant 0 : i32
      %dma_wait3A_79 = arith.constant 0 : i32
      %dma_wait3A_80 = tpu.memref_slice %arg3[%add3A_12, %dma_wait3A, %dma_wait3A_79] : memref<3360x2x96xi32, #tpu.memory_space<hbm>> -> memref<1x2x96xi32, #tpu.memory_space<hbm>>
      %dma_wait3A_81 = tpu.memref_squeeze %dma_wait3A_80 : memref<1x2x96xi32, #tpu.memory_space<hbm>> -> memref<2x96xi32, #tpu.memory_space<hbm>>
      %dma_wait3A_82 = arith.constant 0 : i32
      %dma_wait3A_83 = arith.constant 0 : i32
      %dma_wait3A_84 = tpu.memref_slice %arg3[%add3A_12, %dma_wait3A_82, %dma_wait3A_83] : memref<3360x2x96xi32, #tpu.memory_space<hbm>> -> memref<1x2x96xi32, #tpu.memory_space<hbm>>
      %dma_wait3A_85 = tpu.memref_squeeze %dma_wait3A_84 : memref<1x2x96xi32, #tpu.memory_space<hbm>> -> memref<2x96xi32, #tpu.memory_space<hbm>>
      tpu.wait_dma2 semaphore(%run_scoped3A : memref<!tpu.dma_semaphore, #tpu.memory_space<semaphore_mem>>) src(%dma_wait3A_85 : memref<2x96xi32, #tpu.memory_space<hbm>>) dst(%arg7 : memref<2x96xi32, #tpu.memory_space<vmem>>)
      tpu.yield
    }) : () -> ()
    %add3A_13 = arith.constant 2 : i32
    %add3A_14 = arith.addi %select_n3A, %add3A_13 : i32
    "tpu.region"() ({
      %run_scoped3A = tpu.sem_alloc : memref<!tpu.dma_semaphore, #tpu.memory_space<semaphore_mem>>
      %dma_start3A_71 = arith.constant 0 : i32
      %dma_start3A_72 = arith.constant 0 : i32
      %dma_start3A_73 = tpu.memref_slice %arg3[%add3A_14, %dma_start3A_71, %dma_start3A_72] : memref<3360x2x96xi32, #tpu.memory_space<hbm>> -> memref<1x2x96xi32, #tpu.memory_space<hbm>>
      %dma_start3A_74 = tpu.memref_squeeze %dma_start3A_73 : memref<1x2x96xi32, #tpu.memory_space<hbm>> -> memref<2x96xi32, #tpu.memory_space<hbm>>
      %dma_start3A_75 = arith.constant 0 : i32
      %dma_start3A_76 = arith.constant 0 : i32
      %dma_start3A_77 = tpu.memref_slice %arg3[%add3A_14, %dma_start3A_75, %dma_start3A_76] : memref<3360x2x96xi32, #tpu.memory_space<hbm>> -> memref<1x2x96xi32, #tpu.memory_space<hbm>>
      %dma_start3A_78 = tpu.memref_squeeze %dma_start3A_77 : memref<1x2x96xi32, #tpu.memory_space<hbm>> -> memref<2x96xi32, #tpu.memory_space<hbm>>
      tpu.enqueue_dma source(%dma_start3A_78 : memref<2x96xi32, #tpu.memory_space<hbm>>) target(%arg8 : memref<2x96xi32, #tpu.memory_space<vmem>>) target_semaphore(%run_scoped3A : memref<!tpu.dma_semaphore, #tpu.memory_space<semaphore_mem>>)
      %dma_wait3A = arith.constant 0 : i32
      %dma_wait3A_79 = arith.constant 0 : i32
      %dma_wait3A_80 = tpu.memref_slice %arg3[%add3A_14, %dma_wait3A, %dma_wait3A_79] : memref<3360x2x96xi32, #tpu.memory_space<hbm>> -> memref<1x2x96xi32, #tpu.memory_space<hbm>>
      %dma_wait3A_81 = tpu.memref_squeeze %dma_wait3A_80 : memref<1x2x96xi32, #tpu.memory_space<hbm>> -> memref<2x96xi32, #tpu.memory_space<hbm>>
      %dma_wait3A_82 = arith.constant 0 : i32
      %dma_wait3A_83 = arith.constant 0 : i32
      %dma_wait3A_84 = tpu.memref_slice %arg3[%add3A_14, %dma_wait3A_82, %dma_wait3A_83] : memref<3360x2x96xi32, #tpu.memory_space<hbm>> -> memref<1x2x96xi32, #tpu.memory_space<hbm>>
      %dma_wait3A_85 = tpu.memref_squeeze %dma_wait3A_84 : memref<1x2x96xi32, #tpu.memory_space<hbm>> -> memref<2x96xi32, #tpu.memory_space<hbm>>
      tpu.wait_dma2 semaphore(%run_scoped3A : memref<!tpu.dma_semaphore, #tpu.memory_space<semaphore_mem>>) src(%dma_wait3A_85 : memref<2x96xi32, #tpu.memory_space<hbm>>) dst(%arg8 : memref<2x96xi32, #tpu.memory_space<vmem>>)
      tpu.yield
    }) : () -> ()
    %dma_start3A = arith.constant 0 : i32
    %dma_start3A_15 = arith.constant 0 : i32
    %dma_start3A_16 = tpu.memref_slice %arg6[%dma_start3A, %dma_start3A_15] : memref<2x96xi32, #tpu.memory_space<vmem>> -> memref<1x96xi32, #tpu.memory_space<vmem>>
    %dma_start3A_17 = tpu.memref_squeeze %dma_start3A_16 : memref<1x96xi32, #tpu.memory_space<vmem>> -> memref<96xi32, #tpu.memory_space<vmem>>
    %dma_start3A_18 = arith.constant 0 : i32
    %dma_start3A_19 = arith.constant 0 : i32
    %dma_start3A_20 = tpu.memref_slice %arg2[%dma_start3A_18, %dma_start3A_19] : memref<10000x128xf32, #tpu.memory_space<hbm>> -> memref<10000x128xf32, #tpu.memory_space<hbm>>
    tpu.enqueue_indirect_dma source(%dma_start3A_20 : memref<10000x128xf32, #tpu.memory_space<hbm>>) target(%arg9 : memref<96x128xf32, #tpu.memory_space<vmem>>) offsets(%dma_start3A_17 : memref<96xi32, #tpu.memory_space<vmem>>) semaphore(%arg13 : memref<!tpu.dma_semaphore, #tpu.memory_space<semaphore_mem>>)
    %dma_start3A_21 = arith.constant 0 : i32
    %dma_start3A_22 = arith.constant 0 : i32
    %dma_start3A_23 = tpu.memref_slice %arg7[%dma_start3A_21, %dma_start3A_22] : memref<2x96xi32, #tpu.memory_space<vmem>> -> memref<1x96xi32, #tpu.memory_space<vmem>>
    %dma_start3A_24 = tpu.memref_squeeze %dma_start3A_23 : memref<1x96xi32, #tpu.memory_space<vmem>> -> memref<96xi32, #tpu.memory_space<vmem>>
    %dma_start3A_25 = arith.constant 0 : i32
    %dma_start3A_26 = arith.constant 0 : i32
    %dma_start3A_27 = tpu.memref_slice %arg2[%dma_start3A_25, %dma_start3A_26] : memref<10000x128xf32, #tpu.memory_space<hbm>> -> memref<10000x128xf32, #tpu.memory_space<hbm>>
    tpu.enqueue_indirect_dma source(%dma_start3A_27 : memref<10000x128xf32, #tpu.memory_space<hbm>>) target(%arg10 : memref<96x128xf32, #tpu.memory_space<vmem>>) offsets(%dma_start3A_24 : memref<96xi32, #tpu.memory_space<vmem>>) semaphore(%arg14 : memref<!tpu.dma_semaphore, #tpu.memory_space<semaphore_mem>>)
    %dma_start3A_28 = arith.constant 0 : i32
    %dma_start3A_29 = arith.constant 0 : i32
    %dma_start3A_30 = tpu.memref_slice %arg8[%dma_start3A_28, %dma_start3A_29] : memref<2x96xi32, #tpu.memory_space<vmem>> -> memref<1x96xi32, #tpu.memory_space<vmem>>
    %dma_start3A_31 = tpu.memref_squeeze %dma_start3A_30 : memref<1x96xi32, #tpu.memory_space<vmem>> -> memref<96xi32, #tpu.memory_space<vmem>>
    %dma_start3A_32 = arith.constant 0 : i32
    %dma_start3A_33 = arith.constant 0 : i32
    %dma_start3A_34 = tpu.memref_slice %arg2[%dma_start3A_32, %dma_start3A_33] : memref<10000x128xf32, #tpu.memory_space<hbm>> -> memref<10000x128xf32, #tpu.memory_space<hbm>>
    tpu.enqueue_indirect_dma source(%dma_start3A_34 : memref<10000x128xf32, #tpu.memory_space<hbm>>) target(%arg11 : memref<96x128xf32, #tpu.memory_space<vmem>>) offsets(%dma_start3A_31 : memref<96xi32, #tpu.memory_space<vmem>>) semaphore(%arg15 : memref<!tpu.dma_semaphore, #tpu.memory_space<semaphore_mem>>)
    %add3A_35 = arith.constant 2 : i32
    %add3A_36 = arith.addi %select_n3A_8, %add3A_35 : i32
    %jit3A_37 = arith.constant 3 : i32
    %div3A = arith.divsi %add3A_36, %jit3A_37 : i32
    %sign3A = arith.constant 0 : i32
    %sign3A_38 = arith.cmpi sgt, %add3A_36, %sign3A : i32
    %sign3A_39 = arith.extui %sign3A_38 : i1 to i32
    %sign3A_40 = arith.constant 0 : i32
    %sign3A_41 = arith.cmpi slt, %add3A_36, %sign3A_40 : i32
    %sign3A_42 = arith.extui %sign3A_41 : i1 to i32
    %sign3A_43 = arith.subi %sign3A_39, %sign3A_42 : i32
    %sign3A_44 = arith.constant 0 : i32
    %sign3A_45 = arith.cmpi sgt, %jit3A_37, %sign3A_44 : i32
    %sign3A_46 = arith.extui %sign3A_45 : i1 to i32
    %sign3A_47 = arith.constant 0 : i32
    %sign3A_48 = arith.cmpi slt, %jit3A_37, %sign3A_47 : i32
    %sign3A_49 = arith.extui %sign3A_48 : i1 to i32
    %sign3A_50 = arith.subi %sign3A_46, %sign3A_49 : i32
    %ne3A = arith.cmpi ne, %sign3A_43, %sign3A_50 : i32
    %rem3A = arith.remsi %add3A_36, %jit3A_37 : i32
    %ne3A_51 = arith.constant 0 : i32
    %ne3A_52 = arith.cmpi ne, %rem3A, %ne3A_51 : i32
    %and3A = arith.andi %ne3A, %ne3A_52 : i1
    %sub3A = arith.constant 1 : i32
    %sub3A_53 = arith.subi %div3A, %sub3A : i32
    %select_n3A_54 = arith.select %and3A, %sub3A_53, %div3A : i32
    %while3A = arith.constant 0 : i32
    %while3A_55 = arith.constant 0 : i32
    %while3A_56 = arith.subi %select_n3A_54, %while3A : i32
    %while3A_57 = arith.addi %while3A, %while3A_56 : i32
    %while3A_58 = arith.constant 1 : i32
    %while3A_59 = arith.divsi %while3A_56, %while3A_58 : i32
    %while3A_60 = arith.muli %while3A_59, %while3A_58 : i32
    %while3A_61 = arith.addi %while3A, %while3A_60 : i32
    %while3A_62 = arith.constant 1 : i32
    %while3A_63 = scf.for %while3A_71 = %while3A to %while3A_61 step %while3A_62 iter_args(%while3A_72 = %while3A_55) -> (i32)  : i32 {
      %mul3A_73 = arith.constant 3 : i32
      %mul3A_74 = arith.muli %mul3A_73, %while3A_71 : i32
      %dma_wait3A = arith.constant 0 : i32
      %dma_wait3A_75 = arith.constant 0 : i32
      %dma_wait3A_76 = tpu.memref_slice %arg6[%dma_wait3A, %dma_wait3A_75] : memref<2x96xi32, #tpu.memory_space<vmem>> -> memref<1x96xi32, #tpu.memory_space<vmem>>
      %dma_wait3A_77 = tpu.memref_squeeze %dma_wait3A_76 : memref<1x96xi32, #tpu.memory_space<vmem>> -> memref<96xi32, #tpu.memory_space<vmem>>
      %dma_wait3A_78 = arith.constant 0 : i32
      %dma_wait3A_79 = arith.constant 0 : i32
      %dma_wait3A_80 = tpu.memref_slice %arg2[%dma_wait3A_78, %dma_wait3A_79] : memref<10000x128xf32, #tpu.memory_space<hbm>> -> memref<10000x128xf32, #tpu.memory_space<hbm>>
      tpu.wait_indirect_dma semaphore(%arg13 : memref<!tpu.dma_semaphore, #tpu.memory_space<semaphore_mem>>) src(%dma_wait3A_80 : memref<10000x128xf32, #tpu.memory_space<hbm>>) dst(%arg9 : memref<96x128xf32, #tpu.memory_space<vmem>>)
      %run_scoped3A = arith.constant 1 : i32
      "tpu.region"() ({
        %run_scoped3A_121 = tpu.sem_alloc : memref<!tpu.dma_semaphore, #tpu.memory_space<semaphore_mem>>
        %dma_start3A_122 = arith.constant 0 : i32
        %dma_start3A_123 = tpu.memref_slice %arg6[%run_scoped3A, %dma_start3A_122] : memref<2x96xi32, #tpu.memory_space<vmem>> -> memref<1x96xi32, #tpu.memory_space<vmem>>
        %dma_start3A_124 = tpu.memref_squeeze %dma_start3A_123 : memref<1x96xi32, #tpu.memory_space<vmem>> -> memref<96xi32, #tpu.memory_space<vmem>>
        %dma_start3A_125 = arith.constant 0 : i32
        %dma_start3A_126 = arith.constant 0 : i32
        %dma_start3A_127 = tpu.memref_slice %arg12[%dma_start3A_125, %dma_start3A_126] : memref<10240x128xf32, #tpu.memory_space<vmem_shared>> -> memref<10240x128xf32, #tpu.memory_space<vmem_shared>>
        tpu.enqueue_indirect_dma source(%arg9 : memref<96x128xf32, #tpu.memory_space<vmem>>) target(%dma_start3A_127 : memref<10240x128xf32, #tpu.memory_space<vmem_shared>>) offsets(%dma_start3A_124 : memref<96xi32, #tpu.memory_space<vmem>>) semaphore(%run_scoped3A_121 : memref<!tpu.dma_semaphore, #tpu.memory_space<semaphore_mem>>) {add = true}
        %dma_wait3A_128 = arith.constant 0 : i32
        %dma_wait3A_129 = tpu.memref_slice %arg6[%run_scoped3A, %dma_wait3A_128] : memref<2x96xi32, #tpu.memory_space<vmem>> -> memref<1x96xi32, #tpu.memory_space<vmem>>
        %dma_wait3A_130 = tpu.memref_squeeze %dma_wait3A_129 : memref<1x96xi32, #tpu.memory_space<vmem>> -> memref<96xi32, #tpu.memory_space<vmem>>
        %dma_wait3A_131 = arith.constant 0 : i32
        %dma_wait3A_132 = arith.constant 0 : i32
        %dma_wait3A_133 = tpu.memref_slice %arg12[%dma_wait3A_131, %dma_wait3A_132] : memref<10240x128xf32, #tpu.memory_space<vmem_shared>> -> memref<10240x128xf32, #tpu.memory_space<vmem_shared>>
        tpu.wait_indirect_dma semaphore(%run_scoped3A_121 : memref<!tpu.dma_semaphore, #tpu.memory_space<semaphore_mem>>) src(%arg9 : memref<96x128xf32, #tpu.memory_space<vmem>>) dst(%dma_wait3A_133 : memref<10240x128xf32, #tpu.memory_space<vmem_shared>>)
        tpu.yield
      }) : () -> ()
      %add3A_81 = arith.constant 3 : i32
      %add3A_82 = arith.addi %mul3A_74, %add3A_81 : i32
      %lt3A = arith.cmpi slt, %add3A_82, %select_n3A_8 : i32
      %convert_element_type3A = arith.extui %lt3A : i1 to i32
      %cond3A = arith.constant 0 : i32
      %cond3A_83 = arith.cmpi ne, %convert_element_type3A, %cond3A : i32
      scf.if %cond3A_83 {
        %add3A_121 = arith.addi %select_n3A, %mul3A_74 : i32
        %add3A_122 = arith.constant 3 : i32
        %add3A_123 = arith.addi %add3A_121, %add3A_122 : i32
        %dma_start3A_124 = arith.constant 0 : i32
        %dma_start3A_125 = arith.constant 0 : i32
        %dma_start3A_126 = tpu.memref_slice %arg3[%add3A_123, %dma_start3A_124, %dma_start3A_125] : memref<3360x2x96xi32, #tpu.memory_space<hbm>> -> memref<1x2x96xi32, #tpu.memory_space<hbm>>
        %dma_start3A_127 = tpu.memref_squeeze %dma_start3A_126 : memref<1x2x96xi32, #tpu.memory_space<hbm>> -> memref<2x96xi32, #tpu.memory_space<hbm>>
        %dma_start3A_128 = arith.constant 0 : i32
        %dma_start3A_129 = arith.constant 0 : i32
        %dma_start3A_130 = tpu.memref_slice %arg3[%add3A_123, %dma_start3A_128, %dma_start3A_129] : memref<3360x2x96xi32, #tpu.memory_space<hbm>> -> memref<1x2x96xi32, #tpu.memory_space<hbm>>
        %dma_start3A_131 = tpu.memref_squeeze %dma_start3A_130 : memref<1x2x96xi32, #tpu.memory_space<hbm>> -> memref<2x96xi32, #tpu.memory_space<hbm>>
        tpu.enqueue_dma source(%dma_start3A_131 : memref<2x96xi32, #tpu.memory_space<hbm>>) target(%arg6 : memref<2x96xi32, #tpu.memory_space<vmem>>) target_semaphore(%arg16 : memref<!tpu.dma_semaphore, #tpu.memory_space<semaphore_mem>>)
      } else {
      }
      %add3A_84 = arith.constant 1 : i32
      %add3A_85 = arith.addi %mul3A_74, %add3A_84 : i32
      %lt3A_86 = arith.cmpi slt, %add3A_85, %select_n3A_8 : i32
      %convert_element_type3A_87 = arith.extui %lt3A_86 : i1 to i32
      %cond3A_88 = arith.constant 0 : i32
      %cond3A_89 = arith.cmpi ne, %convert_element_type3A_87, %cond3A_88 : i32
      scf.if %cond3A_89 {
        %dma_wait3A_121 = arith.constant 0 : i32
        %dma_wait3A_122 = arith.constant 0 : i32
        %dma_wait3A_123 = tpu.memref_slice %arg7[%dma_wait3A_121, %dma_wait3A_122] : memref<2x96xi32, #tpu.memory_space<vmem>> -> memref<1x96xi32, #tpu.memory_space<vmem>>
        %dma_wait3A_124 = tpu.memref_squeeze %dma_wait3A_123 : memref<1x96xi32, #tpu.memory_space<vmem>> -> memref<96xi32, #tpu.memory_space<vmem>>
        %dma_wait3A_125 = arith.constant 0 : i32
        %dma_wait3A_126 = arith.constant 0 : i32
        %dma_wait3A_127 = tpu.memref_slice %arg2[%dma_wait3A_125, %dma_wait3A_126] : memref<10000x128xf32, #tpu.memory_space<hbm>> -> memref<10000x128xf32, #tpu.memory_space<hbm>>
        tpu.wait_indirect_dma semaphore(%arg14 : memref<!tpu.dma_semaphore, #tpu.memory_space<semaphore_mem>>) src(%dma_wait3A_127 : memref<10000x128xf32, #tpu.memory_space<hbm>>) dst(%arg10 : memref<96x128xf32, #tpu.memory_space<vmem>>)
        %run_scoped3A_128 = arith.constant 1 : i32
        "tpu.region"() ({
          %run_scoped3A_129 = tpu.sem_alloc : memref<!tpu.dma_semaphore, #tpu.memory_space<semaphore_mem>>
          %dma_start3A_130 = arith.constant 0 : i32
          %dma_start3A_131 = tpu.memref_slice %arg7[%run_scoped3A_128, %dma_start3A_130] : memref<2x96xi32, #tpu.memory_space<vmem>> -> memref<1x96xi32, #tpu.memory_space<vmem>>
          %dma_start3A_132 = tpu.memref_squeeze %dma_start3A_131 : memref<1x96xi32, #tpu.memory_space<vmem>> -> memref<96xi32, #tpu.memory_space<vmem>>
          %dma_start3A_133 = arith.constant 0 : i32
          %dma_start3A_134 = arith.constant 0 : i32
          %dma_start3A_135 = tpu.memref_slice %arg12[%dma_start3A_133, %dma_start3A_134] : memref<10240x128xf32, #tpu.memory_space<vmem_shared>> -> memref<10240x128xf32, #tpu.memory_space<vmem_shared>>
          tpu.enqueue_indirect_dma source(%arg10 : memref<96x128xf32, #tpu.memory_space<vmem>>) target(%dma_start3A_135 : memref<10240x128xf32, #tpu.memory_space<vmem_shared>>) offsets(%dma_start3A_132 : memref<96xi32, #tpu.memory_space<vmem>>) semaphore(%run_scoped3A_129 : memref<!tpu.dma_semaphore, #tpu.memory_space<semaphore_mem>>) {add = true}
          %dma_wait3A_136 = arith.constant 0 : i32
          %dma_wait3A_137 = tpu.memref_slice %arg7[%run_scoped3A_128, %dma_wait3A_136] : memref<2x96xi32, #tpu.memory_space<vmem>> -> memref<1x96xi32, #tpu.memory_space<vmem>>
          %dma_wait3A_138 = tpu.memref_squeeze %dma_wait3A_137 : memref<1x96xi32, #tpu.memory_space<vmem>> -> memref<96xi32, #tpu.memory_space<vmem>>
          %dma_wait3A_139 = arith.constant 0 : i32
          %dma_wait3A_140 = arith.constant 0 : i32
          %dma_wait3A_141 = tpu.memref_slice %arg12[%dma_wait3A_139, %dma_wait3A_140] : memref<10240x128xf32, #tpu.memory_space<vmem_shared>> -> memref<10240x128xf32, #tpu.memory_space<vmem_shared>>
          tpu.wait_indirect_dma semaphore(%run_scoped3A_129 : memref<!tpu.dma_semaphore, #tpu.memory_space<semaphore_mem>>) src(%arg10 : memref<96x128xf32, #tpu.memory_space<vmem>>) dst(%dma_wait3A_141 : memref<10240x128xf32, #tpu.memory_space<vmem_shared>>)
          tpu.yield
        }) : () -> ()
      } else {
      }
      %add3A_90 = arith.constant 3 : i32
      %add3A_91 = arith.addi %mul3A_74, %add3A_90 : i32
      %lt3A_92 = arith.cmpi slt, %add3A_91, %select_n3A_8 : i32
      %convert_element_type3A_93 = arith.extui %lt3A_92 : i1 to i32
      %cond3A_94 = arith.constant 0 : i32
      %cond3A_95 = arith.cmpi ne, %convert_element_type3A_93, %cond3A_94 : i32
      scf.if %cond3A_95 {
        %add3A_121 = arith.addi %select_n3A, %mul3A_74 : i32
        %add3A_122 = arith.constant 3 : i32
        %add3A_123 = arith.addi %add3A_121, %add3A_122 : i32
        %dma_wait3A_124 = arith.constant 0 : i32
        %dma_wait3A_125 = arith.constant 0 : i32
        %dma_wait3A_126 = tpu.memref_slice %arg3[%add3A_123, %dma_wait3A_124, %dma_wait3A_125] : memref<3360x2x96xi32, #tpu.memory_space<hbm>> -> memref<1x2x96xi32, #tpu.memory_space<hbm>>
        %dma_wait3A_127 = tpu.memref_squeeze %dma_wait3A_126 : memref<1x2x96xi32, #tpu.memory_space<hbm>> -> memref<2x96xi32, #tpu.memory_space<hbm>>
        %dma_wait3A_128 = arith.constant 0 : i32
        %dma_wait3A_129 = arith.constant 0 : i32
        %dma_wait3A_130 = tpu.memref_slice %arg3[%add3A_123, %dma_wait3A_128, %dma_wait3A_129] : memref<3360x2x96xi32, #tpu.memory_space<hbm>> -> memref<1x2x96xi32, #tpu.memory_space<hbm>>
        %dma_wait3A_131 = tpu.memref_squeeze %dma_wait3A_130 : memref<1x2x96xi32, #tpu.memory_space<hbm>> -> memref<2x96xi32, #tpu.memory_space<hbm>>
        tpu.wait_dma2 semaphore(%arg16 : memref<!tpu.dma_semaphore, #tpu.memory_space<semaphore_mem>>) src(%dma_wait3A_131 : memref<2x96xi32, #tpu.memory_space<hbm>>) dst(%arg6 : memref<2x96xi32, #tpu.memory_space<vmem>>)
        %dma_start3A_132 = arith.constant 0 : i32
        %dma_start3A_133 = arith.constant 0 : i32
        %dma_start3A_134 = tpu.memref_slice %arg6[%dma_start3A_132, %dma_start3A_133] : memref<2x96xi32, #tpu.memory_space<vmem>> -> memref<1x96xi32, #tpu.memory_space<vmem>>
        %dma_start3A_135 = tpu.memref_squeeze %dma_start3A_134 : memref<1x96xi32, #tpu.memory_space<vmem>> -> memref<96xi32, #tpu.memory_space<vmem>>
        %dma_start3A_136 = arith.constant 0 : i32
        %dma_start3A_137 = arith.constant 0 : i32
        %dma_start3A_138 = tpu.memref_slice %arg2[%dma_start3A_136, %dma_start3A_137] : memref<10000x128xf32, #tpu.memory_space<hbm>> -> memref<10000x128xf32, #tpu.memory_space<hbm>>
        tpu.enqueue_indirect_dma source(%dma_start3A_138 : memref<10000x128xf32, #tpu.memory_space<hbm>>) target(%arg9 : memref<96x128xf32, #tpu.memory_space<vmem>>) offsets(%dma_start3A_135 : memref<96xi32, #tpu.memory_space<vmem>>) semaphore(%arg13 : memref<!tpu.dma_semaphore, #tpu.memory_space<semaphore_mem>>)
      } else {
      }
      %add3A_96 = arith.constant 4 : i32
      %add3A_97 = arith.addi %mul3A_74, %add3A_96 : i32
      %lt3A_98 = arith.cmpi slt, %add3A_97, %select_n3A_8 : i32
      %convert_element_type3A_99 = arith.extui %lt3A_98 : i1 to i32
      %cond3A_100 = arith.constant 0 : i32
      %cond3A_101 = arith.cmpi ne, %convert_element_type3A_99, %cond3A_100 : i32
      scf.if %cond3A_101 {
        %add3A_121 = arith.addi %select_n3A, %mul3A_74 : i32
        %add3A_122 = arith.constant 4 : i32
        %add3A_123 = arith.addi %add3A_121, %add3A_122 : i32
        %dma_start3A_124 = arith.constant 0 : i32
        %dma_start3A_125 = arith.constant 0 : i32
        %dma_start3A_126 = tpu.memref_slice %arg3[%add3A_123, %dma_start3A_124, %dma_start3A_125] : memref<3360x2x96xi32, #tpu.memory_space<hbm>> -> memref<1x2x96xi32, #tpu.memory_space<hbm>>
        %dma_start3A_127 = tpu.memref_squeeze %dma_start3A_126 : memref<1x2x96xi32, #tpu.memory_space<hbm>> -> memref<2x96xi32, #tpu.memory_space<hbm>>
        %dma_start3A_128 = arith.constant 0 : i32
        %dma_start3A_129 = arith.constant 0 : i32
        %dma_start3A_130 = tpu.memref_slice %arg3[%add3A_123, %dma_start3A_128, %dma_start3A_129] : memref<3360x2x96xi32, #tpu.memory_space<hbm>> -> memref<1x2x96xi32, #tpu.memory_space<hbm>>
        %dma_start3A_131 = tpu.memref_squeeze %dma_start3A_130 : memref<1x2x96xi32, #tpu.memory_space<hbm>> -> memref<2x96xi32, #tpu.memory_space<hbm>>
        tpu.enqueue_dma source(%dma_start3A_131 : memref<2x96xi32, #tpu.memory_space<hbm>>) target(%arg7 : memref<2x96xi32, #tpu.memory_space<vmem>>) target_semaphore(%arg17 : memref<!tpu.dma_semaphore, #tpu.memory_space<semaphore_mem>>)
      } else {
      }
      %add3A_102 = arith.constant 2 : i32
      %add3A_103 = arith.addi %mul3A_74, %add3A_102 : i32
      %lt3A_104 = arith.cmpi slt, %add3A_103, %select_n3A_8 : i32
      %convert_element_type3A_105 = arith.extui %lt3A_104 : i1 to i32
      %cond3A_106 = arith.constant 0 : i32
      %cond3A_107 = arith.cmpi ne, %convert_element_type3A_105, %cond3A_106 : i32
      scf.if %cond3A_107 {
        %dma_wait3A_121 = arith.constant 0 : i32
        %dma_wait3A_122 = arith.constant 0 : i32
        %dma_wait3A_123 = tpu.memref_slice %arg8[%dma_wait3A_121, %dma_wait3A_122] : memref<2x96xi32, #tpu.memory_space<vmem>> -> memref<1x96xi32, #tpu.memory_space<vmem>>
        %dma_wait3A_124 = tpu.memref_squeeze %dma_wait3A_123 : memref<1x96xi32, #tpu.memory_space<vmem>> -> memref<96xi32, #tpu.memory_space<vmem>>
        %dma_wait3A_125 = arith.constant 0 : i32
        %dma_wait3A_126 = arith.constant 0 : i32
        %dma_wait3A_127 = tpu.memref_slice %arg2[%dma_wait3A_125, %dma_wait3A_126] : memref<10000x128xf32, #tpu.memory_space<hbm>> -> memref<10000x128xf32, #tpu.memory_space<hbm>>
        tpu.wait_indirect_dma semaphore(%arg15 : memref<!tpu.dma_semaphore, #tpu.memory_space<semaphore_mem>>) src(%dma_wait3A_127 : memref<10000x128xf32, #tpu.memory_space<hbm>>) dst(%arg11 : memref<96x128xf32, #tpu.memory_space<vmem>>)
        %run_scoped3A_128 = arith.constant 1 : i32
        "tpu.region"() ({
          %run_scoped3A_129 = tpu.sem_alloc : memref<!tpu.dma_semaphore, #tpu.memory_space<semaphore_mem>>
          %dma_start3A_130 = arith.constant 0 : i32
          %dma_start3A_131 = tpu.memref_slice %arg8[%run_scoped3A_128, %dma_start3A_130] : memref<2x96xi32, #tpu.memory_space<vmem>> -> memref<1x96xi32, #tpu.memory_space<vmem>>
          %dma_start3A_132 = tpu.memref_squeeze %dma_start3A_131 : memref<1x96xi32, #tpu.memory_space<vmem>> -> memref<96xi32, #tpu.memory_space<vmem>>
          %dma_start3A_133 = arith.constant 0 : i32
          %dma_start3A_134 = arith.constant 0 : i32
          %dma_start3A_135 = tpu.memref_slice %arg12[%dma_start3A_133, %dma_start3A_134] : memref<10240x128xf32, #tpu.memory_space<vmem_shared>> -> memref<10240x128xf32, #tpu.memory_space<vmem_shared>>
          tpu.enqueue_indirect_dma source(%arg11 : memref<96x128xf32, #tpu.memory_space<vmem>>) target(%dma_start3A_135 : memref<10240x128xf32, #tpu.memory_space<vmem_shared>>) offsets(%dma_start3A_132 : memref<96xi32, #tpu.memory_space<vmem>>) semaphore(%run_scoped3A_129 : memref<!tpu.dma_semaphore, #tpu.memory_space<semaphore_mem>>) {add = true}
          %dma_wait3A_136 = arith.constant 0 : i32
          %dma_wait3A_137 = tpu.memref_slice %arg8[%run_scoped3A_128, %dma_wait3A_136] : memref<2x96xi32, #tpu.memory_space<vmem>> -> memref<1x96xi32, #tpu.memory_space<vmem>>
          %dma_wait3A_138 = tpu.memref_squeeze %dma_wait3A_137 : memref<1x96xi32, #tpu.memory_space<vmem>> -> memref<96xi32, #tpu.memory_space<vmem>>
          %dma_wait3A_139 = arith.constant 0 : i32
          %dma_wait3A_140 = arith.constant 0 : i32
          %dma_wait3A_141 = tpu.memref_slice %arg12[%dma_wait3A_139, %dma_wait3A_140] : memref<10240x128xf32, #tpu.memory_space<vmem_shared>> -> memref<10240x128xf32, #tpu.memory_space<vmem_shared>>
          tpu.wait_indirect_dma semaphore(%run_scoped3A_129 : memref<!tpu.dma_semaphore, #tpu.memory_space<semaphore_mem>>) src(%arg11 : memref<96x128xf32, #tpu.memory_space<vmem>>) dst(%dma_wait3A_141 : memref<10240x128xf32, #tpu.memory_space<vmem_shared>>)
          tpu.yield
        }) : () -> ()
      } else {
      }
      %add3A_108 = arith.constant 4 : i32
      %add3A_109 = arith.addi %mul3A_74, %add3A_108 : i32
      %lt3A_110 = arith.cmpi slt, %add3A_109, %select_n3A_8 : i32
      %convert_element_type3A_111 = arith.extui %lt3A_110 : i1 to i32
      %cond3A_112 = arith.constant 0 : i32
      %cond3A_113 = arith.cmpi ne, %convert_element_type3A_111, %cond3A_112 : i32
      scf.if %cond3A_113 {
        %add3A_121 = arith.addi %select_n3A, %mul3A_74 : i32
        %add3A_122 = arith.constant 4 : i32
        %add3A_123 = arith.addi %add3A_121, %add3A_122 : i32
        %dma_wait3A_124 = arith.constant 0 : i32
        %dma_wait3A_125 = arith.constant 0 : i32
        %dma_wait3A_126 = tpu.memref_slice %arg3[%add3A_123, %dma_wait3A_124, %dma_wait3A_125] : memref<3360x2x96xi32, #tpu.memory_space<hbm>> -> memref<1x2x96xi32, #tpu.memory_space<hbm>>
        %dma_wait3A_127 = tpu.memref_squeeze %dma_wait3A_126 : memref<1x2x96xi32, #tpu.memory_space<hbm>> -> memref<2x96xi32, #tpu.memory_space<hbm>>
        %dma_wait3A_128 = arith.constant 0 : i32
        %dma_wait3A_129 = arith.constant 0 : i32
        %dma_wait3A_130 = tpu.memref_slice %arg3[%add3A_123, %dma_wait3A_128, %dma_wait3A_129] : memref<3360x2x96xi32, #tpu.memory_space<hbm>> -> memref<1x2x96xi32, #tpu.memory_space<hbm>>
        %dma_wait3A_131 = tpu.memref_squeeze %dma_wait3A_130 : memref<1x2x96xi32, #tpu.memory_space<hbm>> -> memref<2x96xi32, #tpu.memory_space<hbm>>
        tpu.wait_dma2 semaphore(%arg17 : memref<!tpu.dma_semaphore, #tpu.memory_space<semaphore_mem>>) src(%dma_wait3A_131 : memref<2x96xi32, #tpu.memory_space<hbm>>) dst(%arg7 : memref<2x96xi32, #tpu.memory_space<vmem>>)
        %dma_start3A_132 = arith.constant 0 : i32
        %dma_start3A_133 = arith.constant 0 : i32
        %dma_start3A_134 = tpu.memref_slice %arg7[%dma_start3A_132, %dma_start3A_133] : memref<2x96xi32, #tpu.memory_space<vmem>> -> memref<1x96xi32, #tpu.memory_space<vmem>>
        %dma_start3A_135 = tpu.memref_squeeze %dma_start3A_134 : memref<1x96xi32, #tpu.memory_space<vmem>> -> memref<96xi32, #tpu.memory_space<vmem>>
        %dma_start3A_136 = arith.constant 0 : i32
        %dma_start3A_137 = arith.constant 0 : i32
        %dma_start3A_138 = tpu.memref_slice %arg2[%dma_start3A_136, %dma_start3A_137] : memref<10000x128xf32, #tpu.memory_space<hbm>> -> memref<10000x128xf32, #tpu.memory_space<hbm>>
        tpu.enqueue_indirect_dma source(%dma_start3A_138 : memref<10000x128xf32, #tpu.memory_space<hbm>>) target(%arg10 : memref<96x128xf32, #tpu.memory_space<vmem>>) offsets(%dma_start3A_135 : memref<96xi32, #tpu.memory_space<vmem>>) semaphore(%arg14 : memref<!tpu.dma_semaphore, #tpu.memory_space<semaphore_mem>>)
      } else {
      }
      %add3A_114 = arith.constant 5 : i32
      %add3A_115 = arith.addi %mul3A_74, %add3A_114 : i32
      %lt3A_116 = arith.cmpi slt, %add3A_115, %select_n3A_8 : i32
      %convert_element_type3A_117 = arith.extui %lt3A_116 : i1 to i32
      %cond3A_118 = arith.constant 0 : i32
      %cond3A_119 = arith.cmpi ne, %convert_element_type3A_117, %cond3A_118 : i32
      scf.if %cond3A_119 {
        %add3A_121 = arith.addi %select_n3A, %mul3A_74 : i32
        %add3A_122 = arith.constant 5 : i32
        %add3A_123 = arith.addi %add3A_121, %add3A_122 : i32
        %dma_start3A_124 = arith.constant 0 : i32
        %dma_start3A_125 = arith.constant 0 : i32
        %dma_start3A_126 = tpu.memref_slice %arg3[%add3A_123, %dma_start3A_124, %dma_start3A_125] : memref<3360x2x96xi32, #tpu.memory_space<hbm>> -> memref<1x2x96xi32, #tpu.memory_space<hbm>>
        %dma_start3A_127 = tpu.memref_squeeze %dma_start3A_126 : memref<1x2x96xi32, #tpu.memory_space<hbm>> -> memref<2x96xi32, #tpu.memory_space<hbm>>
        %dma_start3A_128 = arith.constant 0 : i32
        %dma_start3A_129 = arith.constant 0 : i32
        %dma_start3A_130 = tpu.memref_slice %arg3[%add3A_123, %dma_start3A_128, %dma_start3A_129] : memref<3360x2x96xi32, #tpu.memory_space<hbm>> -> memref<1x2x96xi32, #tpu.memory_space<hbm>>
        %dma_start3A_131 = tpu.memref_squeeze %dma_start3A_130 : memref<1x2x96xi32, #tpu.memory_space<hbm>> -> memref<2x96xi32, #tpu.memory_space<hbm>>
        tpu.enqueue_dma source(%dma_start3A_131 : memref<2x96xi32, #tpu.memory_space<hbm>>) target(%arg8 : memref<2x96xi32, #tpu.memory_space<vmem>>) target_semaphore(%arg18 : memref<!tpu.dma_semaphore, #tpu.memory_space<semaphore_mem>>)
        %add3A_132 = arith.addi %select_n3A, %mul3A_74 : i32
        %add3A_133 = arith.constant 5 : i32
        %add3A_134 = arith.addi %add3A_132, %add3A_133 : i32
        %dma_wait3A_135 = arith.constant 0 : i32
        %dma_wait3A_136 = arith.constant 0 : i32
        %dma_wait3A_137 = tpu.memref_slice %arg3[%add3A_134, %dma_wait3A_135, %dma_wait3A_136] : memref<3360x2x96xi32, #tpu.memory_space<hbm>> -> memref<1x2x96xi32, #tpu.memory_space<hbm>>
        %dma_wait3A_138 = tpu.memref_squeeze %dma_wait3A_137 : memref<1x2x96xi32, #tpu.memory_space<hbm>> -> memref<2x96xi32, #tpu.memory_space<hbm>>
        %dma_wait3A_139 = arith.constant 0 : i32
        %dma_wait3A_140 = arith.constant 0 : i32
        %dma_wait3A_141 = tpu.memref_slice %arg3[%add3A_134, %dma_wait3A_139, %dma_wait3A_140] : memref<3360x2x96xi32, #tpu.memory_space<hbm>> -> memref<1x2x96xi32, #tpu.memory_space<hbm>>
        %dma_wait3A_142 = tpu.memref_squeeze %dma_wait3A_141 : memref<1x2x96xi32, #tpu.memory_space<hbm>> -> memref<2x96xi32, #tpu.memory_space<hbm>>
        tpu.wait_dma2 semaphore(%arg18 : memref<!tpu.dma_semaphore, #tpu.memory_space<semaphore_mem>>) src(%dma_wait3A_142 : memref<2x96xi32, #tpu.memory_space<hbm>>) dst(%arg8 : memref<2x96xi32, #tpu.memory_space<vmem>>)
        %dma_start3A_143 = arith.constant 0 : i32
        %dma_start3A_144 = arith.constant 0 : i32
        %dma_start3A_145 = tpu.memref_slice %arg8[%dma_start3A_143, %dma_start3A_144] : memref<2x96xi32, #tpu.memory_space<vmem>> -> memref<1x96xi32, #tpu.memory_space<vmem>>
        %dma_start3A_146 = tpu.memref_squeeze %dma_start3A_145 : memref<1x96xi32, #tpu.memory_space<vmem>> -> memref<96xi32, #tpu.memory_space<vmem>>
        %dma_start3A_147 = arith.constant 0 : i32
        %dma_start3A_148 = arith.constant 0 : i32
        %dma_start3A_149 = tpu.memref_slice %arg2[%dma_start3A_147, %dma_start3A_148] : memref<10000x128xf32, #tpu.memory_space<hbm>> -> memref<10000x128xf32, #tpu.memory_space<hbm>>
        tpu.enqueue_indirect_dma source(%dma_start3A_149 : memref<10000x128xf32, #tpu.memory_space<hbm>>) target(%arg11 : memref<96x128xf32, #tpu.memory_space<vmem>>) offsets(%dma_start3A_146 : memref<96xi32, #tpu.memory_space<vmem>>) semaphore(%arg15 : memref<!tpu.dma_semaphore, #tpu.memory_space<semaphore_mem>>)
      } else {
      }
      %while3A_120 = arith.constant 0 : i32
      scf.yield %while3A_120 : i32
    }
    %while3A_64 = arith.constant 1 : i32
    %while3A_65 = scf.for %while3A_71 = %while3A_61 to %while3A_57 step %while3A_64 iter_args(%while3A_72 = %while3A_63) -> (i32)  : i32 {
      %mul3A_73 = arith.constant 3 : i32
      %mul3A_74 = arith.muli %mul3A_73, %while3A_71 : i32
      %dma_wait3A = arith.constant 0 : i32
      %dma_wait3A_75 = arith.constant 0 : i32
      %dma_wait3A_76 = tpu.memref_slice %arg6[%dma_wait3A, %dma_wait3A_75] : memref<2x96xi32, #tpu.memory_space<vmem>> -> memref<1x96xi32, #tpu.memory_space<vmem>>
      %dma_wait3A_77 = tpu.memref_squeeze %dma_wait3A_76 : memref<1x96xi32, #tpu.memory_space<vmem>> -> memref<96xi32, #tpu.memory_space<vmem>>
      %dma_wait3A_78 = arith.constant 0 : i32
      %dma_wait3A_79 = arith.constant 0 : i32
      %dma_wait3A_80 = tpu.memref_slice %arg2[%dma_wait3A_78, %dma_wait3A_79] : memref<10000x128xf32, #tpu.memory_space<hbm>> -> memref<10000x128xf32, #tpu.memory_space<hbm>>
      tpu.wait_indirect_dma semaphore(%arg13 : memref<!tpu.dma_semaphore, #tpu.memory_space<semaphore_mem>>) src(%dma_wait3A_80 : memref<10000x128xf32, #tpu.memory_space<hbm>>) dst(%arg9 : memref<96x128xf32, #tpu.memory_space<vmem>>)
      %run_scoped3A = arith.constant 1 : i32
      "tpu.region"() ({
        %run_scoped3A_121 = tpu.sem_alloc : memref<!tpu.dma_semaphore, #tpu.memory_space<semaphore_mem>>
        %dma_start3A_122 = arith.constant 0 : i32
        %dma_start3A_123 = tpu.memref_slice %arg6[%run_scoped3A, %dma_start3A_122] : memref<2x96xi32, #tpu.memory_space<vmem>> -> memref<1x96xi32, #tpu.memory_space<vmem>>
        %dma_start3A_124 = tpu.memref_squeeze %dma_start3A_123 : memref<1x96xi32, #tpu.memory_space<vmem>> -> memref<96xi32, #tpu.memory_space<vmem>>
        %dma_start3A_125 = arith.constant 0 : i32
        %dma_start3A_126 = arith.constant 0 : i32
        %dma_start3A_127 = tpu.memref_slice %arg12[%dma_start3A_125, %dma_start3A_126] : memref<10240x128xf32, #tpu.memory_space<vmem_shared>> -> memref<10240x128xf32, #tpu.memory_space<vmem_shared>>
        tpu.enqueue_indirect_dma source(%arg9 : memref<96x128xf32, #tpu.memory_space<vmem>>) target(%dma_start3A_127 : memref<10240x128xf32, #tpu.memory_space<vmem_shared>>) offsets(%dma_start3A_124 : memref<96xi32, #tpu.memory_space<vmem>>) semaphore(%run_scoped3A_121 : memref<!tpu.dma_semaphore, #tpu.memory_space<semaphore_mem>>) {add = true}
        %dma_wait3A_128 = arith.constant 0 : i32
        %dma_wait3A_129 = tpu.memref_slice %arg6[%run_scoped3A, %dma_wait3A_128] : memref<2x96xi32, #tpu.memory_space<vmem>> -> memref<1x96xi32, #tpu.memory_space<vmem>>
        %dma_wait3A_130 = tpu.memref_squeeze %dma_wait3A_129 : memref<1x96xi32, #tpu.memory_space<vmem>> -> memref<96xi32, #tpu.memory_space<vmem>>
        %dma_wait3A_131 = arith.constant 0 : i32
        %dma_wait3A_132 = arith.constant 0 : i32
        %dma_wait3A_133 = tpu.memref_slice %arg12[%dma_wait3A_131, %dma_wait3A_132] : memref<10240x128xf32, #tpu.memory_space<vmem_shared>> -> memref<10240x128xf32, #tpu.memory_space<vmem_shared>>
        tpu.wait_indirect_dma semaphore(%run_scoped3A_121 : memref<!tpu.dma_semaphore, #tpu.memory_space<semaphore_mem>>) src(%arg9 : memref<96x128xf32, #tpu.memory_space<vmem>>) dst(%dma_wait3A_133 : memref<10240x128xf32, #tpu.memory_space<vmem_shared>>)
        tpu.yield
      }) : () -> ()
      %add3A_81 = arith.constant 3 : i32
      %add3A_82 = arith.addi %mul3A_74, %add3A_81 : i32
      %lt3A = arith.cmpi slt, %add3A_82, %select_n3A_8 : i32
      %convert_element_type3A = arith.extui %lt3A : i1 to i32
      %cond3A = arith.constant 0 : i32
      %cond3A_83 = arith.cmpi ne, %convert_element_type3A, %cond3A : i32
      scf.if %cond3A_83 {
        %add3A_121 = arith.addi %select_n3A, %mul3A_74 : i32
        %add3A_122 = arith.constant 3 : i32
        %add3A_123 = arith.addi %add3A_121, %add3A_122 : i32
        %dma_start3A_124 = arith.constant 0 : i32
        %dma_start3A_125 = arith.constant 0 : i32
        %dma_start3A_126 = tpu.memref_slice %arg3[%add3A_123, %dma_start3A_124, %dma_start3A_125] : memref<3360x2x96xi32, #tpu.memory_space<hbm>> -> memref<1x2x96xi32, #tpu.memory_space<hbm>>
        %dma_start3A_127 = tpu.memref_squeeze %dma_start3A_126 : memref<1x2x96xi32, #tpu.memory_space<hbm>> -> memref<2x96xi32, #tpu.memory_space<hbm>>
        %dma_start3A_128 = arith.constant 0 : i32
        %dma_start3A_129 = arith.constant 0 : i32
        %dma_start3A_130 = tpu.memref_slice %arg3[%add3A_123, %dma_start3A_128, %dma_start3A_129] : memref<3360x2x96xi32, #tpu.memory_space<hbm>> -> memref<1x2x96xi32, #tpu.memory_space<hbm>>
        %dma_start3A_131 = tpu.memref_squeeze %dma_start3A_130 : memref<1x2x96xi32, #tpu.memory_space<hbm>> -> memref<2x96xi32, #tpu.memory_space<hbm>>
        tpu.enqueue_dma source(%dma_start3A_131 : memref<2x96xi32, #tpu.memory_space<hbm>>) target(%arg6 : memref<2x96xi32, #tpu.memory_space<vmem>>) target_semaphore(%arg16 : memref<!tpu.dma_semaphore, #tpu.memory_space<semaphore_mem>>)
      } else {
      }
      %add3A_84 = arith.constant 1 : i32
      %add3A_85 = arith.addi %mul3A_74, %add3A_84 : i32
      %lt3A_86 = arith.cmpi slt, %add3A_85, %select_n3A_8 : i32
      %convert_element_type3A_87 = arith.extui %lt3A_86 : i1 to i32
      %cond3A_88 = arith.constant 0 : i32
      %cond3A_89 = arith.cmpi ne, %convert_element_type3A_87, %cond3A_88 : i32
      scf.if %cond3A_89 {
        %dma_wait3A_121 = arith.constant 0 : i32
        %dma_wait3A_122 = arith.constant 0 : i32
        %dma_wait3A_123 = tpu.memref_slice %arg7[%dma_wait3A_121, %dma_wait3A_122] : memref<2x96xi32, #tpu.memory_space<vmem>> -> memref<1x96xi32, #tpu.memory_space<vmem>>
        %dma_wait3A_124 = tpu.memref_squeeze %dma_wait3A_123 : memref<1x96xi32, #tpu.memory_space<vmem>> -> memref<96xi32, #tpu.memory_space<vmem>>
        %dma_wait3A_125 = arith.constant 0 : i32
        %dma_wait3A_126 = arith.constant 0 : i32
        %dma_wait3A_127 = tpu.memref_slice %arg2[%dma_wait3A_125, %dma_wait3A_126] : memref<10000x128xf32, #tpu.memory_space<hbm>> -> memref<10000x128xf32, #tpu.memory_space<hbm>>
        tpu.wait_indirect_dma semaphore(%arg14 : memref<!tpu.dma_semaphore, #tpu.memory_space<semaphore_mem>>) src(%dma_wait3A_127 : memref<10000x128xf32, #tpu.memory_space<hbm>>) dst(%arg10 : memref<96x128xf32, #tpu.memory_space<vmem>>)
        %run_scoped3A_128 = arith.constant 1 : i32
        "tpu.region"() ({
          %run_scoped3A_129 = tpu.sem_alloc : memref<!tpu.dma_semaphore, #tpu.memory_space<semaphore_mem>>
          %dma_start3A_130 = arith.constant 0 : i32
          %dma_start3A_131 = tpu.memref_slice %arg7[%run_scoped3A_128, %dma_start3A_130] : memref<2x96xi32, #tpu.memory_space<vmem>> -> memref<1x96xi32, #tpu.memory_space<vmem>>
          %dma_start3A_132 = tpu.memref_squeeze %dma_start3A_131 : memref<1x96xi32, #tpu.memory_space<vmem>> -> memref<96xi32, #tpu.memory_space<vmem>>
          %dma_start3A_133 = arith.constant 0 : i32
          %dma_start3A_134 = arith.constant 0 : i32
          %dma_start3A_135 = tpu.memref_slice %arg12[%dma_start3A_133, %dma_start3A_134] : memref<10240x128xf32, #tpu.memory_space<vmem_shared>> -> memref<10240x128xf32, #tpu.memory_space<vmem_shared>>
          tpu.enqueue_indirect_dma source(%arg10 : memref<96x128xf32, #tpu.memory_space<vmem>>) target(%dma_start3A_135 : memref<10240x128xf32, #tpu.memory_space<vmem_shared>>) offsets(%dma_start3A_132 : memref<96xi32, #tpu.memory_space<vmem>>) semaphore(%run_scoped3A_129 : memref<!tpu.dma_semaphore, #tpu.memory_space<semaphore_mem>>) {add = true}
          %dma_wait3A_136 = arith.constant 0 : i32
          %dma_wait3A_137 = tpu.memref_slice %arg7[%run_scoped3A_128, %dma_wait3A_136] : memref<2x96xi32, #tpu.memory_space<vmem>> -> memref<1x96xi32, #tpu.memory_space<vmem>>
          %dma_wait3A_138 = tpu.memref_squeeze %dma_wait3A_137 : memref<1x96xi32, #tpu.memory_space<vmem>> -> memref<96xi32, #tpu.memory_space<vmem>>
          %dma_wait3A_139 = arith.constant 0 : i32
          %dma_wait3A_140 = arith.constant 0 : i32
          %dma_wait3A_141 = tpu.memref_slice %arg12[%dma_wait3A_139, %dma_wait3A_140] : memref<10240x128xf32, #tpu.memory_space<vmem_shared>> -> memref<10240x128xf32, #tpu.memory_space<vmem_shared>>
          tpu.wait_indirect_dma semaphore(%run_scoped3A_129 : memref<!tpu.dma_semaphore, #tpu.memory_space<semaphore_mem>>) src(%arg10 : memref<96x128xf32, #tpu.memory_space<vmem>>) dst(%dma_wait3A_141 : memref<10240x128xf32, #tpu.memory_space<vmem_shared>>)
          tpu.yield
        }) : () -> ()
      } else {
      }
      %add3A_90 = arith.constant 3 : i32
      %add3A_91 = arith.addi %mul3A_74, %add3A_90 : i32
      %lt3A_92 = arith.cmpi slt, %add3A_91, %select_n3A_8 : i32
      %convert_element_type3A_93 = arith.extui %lt3A_92 : i1 to i32
      %cond3A_94 = arith.constant 0 : i32
      %cond3A_95 = arith.cmpi ne, %convert_element_type3A_93, %cond3A_94 : i32
      scf.if %cond3A_95 {
        %add3A_121 = arith.addi %select_n3A, %mul3A_74 : i32
        %add3A_122 = arith.constant 3 : i32
        %add3A_123 = arith.addi %add3A_121, %add3A_122 : i32
        %dma_wait3A_124 = arith.constant 0 : i32
        %dma_wait3A_125 = arith.constant 0 : i32
        %dma_wait3A_126 = tpu.memref_slice %arg3[%add3A_123, %dma_wait3A_124, %dma_wait3A_125] : memref<3360x2x96xi32, #tpu.memory_space<hbm>> -> memref<1x2x96xi32, #tpu.memory_space<hbm>>
        %dma_wait3A_127 = tpu.memref_squeeze %dma_wait3A_126 : memref<1x2x96xi32, #tpu.memory_space<hbm>> -> memref<2x96xi32, #tpu.memory_space<hbm>>
        %dma_wait3A_128 = arith.constant 0 : i32
        %dma_wait3A_129 = arith.constant 0 : i32
        %dma_wait3A_130 = tpu.memref_slice %arg3[%add3A_123, %dma_wait3A_128, %dma_wait3A_129] : memref<3360x2x96xi32, #tpu.memory_space<hbm>> -> memref<1x2x96xi32, #tpu.memory_space<hbm>>
        %dma_wait3A_131 = tpu.memref_squeeze %dma_wait3A_130 : memref<1x2x96xi32, #tpu.memory_space<hbm>> -> memref<2x96xi32, #tpu.memory_space<hbm>>
        tpu.wait_dma2 semaphore(%arg16 : memref<!tpu.dma_semaphore, #tpu.memory_space<semaphore_mem>>) src(%dma_wait3A_131 : memref<2x96xi32, #tpu.memory_space<hbm>>) dst(%arg6 : memref<2x96xi32, #tpu.memory_space<vmem>>)
        %dma_start3A_132 = arith.constant 0 : i32
        %dma_start3A_133 = arith.constant 0 : i32
        %dma_start3A_134 = tpu.memref_slice %arg6[%dma_start3A_132, %dma_start3A_133] : memref<2x96xi32, #tpu.memory_space<vmem>> -> memref<1x96xi32, #tpu.memory_space<vmem>>
        %dma_start3A_135 = tpu.memref_squeeze %dma_start3A_134 : memref<1x96xi32, #tpu.memory_space<vmem>> -> memref<96xi32, #tpu.memory_space<vmem>>
        %dma_start3A_136 = arith.constant 0 : i32
        %dma_start3A_137 = arith.constant 0 : i32
        %dma_start3A_138 = tpu.memref_slice %arg2[%dma_start3A_136, %dma_start3A_137] : memref<10000x128xf32, #tpu.memory_space<hbm>> -> memref<10000x128xf32, #tpu.memory_space<hbm>>
        tpu.enqueue_indirect_dma source(%dma_start3A_138 : memref<10000x128xf32, #tpu.memory_space<hbm>>) target(%arg9 : memref<96x128xf32, #tpu.memory_space<vmem>>) offsets(%dma_start3A_135 : memref<96xi32, #tpu.memory_space<vmem>>) semaphore(%arg13 : memref<!tpu.dma_semaphore, #tpu.memory_space<semaphore_mem>>)
      } else {
      }
      %add3A_96 = arith.constant 4 : i32
      %add3A_97 = arith.addi %mul3A_74, %add3A_96 : i32
      %lt3A_98 = arith.cmpi slt, %add3A_97, %select_n3A_8 : i32
      %convert_element_type3A_99 = arith.extui %lt3A_98 : i1 to i32
      %cond3A_100 = arith.constant 0 : i32
      %cond3A_101 = arith.cmpi ne, %convert_element_type3A_99, %cond3A_100 : i32
      scf.if %cond3A_101 {
        %add3A_121 = arith.addi %select_n3A, %mul3A_74 : i32
        %add3A_122 = arith.constant 4 : i32
        %add3A_123 = arith.addi %add3A_121, %add3A_122 : i32
        %dma_start3A_124 = arith.constant 0 : i32
        %dma_start3A_125 = arith.constant 0 : i32
        %dma_start3A_126 = tpu.memref_slice %arg3[%add3A_123, %dma_start3A_124, %dma_start3A_125] : memref<3360x2x96xi32, #tpu.memory_space<hbm>> -> memref<1x2x96xi32, #tpu.memory_space<hbm>>
        %dma_start3A_127 = tpu.memref_squeeze %dma_start3A_126 : memref<1x2x96xi32, #tpu.memory_space<hbm>> -> memref<2x96xi32, #tpu.memory_space<hbm>>
        %dma_start3A_128 = arith.constant 0 : i32
        %dma_start3A_129 = arith.constant 0 : i32
        %dma_start3A_130 = tpu.memref_slice %arg3[%add3A_123, %dma_start3A_128, %dma_start3A_129] : memref<3360x2x96xi32, #tpu.memory_space<hbm>> -> memref<1x2x96xi32, #tpu.memory_space<hbm>>
        %dma_start3A_131 = tpu.memref_squeeze %dma_start3A_130 : memref<1x2x96xi32, #tpu.memory_space<hbm>> -> memref<2x96xi32, #tpu.memory_space<hbm>>
        tpu.enqueue_dma source(%dma_start3A_131 : memref<2x96xi32, #tpu.memory_space<hbm>>) target(%arg7 : memref<2x96xi32, #tpu.memory_space<vmem>>) target_semaphore(%arg17 : memref<!tpu.dma_semaphore, #tpu.memory_space<semaphore_mem>>)
      } else {
      }
      %add3A_102 = arith.constant 2 : i32
      %add3A_103 = arith.addi %mul3A_74, %add3A_102 : i32
      %lt3A_104 = arith.cmpi slt, %add3A_103, %select_n3A_8 : i32
      %convert_element_type3A_105 = arith.extui %lt3A_104 : i1 to i32
      %cond3A_106 = arith.constant 0 : i32
      %cond3A_107 = arith.cmpi ne, %convert_element_type3A_105, %cond3A_106 : i32
      scf.if %cond3A_107 {
        %dma_wait3A_121 = arith.constant 0 : i32
        %dma_wait3A_122 = arith.constant 0 : i32
        %dma_wait3A_123 = tpu.memref_slice %arg8[%dma_wait3A_121, %dma_wait3A_122] : memref<2x96xi32, #tpu.memory_space<vmem>> -> memref<1x96xi32, #tpu.memory_space<vmem>>
        %dma_wait3A_124 = tpu.memref_squeeze %dma_wait3A_123 : memref<1x96xi32, #tpu.memory_space<vmem>> -> memref<96xi32, #tpu.memory_space<vmem>>
        %dma_wait3A_125 = arith.constant 0 : i32
        %dma_wait3A_126 = arith.constant 0 : i32
        %dma_wait3A_127 = tpu.memref_slice %arg2[%dma_wait3A_125, %dma_wait3A_126] : memref<10000x128xf32, #tpu.memory_space<hbm>> -> memref<10000x128xf32, #tpu.memory_space<hbm>>
        tpu.wait_indirect_dma semaphore(%arg15 : memref<!tpu.dma_semaphore, #tpu.memory_space<semaphore_mem>>) src(%dma_wait3A_127 : memref<10000x128xf32, #tpu.memory_space<hbm>>) dst(%arg11 : memref<96x128xf32, #tpu.memory_space<vmem>>)
        %run_scoped3A_128 = arith.constant 1 : i32
        "tpu.region"() ({
          %run_scoped3A_129 = tpu.sem_alloc : memref<!tpu.dma_semaphore, #tpu.memory_space<semaphore_mem>>
          %dma_start3A_130 = arith.constant 0 : i32
          %dma_start3A_131 = tpu.memref_slice %arg8[%run_scoped3A_128, %dma_start3A_130] : memref<2x96xi32, #tpu.memory_space<vmem>> -> memref<1x96xi32, #tpu.memory_space<vmem>>
          %dma_start3A_132 = tpu.memref_squeeze %dma_start3A_131 : memref<1x96xi32, #tpu.memory_space<vmem>> -> memref<96xi32, #tpu.memory_space<vmem>>
          %dma_start3A_133 = arith.constant 0 : i32
          %dma_start3A_134 = arith.constant 0 : i32
          %dma_start3A_135 = tpu.memref_slice %arg12[%dma_start3A_133, %dma_start3A_134] : memref<10240x128xf32, #tpu.memory_space<vmem_shared>> -> memref<10240x128xf32, #tpu.memory_space<vmem_shared>>
          tpu.enqueue_indirect_dma source(%arg11 : memref<96x128xf32, #tpu.memory_space<vmem>>) target(%dma_start3A_135 : memref<10240x128xf32, #tpu.memory_space<vmem_shared>>) offsets(%dma_start3A_132 : memref<96xi32, #tpu.memory_space<vmem>>) semaphore(%run_scoped3A_129 : memref<!tpu.dma_semaphore, #tpu.memory_space<semaphore_mem>>) {add = true}
          %dma_wait3A_136 = arith.constant 0 : i32
          %dma_wait3A_137 = tpu.memref_slice %arg8[%run_scoped3A_128, %dma_wait3A_136] : memref<2x96xi32, #tpu.memory_space<vmem>> -> memref<1x96xi32, #tpu.memory_space<vmem>>
          %dma_wait3A_138 = tpu.memref_squeeze %dma_wait3A_137 : memref<1x96xi32, #tpu.memory_space<vmem>> -> memref<96xi32, #tpu.memory_space<vmem>>
          %dma_wait3A_139 = arith.constant 0 : i32
          %dma_wait3A_140 = arith.constant 0 : i32
          %dma_wait3A_141 = tpu.memref_slice %arg12[%dma_wait3A_139, %dma_wait3A_140] : memref<10240x128xf32, #tpu.memory_space<vmem_shared>> -> memref<10240x128xf32, #tpu.memory_space<vmem_shared>>
          tpu.wait_indirect_dma semaphore(%run_scoped3A_129 : memref<!tpu.dma_semaphore, #tpu.memory_space<semaphore_mem>>) src(%arg11 : memref<96x128xf32, #tpu.memory_space<vmem>>) dst(%dma_wait3A_141 : memref<10240x128xf32, #tpu.memory_space<vmem_shared>>)
          tpu.yield
        }) : () -> ()
      } else {
      }
      %add3A_108 = arith.constant 4 : i32
      %add3A_109 = arith.addi %mul3A_74, %add3A_108 : i32
      %lt3A_110 = arith.cmpi slt, %add3A_109, %select_n3A_8 : i32
      %convert_element_type3A_111 = arith.extui %lt3A_110 : i1 to i32
      %cond3A_112 = arith.constant 0 : i32
      %cond3A_113 = arith.cmpi ne, %convert_element_type3A_111, %cond3A_112 : i32
      scf.if %cond3A_113 {
        %add3A_121 = arith.addi %select_n3A, %mul3A_74 : i32
        %add3A_122 = arith.constant 4 : i32
        %add3A_123 = arith.addi %add3A_121, %add3A_122 : i32
        %dma_wait3A_124 = arith.constant 0 : i32
        %dma_wait3A_125 = arith.constant 0 : i32
        %dma_wait3A_126 = tpu.memref_slice %arg3[%add3A_123, %dma_wait3A_124, %dma_wait3A_125] : memref<3360x2x96xi32, #tpu.memory_space<hbm>> -> memref<1x2x96xi32, #tpu.memory_space<hbm>>
        %dma_wait3A_127 = tpu.memref_squeeze %dma_wait3A_126 : memref<1x2x96xi32, #tpu.memory_space<hbm>> -> memref<2x96xi32, #tpu.memory_space<hbm>>
        %dma_wait3A_128 = arith.constant 0 : i32
        %dma_wait3A_129 = arith.constant 0 : i32
        %dma_wait3A_130 = tpu.memref_slice %arg3[%add3A_123, %dma_wait3A_128, %dma_wait3A_129] : memref<3360x2x96xi32, #tpu.memory_space<hbm>> -> memref<1x2x96xi32, #tpu.memory_space<hbm>>
        %dma_wait3A_131 = tpu.memref_squeeze %dma_wait3A_130 : memref<1x2x96xi32, #tpu.memory_space<hbm>> -> memref<2x96xi32, #tpu.memory_space<hbm>>
        tpu.wait_dma2 semaphore(%arg17 : memref<!tpu.dma_semaphore, #tpu.memory_space<semaphore_mem>>) src(%dma_wait3A_131 : memref<2x96xi32, #tpu.memory_space<hbm>>) dst(%arg7 : memref<2x96xi32, #tpu.memory_space<vmem>>)
        %dma_start3A_132 = arith.constant 0 : i32
        %dma_start3A_133 = arith.constant 0 : i32
        %dma_start3A_134 = tpu.memref_slice %arg7[%dma_start3A_132, %dma_start3A_133] : memref<2x96xi32, #tpu.memory_space<vmem>> -> memref<1x96xi32, #tpu.memory_space<vmem>>
        %dma_start3A_135 = tpu.memref_squeeze %dma_start3A_134 : memref<1x96xi32, #tpu.memory_space<vmem>> -> memref<96xi32, #tpu.memory_space<vmem>>
        %dma_start3A_136 = arith.constant 0 : i32
        %dma_start3A_137 = arith.constant 0 : i32
        %dma_start3A_138 = tpu.memref_slice %arg2[%dma_start3A_136, %dma_start3A_137] : memref<10000x128xf32, #tpu.memory_space<hbm>> -> memref<10000x128xf32, #tpu.memory_space<hbm>>
        tpu.enqueue_indirect_dma source(%dma_start3A_138 : memref<10000x128xf32, #tpu.memory_space<hbm>>) target(%arg10 : memref<96x128xf32, #tpu.memory_space<vmem>>) offsets(%dma_start3A_135 : memref<96xi32, #tpu.memory_space<vmem>>) semaphore(%arg14 : memref<!tpu.dma_semaphore, #tpu.memory_space<semaphore_mem>>)
      } else {
      }
      %add3A_114 = arith.constant 5 : i32
      %add3A_115 = arith.addi %mul3A_74, %add3A_114 : i32
      %lt3A_116 = arith.cmpi slt, %add3A_115, %select_n3A_8 : i32
      %convert_element_type3A_117 = arith.extui %lt3A_116 : i1 to i32
      %cond3A_118 = arith.constant 0 : i32
      %cond3A_119 = arith.cmpi ne, %convert_element_type3A_117, %cond3A_118 : i32
      scf.if %cond3A_119 {
        %add3A_121 = arith.addi %select_n3A, %mul3A_74 : i32
        %add3A_122 = arith.constant 5 : i32
        %add3A_123 = arith.addi %add3A_121, %add3A_122 : i32
        %dma_start3A_124 = arith.constant 0 : i32
        %dma_start3A_125 = arith.constant 0 : i32
        %dma_start3A_126 = tpu.memref_slice %arg3[%add3A_123, %dma_start3A_124, %dma_start3A_125] : memref<3360x2x96xi32, #tpu.memory_space<hbm>> -> memref<1x2x96xi32, #tpu.memory_space<hbm>>
        %dma_start3A_127 = tpu.memref_squeeze %dma_start3A_126 : memref<1x2x96xi32, #tpu.memory_space<hbm>> -> memref<2x96xi32, #tpu.memory_space<hbm>>
        %dma_start3A_128 = arith.constant 0 : i32
        %dma_start3A_129 = arith.constant 0 : i32
        %dma_start3A_130 = tpu.memref_slice %arg3[%add3A_123, %dma_start3A_128, %dma_start3A_129] : memref<3360x2x96xi32, #tpu.memory_space<hbm>> -> memref<1x2x96xi32, #tpu.memory_space<hbm>>
        %dma_start3A_131 = tpu.memref_squeeze %dma_start3A_130 : memref<1x2x96xi32, #tpu.memory_space<hbm>> -> memref<2x96xi32, #tpu.memory_space<hbm>>
        tpu.enqueue_dma source(%dma_start3A_131 : memref<2x96xi32, #tpu.memory_space<hbm>>) target(%arg8 : memref<2x96xi32, #tpu.memory_space<vmem>>) target_semaphore(%arg18 : memref<!tpu.dma_semaphore, #tpu.memory_space<semaphore_mem>>)
        %add3A_132 = arith.addi %select_n3A, %mul3A_74 : i32
        %add3A_133 = arith.constant 5 : i32
        %add3A_134 = arith.addi %add3A_132, %add3A_133 : i32
        %dma_wait3A_135 = arith.constant 0 : i32
        %dma_wait3A_136 = arith.constant 0 : i32
        %dma_wait3A_137 = tpu.memref_slice %arg3[%add3A_134, %dma_wait3A_135, %dma_wait3A_136] : memref<3360x2x96xi32, #tpu.memory_space<hbm>> -> memref<1x2x96xi32, #tpu.memory_space<hbm>>
        %dma_wait3A_138 = tpu.memref_squeeze %dma_wait3A_137 : memref<1x2x96xi32, #tpu.memory_space<hbm>> -> memref<2x96xi32, #tpu.memory_space<hbm>>
        %dma_wait3A_139 = arith.constant 0 : i32
        %dma_wait3A_140 = arith.constant 0 : i32
        %dma_wait3A_141 = tpu.memref_slice %arg3[%add3A_134, %dma_wait3A_139, %dma_wait3A_140] : memref<3360x2x96xi32, #tpu.memory_space<hbm>> -> memref<1x2x96xi32, #tpu.memory_space<hbm>>
        %dma_wait3A_142 = tpu.memref_squeeze %dma_wait3A_141 : memref<1x2x96xi32, #tpu.memory_space<hbm>> -> memref<2x96xi32, #tpu.memory_space<hbm>>
        tpu.wait_dma2 semaphore(%arg18 : memref<!tpu.dma_semaphore, #tpu.memory_space<semaphore_mem>>) src(%dma_wait3A_142 : memref<2x96xi32, #tpu.memory_space<hbm>>) dst(%arg8 : memref<2x96xi32, #tpu.memory_space<vmem>>)
        %dma_start3A_143 = arith.constant 0 : i32
        %dma_start3A_144 = arith.constant 0 : i32
        %dma_start3A_145 = tpu.memref_slice %arg8[%dma_start3A_143, %dma_start3A_144] : memref<2x96xi32, #tpu.memory_space<vmem>> -> memref<1x96xi32, #tpu.memory_space<vmem>>
        %dma_start3A_146 = tpu.memref_squeeze %dma_start3A_145 : memref<1x96xi32, #tpu.memory_space<vmem>> -> memref<96xi32, #tpu.memory_space<vmem>>
        %dma_start3A_147 = arith.constant 0 : i32
        %dma_start3A_148 = arith.constant 0 : i32
        %dma_start3A_149 = tpu.memref_slice %arg2[%dma_start3A_147, %dma_start3A_148] : memref<10000x128xf32, #tpu.memory_space<hbm>> -> memref<10000x128xf32, #tpu.memory_space<hbm>>
        tpu.enqueue_indirect_dma source(%dma_start3A_149 : memref<10000x128xf32, #tpu.memory_space<hbm>>) target(%arg11 : memref<96x128xf32, #tpu.memory_space<vmem>>) offsets(%dma_start3A_146 : memref<96xi32, #tpu.memory_space<vmem>>) semaphore(%arg15 : memref<!tpu.dma_semaphore, #tpu.memory_space<semaphore_mem>>)
      } else {
      }
      %while3A_120 = arith.constant 0 : i32
      scf.yield %while3A_120 : i32
    }
    %barrier3A_66 = arith.constant 0 : index
    tpu.barrier barrier_id(%barrier3A_66)
    %mul3A_67 = arith.constant 640 : i32
    %mul3A_68 = arith.muli %arg1, %mul3A_67 : i32
    %mul3A_69 = arith.constant 640 : i32
    %mul3A_70 = arith.muli %arg1, %mul3A_69 : i32
    "tpu.region"() ({
      %run_scoped3A = tpu.sem_alloc : memref<!tpu.dma_semaphore, #tpu.memory_space<semaphore_mem>>
      %dma_start3A_71 = arith.constant 0 : i32
      %dma_start3A_72 = tpu.memref_slice %arg5[%arg0, %mul3A_70, %dma_start3A_71] : memref<2x10240x128xf32, #tpu.memory_space<hbm>> -> memref<1x640x128xf32, #tpu.memory_space<hbm>>
      %dma_start3A_73 = tpu.memref_squeeze %dma_start3A_72 : memref<1x640x128xf32, #tpu.memory_space<hbm>> -> memref<640x128xf32, #tpu.memory_space<hbm>>
      %dma_start3A_74 = arith.constant 0 : i32
      %dma_start3A_75 = tpu.memref_slice %arg12[%mul3A_68, %dma_start3A_74] : memref<10240x128xf32, #tpu.memory_space<vmem_shared>> -> memref<640x128xf32, #tpu.memory_space<vmem_shared>>
      tpu.enqueue_dma source(%dma_start3A_75 : memref<640x128xf32, #tpu.memory_space<vmem_shared>>) target(%dma_start3A_73 : memref<640x128xf32, #tpu.memory_space<hbm>>) target_semaphore(%run_scoped3A : memref<!tpu.dma_semaphore, #tpu.memory_space<semaphore_mem>>)
      %dma_wait3A = arith.constant 0 : i32
      %dma_wait3A_76 = tpu.memref_slice %arg5[%arg0, %mul3A_70, %dma_wait3A] : memref<2x10240x128xf32, #tpu.memory_space<hbm>> -> memref<1x640x128xf32, #tpu.memory_space<hbm>>
      %dma_wait3A_77 = tpu.memref_squeeze %dma_wait3A_76 : memref<1x640x128xf32, #tpu.memory_space<hbm>> -> memref<640x128xf32, #tpu.memory_space<hbm>>
      %dma_wait3A_78 = arith.constant 0 : i32
      %dma_wait3A_79 = tpu.memref_slice %arg12[%mul3A_68, %dma_wait3A_78] : memref<10240x128xf32, #tpu.memory_space<vmem_shared>> -> memref<640x128xf32, #tpu.memory_space<vmem_shared>>
      tpu.wait_dma2 semaphore(%run_scoped3A : memref<!tpu.dma_semaphore, #tpu.memory_space<semaphore_mem>>) src(%dma_wait3A_79 : memref<640x128xf32, #tpu.memory_space<vmem_shared>>) dst(%dma_wait3A_77 : memref<640x128xf32, #tpu.memory_space<hbm>>)
      tpu.yield
    }) : () -> ()
    return
  }
}

#map = affine_map<(d0, d1) -> (0, 0)>
#map1 = affine_map<(d0, d1) -> (0, 0, 0)>
module attributes {stable_mosaic.version = 14 : i64} {
  func.func @scat_kernel(%arg0: i32, %arg1: i32, %arg2: memref<10000x128xf32, #tpu.memory_space<hbm>>, %arg3: memref<3360x2x96xi32, #tpu.memory_space<hbm>>, %arg4: memref<640x128xf32, #tpu.memory_space<hbm>>, %arg5: memref<2x10240x128xf32, #tpu.memory_space<hbm>>, %arg6: memref<2x96xi32, #tpu.memory_space<vmem>>, %arg7: memref<2x96xi32, #tpu.memory_space<vmem>>, %arg8: memref<2x96xi32, #tpu.memory_space<vmem>>, %arg9: memref<96x128xf32, #tpu.memory_space<vmem>>, %arg10: memref<96x128xf32, #tpu.memory_space<vmem>>, %arg11: memref<96x128xf32, #tpu.memory_space<vmem>>, %arg12: memref<10240x128xf32, #tpu.memory_space<vmem_shared>>, %arg13: memref<!tpu.dma_semaphore, #tpu.memory_space<semaphore_mem>>, %arg14: memref<!tpu.dma_semaphore, #tpu.memory_space<semaphore_mem>>, %arg15: memref<!tpu.dma_semaphore, #tpu.memory_space<semaphore_mem>>, %arg16: memref<!tpu.dma_semaphore, #tpu.memory_space<semaphore_mem>>, %arg17: memref<!tpu.dma_semaphore, #tpu.memory_space<semaphore_mem>>, %arg18: memref<!tpu.dma_semaphore, #tpu.memory_space<semaphore_mem>>) attributes {dimension_semantics = [#tpu.dimension_semantics<core_parallel>, #tpu.dimension_semantics<subcore_parallel>], iteration_bounds = array<i64: 2, 16>, scalar_prefetch = 0 : i64, scratch_operands = 13 : i64, tpu.core_type = #tpu.core_type<sc_vector_subcore>, window_params = [{transform_indices = #map}, {transform_indices = #map1}, {transform_indices = #map}, {transform_indices = #map1}]} {
    %eq3A = arith.constant 0 : i32
    %eq3A_0 = arith.cmpi eq, %arg0, %eq3A : i32
    %mul3A = arith.constant 164 : i32
    %mul3A_1 = arith.muli %arg1, %mul3A : i32
    %mul3A_2 = arith.constant 46 : i32
    %mul3A_3 = arith.muli %arg1, %mul3A_2 : i32
    %add3A = arith.constant 2624 : i32
    %add3A_4 = arith.addi %add3A, %mul3A_3 : i32
    %select_n3A = arith.select %eq3A_0, %mul3A_1, %add3A_4 : i32
    %eq3A_5 = arith.constant 0 : i32
    %eq3A_6 = arith.cmpi eq, %arg0, %eq3A_5 : i32
    %jit3A = arith.constant 164 : i32
    %jit3A_7 = arith.constant 46 : i32
    %select_n3A_8 = arith.select %eq3A_6, %jit3A, %jit3A_7 : i32
    %mul3A_9 = arith.constant 640 : i32
    %mul3A_10 = arith.muli %arg1, %mul3A_9 : i32
    "tpu.region"() ({
      %run_scoped3A = tpu.sem_alloc : memref<!tpu.dma_semaphore, #tpu.memory_space<semaphore_mem>>
      %dma_start3A_71 = arith.constant 0 : i32
      %dma_start3A_72 = tpu.memref_slice %arg12[%mul3A_10, %dma_start3A_71] : memref<10240x128xf32, #tpu.memory_space<vmem_shared>> -> memref<640x128xf32, #tpu.memory_space<vmem_shared>>
      tpu.enqueue_dma source(%arg4 : memref<640x128xf32, #tpu.memory_space<hbm>>) target(%dma_start3A_72 : memref<640x128xf32, #tpu.memory_space<vmem_shared>>) target_semaphore(%run_scoped3A : memref<!tpu.dma_semaphore, #tpu.memory_space<semaphore_mem>>)
      %dma_wait3A = arith.constant 0 : i32
      %dma_wait3A_73 = tpu.memref_slice %arg12[%mul3A_10, %dma_wait3A] : memref<10240x128xf32, #tpu.memory_space<vmem_shared>> -> memref<640x128xf32, #tpu.memory_space<vmem_shared>>
      tpu.wait_dma2 semaphore(%run_scoped3A : memref<!tpu.dma_semaphore, #tpu.memory_space<semaphore_mem>>) src(%arg4 : memref<640x128xf32, #tpu.memory_space<hbm>>) dst(%dma_wait3A_73 : memref<640x128xf32, #tpu.memory_space<vmem_shared>>)
      tpu.yield
    }) : () -> ()
    %barrier3A = arith.constant 0 : index
    tpu.barrier barrier_id(%barrier3A)
    "tpu.region"() ({
      %run_scoped3A = tpu.sem_alloc : memref<!tpu.dma_semaphore, #tpu.memory_space<semaphore_mem>>
      %dma_start3A_71 = arith.constant 0 : i32
      %dma_start3A_72 = arith.constant 0 : i32
      %dma_start3A_73 = tpu.memref_slice %arg3[%select_n3A, %dma_start3A_71, %dma_start3A_72] : memref<3360x2x96xi32, #tpu.memory_space<hbm>> -> memref<1x2x96xi32, #tpu.memory_space<hbm>>
      %dma_start3A_74 = tpu.memref_squeeze %dma_start3A_73 : memref<1x2x96xi32, #tpu.memory_space<hbm>> -> memref<2x96xi32, #tpu.memory_space<hbm>>
      %dma_start3A_75 = arith.constant 0 : i32
      %dma_start3A_76 = arith.constant 0 : i32
      %dma_start3A_77 = tpu.memref_slice %arg3[%select_n3A, %dma_start3A_75, %dma_start3A_76] : memref<3360x2x96xi32, #tpu.memory_space<hbm>> -> memref<1x2x96xi32, #tpu.memory_space<hbm>>
      %dma_start3A_78 = tpu.memref_squeeze %dma_start3A_77 : memref<1x2x96xi32, #tpu.memory_space<hbm>> -> memref<2x96xi32, #tpu.memory_space<hbm>>
      tpu.enqueue_dma source(%dma_start3A_78 : memref<2x96xi32, #tpu.memory_space<hbm>>) target(%arg6 : memref<2x96xi32, #tpu.memory_space<vmem>>) target_semaphore(%run_scoped3A : memref<!tpu.dma_semaphore, #tpu.memory_space<semaphore_mem>>)
      %dma_wait3A = arith.constant 0 : i32
      %dma_wait3A_79 = arith.constant 0 : i32
      %dma_wait3A_80 = tpu.memref_slice %arg3[%select_n3A, %dma_wait3A, %dma_wait3A_79] : memref<3360x2x96xi32, #tpu.memory_space<hbm>> -> memref<1x2x96xi32, #tpu.memory_space<hbm>>
      %dma_wait3A_81 = tpu.memref_squeeze %dma_wait3A_80 : memref<1x2x96xi32, #tpu.memory_space<hbm>> -> memref<2x96xi32, #tpu.memory_space<hbm>>
      %dma_wait3A_82 = arith.constant 0 : i32
      %dma_wait3A_83 = arith.constant 0 : i32
      %dma_wait3A_84 = tpu.memref_slice %arg3[%select_n3A, %dma_wait3A_82, %dma_wait3A_83] : memref<3360x2x96xi32, #tpu.memory_space<hbm>> -> memref<1x2x96xi32, #tpu.memory_space<hbm>>
      %dma_wait3A_85 = tpu.memref_squeeze %dma_wait3A_84 : memref<1x2x96xi32, #tpu.memory_space<hbm>> -> memref<2x96xi32, #tpu.memory_space<hbm>>
      tpu.wait_dma2 semaphore(%run_scoped3A : memref<!tpu.dma_semaphore, #tpu.memory_space<semaphore_mem>>) src(%dma_wait3A_85 : memref<2x96xi32, #tpu.memory_space<hbm>>) dst(%arg6 : memref<2x96xi32, #tpu.memory_space<vmem>>)
      tpu.yield
    }) : () -> ()
    %add3A_11 = arith.constant 1 : i32
    %add3A_12 = arith.addi %select_n3A, %add3A_11 : i32
    "tpu.region"() ({
      %run_scoped3A = tpu.sem_alloc : memref<!tpu.dma_semaphore, #tpu.memory_space<semaphore_mem>>
      %dma_start3A_71 = arith.constant 0 : i32
      %dma_start3A_72 = arith.constant 0 : i32
      %dma_start3A_73 = tpu.memref_slice %arg3[%add3A_12, %dma_start3A_71, %dma_start3A_72] : memref<3360x2x96xi32, #tpu.memory_space<hbm>> -> memref<1x2x96xi32, #tpu.memory_space<hbm>>
      %dma_start3A_74 = tpu.memref_squeeze %dma_start3A_73 : memref<1x2x96xi32, #tpu.memory_space<hbm>> -> memref<2x96xi32, #tpu.memory_space<hbm>>
      %dma_start3A_75 = arith.constant 0 : i32
      %dma_start3A_76 = arith.constant 0 : i32
      %dma_start3A_77 = tpu.memref_slice %arg3[%add3A_12, %dma_start3A_75, %dma_start3A_76] : memref<3360x2x96xi32, #tpu.memory_space<hbm>> -> memref<1x2x96xi32, #tpu.memory_space<hbm>>
      %dma_start3A_78 = tpu.memref_squeeze %dma_start3A_77 : memref<1x2x96xi32, #tpu.memory_space<hbm>> -> memref<2x96xi32, #tpu.memory_space<hbm>>
      tpu.enqueue_dma source(%dma_start3A_78 : memref<2x96xi32, #tpu.memory_space<hbm>>) target(%arg7 : memref<2x96xi32, #tpu.memory_space<vmem>>) target_semaphore(%run_scoped3A : memref<!tpu.dma_semaphore, #tpu.memory_space<semaphore_mem>>)
      %dma_wait3A = arith.constant 0 : i32
      %dma_wait3A_79 = arith.constant 0 : i32
      %dma_wait3A_80 = tpu.memref_slice %arg3[%add3A_12, %dma_wait3A, %dma_wait3A_79] : memref<3360x2x96xi32, #tpu.memory_space<hbm>> -> memref<1x2x96xi32, #tpu.memory_space<hbm>>
      %dma_wait3A_81 = tpu.memref_squeeze %dma_wait3A_80 : memref<1x2x96xi32, #tpu.memory_space<hbm>> -> memref<2x96xi32, #tpu.memory_space<hbm>>
      %dma_wait3A_82 = arith.constant 0 : i32
      %dma_wait3A_83 = arith.constant 0 : i32
      %dma_wait3A_84 = tpu.memref_slice %arg3[%add3A_12, %dma_wait3A_82, %dma_wait3A_83] : memref<3360x2x96xi32, #tpu.memory_space<hbm>> -> memref<1x2x96xi32, #tpu.memory_space<hbm>>
      %dma_wait3A_85 = tpu.memref_squeeze %dma_wait3A_84 : memref<1x2x96xi32, #tpu.memory_space<hbm>> -> memref<2x96xi32, #tpu.memory_space<hbm>>
      tpu.wait_dma2 semaphore(%run_scoped3A : memref<!tpu.dma_semaphore, #tpu.memory_space<semaphore_mem>>) src(%dma_wait3A_85 : memref<2x96xi32, #tpu.memory_space<hbm>>) dst(%arg7 : memref<2x96xi32, #tpu.memory_space<vmem>>)
      tpu.yield
    }) : () -> ()
    %add3A_13 = arith.constant 2 : i32
    %add3A_14 = arith.addi %select_n3A, %add3A_13 : i32
    "tpu.region"() ({
      %run_scoped3A = tpu.sem_alloc : memref<!tpu.dma_semaphore, #tpu.memory_space<semaphore_mem>>
      %dma_start3A_71 = arith.constant 0 : i32
      %dma_start3A_72 = arith.constant 0 : i32
      %dma_start3A_73 = tpu.memref_slice %arg3[%add3A_14, %dma_start3A_71, %dma_start3A_72] : memref<3360x2x96xi32, #tpu.memory_space<hbm>> -> memref<1x2x96xi32, #tpu.memory_space<hbm>>
      %dma_start3A_74 = tpu.memref_squeeze %dma_start3A_73 : memref<1x2x96xi32, #tpu.memory_space<hbm>> -> memref<2x96xi32, #tpu.memory_space<hbm>>
      %dma_start3A_75 = arith.constant 0 : i32
      %dma_start3A_76 = arith.constant 0 : i32
      %dma_start3A_77 = tpu.memref_slice %arg3[%add3A_14, %dma_start3A_75, %dma_start3A_76] : memref<3360x2x96xi32, #tpu.memory_space<hbm>> -> memref<1x2x96xi32, #tpu.memory_space<hbm>>
      %dma_start3A_78 = tpu.memref_squeeze %dma_start3A_77 : memref<1x2x96xi32, #tpu.memory_space<hbm>> -> memref<2x96xi32, #tpu.memory_space<hbm>>
      tpu.enqueue_dma source(%dma_start3A_78 : memref<2x96xi32, #tpu.memory_space<hbm>>) target(%arg8 : memref<2x96xi32, #tpu.memory_space<vmem>>) target_semaphore(%run_scoped3A : memref<!tpu.dma_semaphore, #tpu.memory_space<semaphore_mem>>)
      %dma_wait3A = arith.constant 0 : i32
      %dma_wait3A_79 = arith.constant 0 : i32
      %dma_wait3A_80 = tpu.memref_slice %arg3[%add3A_14, %dma_wait3A, %dma_wait3A_79] : memref<3360x2x96xi32, #tpu.memory_space<hbm>> -> memref<1x2x96xi32, #tpu.memory_space<hbm>>
      %dma_wait3A_81 = tpu.memref_squeeze %dma_wait3A_80 : memref<1x2x96xi32, #tpu.memory_space<hbm>> -> memref<2x96xi32, #tpu.memory_space<hbm>>
      %dma_wait3A_82 = arith.constant 0 : i32
      %dma_wait3A_83 = arith.constant 0 : i32
      %dma_wait3A_84 = tpu.memref_slice %arg3[%add3A_14, %dma_wait3A_82, %dma_wait3A_83] : memref<3360x2x96xi32, #tpu.memory_space<hbm>> -> memref<1x2x96xi32, #tpu.memory_space<hbm>>
      %dma_wait3A_85 = tpu.memref_squeeze %dma_wait3A_84 : memref<1x2x96xi32, #tpu.memory_space<hbm>> -> memref<2x96xi32, #tpu.memory_space<hbm>>
      tpu.wait_dma2 semaphore(%run_scoped3A : memref<!tpu.dma_semaphore, #tpu.memory_space<semaphore_mem>>) src(%dma_wait3A_85 : memref<2x96xi32, #tpu.memory_space<hbm>>) dst(%arg8 : memref<2x96xi32, #tpu.memory_space<vmem>>)
      tpu.yield
    }) : () -> ()
    %dma_start3A = arith.constant 0 : i32
    %dma_start3A_15 = arith.constant 0 : i32
    %dma_start3A_16 = tpu.memref_slice %arg6[%dma_start3A, %dma_start3A_15] : memref<2x96xi32, #tpu.memory_space<vmem>> -> memref<1x96xi32, #tpu.memory_space<vmem>>
    %dma_start3A_17 = tpu.memref_squeeze %dma_start3A_16 : memref<1x96xi32, #tpu.memory_space<vmem>> -> memref<96xi32, #tpu.memory_space<vmem>>
    %dma_start3A_18 = arith.constant 0 : i32
    %dma_start3A_19 = arith.constant 0 : i32
    %dma_start3A_20 = tpu.memref_slice %arg2[%dma_start3A_18, %dma_start3A_19] : memref<10000x128xf32, #tpu.memory_space<hbm>> -> memref<10000x128xf32, #tpu.memory_space<hbm>>
    tpu.enqueue_indirect_dma source(%dma_start3A_20 : memref<10000x128xf32, #tpu.memory_space<hbm>>) target(%arg9 : memref<96x128xf32, #tpu.memory_space<vmem>>) offsets(%dma_start3A_17 : memref<96xi32, #tpu.memory_space<vmem>>) semaphore(%arg13 : memref<!tpu.dma_semaphore, #tpu.memory_space<semaphore_mem>>)
    %dma_start3A_21 = arith.constant 0 : i32
    %dma_start3A_22 = arith.constant 0 : i32
    %dma_start3A_23 = tpu.memref_slice %arg7[%dma_start3A_21, %dma_start3A_22] : memref<2x96xi32, #tpu.memory_space<vmem>> -> memref<1x96xi32, #tpu.memory_space<vmem>>
    %dma_start3A_24 = tpu.memref_squeeze %dma_start3A_23 : memref<1x96xi32, #tpu.memory_space<vmem>> -> memref<96xi32, #tpu.memory_space<vmem>>
    %dma_start3A_25 = arith.constant 0 : i32
    %dma_start3A_26 = arith.constant 0 : i32
    %dma_start3A_27 = tpu.memref_slice %arg2[%dma_start3A_25, %dma_start3A_26] : memref<10000x128xf32, #tpu.memory_space<hbm>> -> memref<10000x128xf32, #tpu.memory_space<hbm>>
    tpu.enqueue_indirect_dma source(%dma_start3A_27 : memref<10000x128xf32, #tpu.memory_space<hbm>>) target(%arg10 : memref<96x128xf32, #tpu.memory_space<vmem>>) offsets(%dma_start3A_24 : memref<96xi32, #tpu.memory_space<vmem>>) semaphore(%arg14 : memref<!tpu.dma_semaphore, #tpu.memory_space<semaphore_mem>>)
    %dma_start3A_28 = arith.constant 0 : i32
    %dma_start3A_29 = arith.constant 0 : i32
    %dma_start3A_30 = tpu.memref_slice %arg8[%dma_start3A_28, %dma_start3A_29] : memref<2x96xi32, #tpu.memory_space<vmem>> -> memref<1x96xi32, #tpu.memory_space<vmem>>
    %dma_start3A_31 = tpu.memref_squeeze %dma_start3A_30 : memref<1x96xi32, #tpu.memory_space<vmem>> -> memref<96xi32, #tpu.memory_space<vmem>>
    %dma_start3A_32 = arith.constant 0 : i32
    %dma_start3A_33 = arith.constant 0 : i32
    %dma_start3A_34 = tpu.memref_slice %arg2[%dma_start3A_32, %dma_start3A_33] : memref<10000x128xf32, #tpu.memory_space<hbm>> -> memref<10000x128xf32, #tpu.memory_space<hbm>>
    tpu.enqueue_indirect_dma source(%dma_start3A_34 : memref<10000x128xf32, #tpu.memory_space<hbm>>) target(%arg11 : memref<96x128xf32, #tpu.memory_space<vmem>>) offsets(%dma_start3A_31 : memref<96xi32, #tpu.memory_space<vmem>>) semaphore(%arg15 : memref<!tpu.dma_semaphore, #tpu.memory_space<semaphore_mem>>)
    %add3A_35 = arith.constant 2 : i32
    %add3A_36 = arith.addi %select_n3A_8, %add3A_35 : i32
    %jit3A_37 = arith.constant 3 : i32
    %div3A = arith.divsi %add3A_36, %jit3A_37 : i32
    %sign3A = arith.constant 0 : i32
    %sign3A_38 = arith.cmpi sgt, %add3A_36, %sign3A : i32
    %sign3A_39 = arith.extui %sign3A_38 : i1 to i32
    %sign3A_40 = arith.constant 0 : i32
    %sign3A_41 = arith.cmpi slt, %add3A_36, %sign3A_40 : i32
    %sign3A_42 = arith.extui %sign3A_41 : i1 to i32
    %sign3A_43 = arith.subi %sign3A_39, %sign3A_42 : i32
    %sign3A_44 = arith.constant 0 : i32
    %sign3A_45 = arith.cmpi sgt, %jit3A_37, %sign3A_44 : i32
    %sign3A_46 = arith.extui %sign3A_45 : i1 to i32
    %sign3A_47 = arith.constant 0 : i32
    %sign3A_48 = arith.cmpi slt, %jit3A_37, %sign3A_47 : i32
    %sign3A_49 = arith.extui %sign3A_48 : i1 to i32
    %sign3A_50 = arith.subi %sign3A_46, %sign3A_49 : i32
    %ne3A = arith.cmpi ne, %sign3A_43, %sign3A_50 : i32
    %rem3A = arith.remsi %add3A_36, %jit3A_37 : i32
    %ne3A_51 = arith.constant 0 : i32
    %ne3A_52 = arith.cmpi ne, %rem3A, %ne3A_51 : i32
    %and3A = arith.andi %ne3A, %ne3A_52 : i1
    %sub3A = arith.constant 1 : i32
    %sub3A_53 = arith.subi %div3A, %sub3A : i32
    %select_n3A_54 = arith.select %and3A, %sub3A_53, %div3A : i32
    %while3A = arith.constant 0 : i32
    %while3A_55 = arith.constant 0 : i32
    %while3A_56 = arith.subi %select_n3A_54, %while3A : i32
    %while3A_57 = arith.addi %while3A, %while3A_56 : i32
    %while3A_58 = arith.constant 1 : i32
    %while3A_59 = arith.divsi %while3A_56, %while3A_58 : i32
    %while3A_60 = arith.muli %while3A_59, %while3A_58 : i32
    %while3A_61 = arith.addi %while3A, %while3A_60 : i32
    %while3A_62 = arith.constant 1 : i32
    %while3A_63 = scf.for %while3A_71 = %while3A to %while3A_61 step %while3A_62 iter_args(%while3A_72 = %while3A_55) -> (i32)  : i32 {
      %mul3A_73 = arith.constant 3 : i32
      %mul3A_74 = arith.muli %mul3A_73, %while3A_71 : i32
      %dma_wait3A = arith.constant 0 : i32
      %dma_wait3A_75 = arith.constant 0 : i32
      %dma_wait3A_76 = tpu.memref_slice %arg6[%dma_wait3A, %dma_wait3A_75] : memref<2x96xi32, #tpu.memory_space<vmem>> -> memref<1x96xi32, #tpu.memory_space<vmem>>
      %dma_wait3A_77 = tpu.memref_squeeze %dma_wait3A_76 : memref<1x96xi32, #tpu.memory_space<vmem>> -> memref<96xi32, #tpu.memory_space<vmem>>
      %dma_wait3A_78 = arith.constant 0 : i32
      %dma_wait3A_79 = arith.constant 0 : i32
      %dma_wait3A_80 = tpu.memref_slice %arg2[%dma_wait3A_78, %dma_wait3A_79] : memref<10000x128xf32, #tpu.memory_space<hbm>> -> memref<10000x128xf32, #tpu.memory_space<hbm>>
      tpu.wait_indirect_dma semaphore(%arg13 : memref<!tpu.dma_semaphore, #tpu.memory_space<semaphore_mem>>) src(%dma_wait3A_80 : memref<10000x128xf32, #tpu.memory_space<hbm>>) dst(%arg9 : memref<96x128xf32, #tpu.memory_space<vmem>>)
      %run_scoped3A = arith.constant 1 : i32
      "tpu.region"() ({
        %run_scoped3A_121 = tpu.sem_alloc : memref<!tpu.dma_semaphore, #tpu.memory_space<semaphore_mem>>
        %dma_start3A_122 = arith.constant 0 : i32
        %dma_start3A_123 = tpu.memref_slice %arg6[%run_scoped3A, %dma_start3A_122] : memref<2x96xi32, #tpu.memory_space<vmem>> -> memref<1x96xi32, #tpu.memory_space<vmem>>
        %dma_start3A_124 = tpu.memref_squeeze %dma_start3A_123 : memref<1x96xi32, #tpu.memory_space<vmem>> -> memref<96xi32, #tpu.memory_space<vmem>>
        %dma_start3A_125 = arith.constant 0 : i32
        %dma_start3A_126 = arith.constant 0 : i32
        %dma_start3A_127 = tpu.memref_slice %arg12[%dma_start3A_125, %dma_start3A_126] : memref<10240x128xf32, #tpu.memory_space<vmem_shared>> -> memref<10240x128xf32, #tpu.memory_space<vmem_shared>>
        tpu.enqueue_indirect_dma source(%arg9 : memref<96x128xf32, #tpu.memory_space<vmem>>) target(%dma_start3A_127 : memref<10240x128xf32, #tpu.memory_space<vmem_shared>>) offsets(%dma_start3A_124 : memref<96xi32, #tpu.memory_space<vmem>>) semaphore(%run_scoped3A_121 : memref<!tpu.dma_semaphore, #tpu.memory_space<semaphore_mem>>) {add = true}
        %dma_wait3A_128 = arith.constant 0 : i32
        %dma_wait3A_129 = tpu.memref_slice %arg6[%run_scoped3A, %dma_wait3A_128] : memref<2x96xi32, #tpu.memory_space<vmem>> -> memref<1x96xi32, #tpu.memory_space<vmem>>
        %dma_wait3A_130 = tpu.memref_squeeze %dma_wait3A_129 : memref<1x96xi32, #tpu.memory_space<vmem>> -> memref<96xi32, #tpu.memory_space<vmem>>
        %dma_wait3A_131 = arith.constant 0 : i32
        %dma_wait3A_132 = arith.constant 0 : i32
        %dma_wait3A_133 = tpu.memref_slice %arg12[%dma_wait3A_131, %dma_wait3A_132] : memref<10240x128xf32, #tpu.memory_space<vmem_shared>> -> memref<10240x128xf32, #tpu.memory_space<vmem_shared>>
        tpu.wait_indirect_dma semaphore(%run_scoped3A_121 : memref<!tpu.dma_semaphore, #tpu.memory_space<semaphore_mem>>) src(%arg9 : memref<96x128xf32, #tpu.memory_space<vmem>>) dst(%dma_wait3A_133 : memref<10240x128xf32, #tpu.memory_space<vmem_shared>>)
        tpu.yield
      }) : () -> ()
      %add3A_81 = arith.constant 3 : i32
      %add3A_82 = arith.addi %mul3A_74, %add3A_81 : i32
      %lt3A = arith.cmpi slt, %add3A_82, %select_n3A_8 : i32
      %convert_element_type3A = arith.extui %lt3A : i1 to i32
      %cond3A = arith.constant 0 : i32
      %cond3A_83 = arith.cmpi ne, %convert_element_type3A, %cond3A : i32
      scf.if %cond3A_83 {
        %add3A_121 = arith.addi %select_n3A, %mul3A_74 : i32
        %add3A_122 = arith.constant 3 : i32
        %add3A_123 = arith.addi %add3A_121, %add3A_122 : i32
        %dma_start3A_124 = arith.constant 0 : i32
        %dma_start3A_125 = arith.constant 0 : i32
        %dma_start3A_126 = tpu.memref_slice %arg3[%add3A_123, %dma_start3A_124, %dma_start3A_125] : memref<3360x2x96xi32, #tpu.memory_space<hbm>> -> memref<1x2x96xi32, #tpu.memory_space<hbm>>
        %dma_start3A_127 = tpu.memref_squeeze %dma_start3A_126 : memref<1x2x96xi32, #tpu.memory_space<hbm>> -> memref<2x96xi32, #tpu.memory_space<hbm>>
        %dma_start3A_128 = arith.constant 0 : i32
        %dma_start3A_129 = arith.constant 0 : i32
        %dma_start3A_130 = tpu.memref_slice %arg3[%add3A_123, %dma_start3A_128, %dma_start3A_129] : memref<3360x2x96xi32, #tpu.memory_space<hbm>> -> memref<1x2x96xi32, #tpu.memory_space<hbm>>
        %dma_start3A_131 = tpu.memref_squeeze %dma_start3A_130 : memref<1x2x96xi32, #tpu.memory_space<hbm>> -> memref<2x96xi32, #tpu.memory_space<hbm>>
        tpu.enqueue_dma source(%dma_start3A_131 : memref<2x96xi32, #tpu.memory_space<hbm>>) target(%arg6 : memref<2x96xi32, #tpu.memory_space<vmem>>) target_semaphore(%arg16 : memref<!tpu.dma_semaphore, #tpu.memory_space<semaphore_mem>>)
      } else {
      }
      %add3A_84 = arith.constant 1 : i32
      %add3A_85 = arith.addi %mul3A_74, %add3A_84 : i32
      %lt3A_86 = arith.cmpi slt, %add3A_85, %select_n3A_8 : i32
      %convert_element_type3A_87 = arith.extui %lt3A_86 : i1 to i32
      %cond3A_88 = arith.constant 0 : i32
      %cond3A_89 = arith.cmpi ne, %convert_element_type3A_87, %cond3A_88 : i32
      scf.if %cond3A_89 {
        %dma_wait3A_121 = arith.constant 0 : i32
        %dma_wait3A_122 = arith.constant 0 : i32
        %dma_wait3A_123 = tpu.memref_slice %arg7[%dma_wait3A_121, %dma_wait3A_122] : memref<2x96xi32, #tpu.memory_space<vmem>> -> memref<1x96xi32, #tpu.memory_space<vmem>>
        %dma_wait3A_124 = tpu.memref_squeeze %dma_wait3A_123 : memref<1x96xi32, #tpu.memory_space<vmem>> -> memref<96xi32, #tpu.memory_space<vmem>>
        %dma_wait3A_125 = arith.constant 0 : i32
        %dma_wait3A_126 = arith.constant 0 : i32
        %dma_wait3A_127 = tpu.memref_slice %arg2[%dma_wait3A_125, %dma_wait3A_126] : memref<10000x128xf32, #tpu.memory_space<hbm>> -> memref<10000x128xf32, #tpu.memory_space<hbm>>
        tpu.wait_indirect_dma semaphore(%arg14 : memref<!tpu.dma_semaphore, #tpu.memory_space<semaphore_mem>>) src(%dma_wait3A_127 : memref<10000x128xf32, #tpu.memory_space<hbm>>) dst(%arg10 : memref<96x128xf32, #tpu.memory_space<vmem>>)
        %run_scoped3A_128 = arith.constant 1 : i32
        "tpu.region"() ({
          %run_scoped3A_129 = tpu.sem_alloc : memref<!tpu.dma_semaphore, #tpu.memory_space<semaphore_mem>>
          %dma_start3A_130 = arith.constant 0 : i32
          %dma_start3A_131 = tpu.memref_slice %arg7[%run_scoped3A_128, %dma_start3A_130] : memref<2x96xi32, #tpu.memory_space<vmem>> -> memref<1x96xi32, #tpu.memory_space<vmem>>
          %dma_start3A_132 = tpu.memref_squeeze %dma_start3A_131 : memref<1x96xi32, #tpu.memory_space<vmem>> -> memref<96xi32, #tpu.memory_space<vmem>>
          %dma_start3A_133 = arith.constant 0 : i32
          %dma_start3A_134 = arith.constant 0 : i32
          %dma_start3A_135 = tpu.memref_slice %arg12[%dma_start3A_133, %dma_start3A_134] : memref<10240x128xf32, #tpu.memory_space<vmem_shared>> -> memref<10240x128xf32, #tpu.memory_space<vmem_shared>>
          tpu.enqueue_indirect_dma source(%arg10 : memref<96x128xf32, #tpu.memory_space<vmem>>) target(%dma_start3A_135 : memref<10240x128xf32, #tpu.memory_space<vmem_shared>>) offsets(%dma_start3A_132 : memref<96xi32, #tpu.memory_space<vmem>>) semaphore(%run_scoped3A_129 : memref<!tpu.dma_semaphore, #tpu.memory_space<semaphore_mem>>) {add = true}
          %dma_wait3A_136 = arith.constant 0 : i32
          %dma_wait3A_137 = tpu.memref_slice %arg7[%run_scoped3A_128, %dma_wait3A_136] : memref<2x96xi32, #tpu.memory_space<vmem>> -> memref<1x96xi32, #tpu.memory_space<vmem>>
          %dma_wait3A_138 = tpu.memref_squeeze %dma_wait3A_137 : memref<1x96xi32, #tpu.memory_space<vmem>> -> memref<96xi32, #tpu.memory_space<vmem>>
          %dma_wait3A_139 = arith.constant 0 : i32
          %dma_wait3A_140 = arith.constant 0 : i32
          %dma_wait3A_141 = tpu.memref_slice %arg12[%dma_wait3A_139, %dma_wait3A_140] : memref<10240x128xf32, #tpu.memory_space<vmem_shared>> -> memref<10240x128xf32, #tpu.memory_space<vmem_shared>>
          tpu.wait_indirect_dma semaphore(%run_scoped3A_129 : memref<!tpu.dma_semaphore, #tpu.memory_space<semaphore_mem>>) src(%arg10 : memref<96x128xf32, #tpu.memory_space<vmem>>) dst(%dma_wait3A_141 : memref<10240x128xf32, #tpu.memory_space<vmem_shared>>)
          tpu.yield
        }) : () -> ()
      } else {
      }
      %add3A_90 = arith.constant 3 : i32
      %add3A_91 = arith.addi %mul3A_74, %add3A_90 : i32
      %lt3A_92 = arith.cmpi slt, %add3A_91, %select_n3A_8 : i32
      %convert_element_type3A_93 = arith.extui %lt3A_92 : i1 to i32
      %cond3A_94 = arith.constant 0 : i32
      %cond3A_95 = arith.cmpi ne, %convert_element_type3A_93, %cond3A_94 : i32
      scf.if %cond3A_95 {
        %add3A_121 = arith.addi %select_n3A, %mul3A_74 : i32
        %add3A_122 = arith.constant 3 : i32
        %add3A_123 = arith.addi %add3A_121, %add3A_122 : i32
        %dma_wait3A_124 = arith.constant 0 : i32
        %dma_wait3A_125 = arith.constant 0 : i32
        %dma_wait3A_126 = tpu.memref_slice %arg3[%add3A_123, %dma_wait3A_124, %dma_wait3A_125] : memref<3360x2x96xi32, #tpu.memory_space<hbm>> -> memref<1x2x96xi32, #tpu.memory_space<hbm>>
        %dma_wait3A_127 = tpu.memref_squeeze %dma_wait3A_126 : memref<1x2x96xi32, #tpu.memory_space<hbm>> -> memref<2x96xi32, #tpu.memory_space<hbm>>
        %dma_wait3A_128 = arith.constant 0 : i32
        %dma_wait3A_129 = arith.constant 0 : i32
        %dma_wait3A_130 = tpu.memref_slice %arg3[%add3A_123, %dma_wait3A_128, %dma_wait3A_129] : memref<3360x2x96xi32, #tpu.memory_space<hbm>> -> memref<1x2x96xi32, #tpu.memory_space<hbm>>
        %dma_wait3A_131 = tpu.memref_squeeze %dma_wait3A_130 : memref<1x2x96xi32, #tpu.memory_space<hbm>> -> memref<2x96xi32, #tpu.memory_space<hbm>>
        tpu.wait_dma2 semaphore(%arg16 : memref<!tpu.dma_semaphore, #tpu.memory_space<semaphore_mem>>) src(%dma_wait3A_131 : memref<2x96xi32, #tpu.memory_space<hbm>>) dst(%arg6 : memref<2x96xi32, #tpu.memory_space<vmem>>)
        %dma_start3A_132 = arith.constant 0 : i32
        %dma_start3A_133 = arith.constant 0 : i32
        %dma_start3A_134 = tpu.memref_slice %arg6[%dma_start3A_132, %dma_start3A_133] : memref<2x96xi32, #tpu.memory_space<vmem>> -> memref<1x96xi32, #tpu.memory_space<vmem>>
        %dma_start3A_135 = tpu.memref_squeeze %dma_start3A_134 : memref<1x96xi32, #tpu.memory_space<vmem>> -> memref<96xi32, #tpu.memory_space<vmem>>
        %dma_start3A_136 = arith.constant 0 : i32
        %dma_start3A_137 = arith.constant 0 : i32
        %dma_start3A_138 = tpu.memref_slice %arg2[%dma_start3A_136, %dma_start3A_137] : memref<10000x128xf32, #tpu.memory_space<hbm>> -> memref<10000x128xf32, #tpu.memory_space<hbm>>
        tpu.enqueue_indirect_dma source(%dma_start3A_138 : memref<10000x128xf32, #tpu.memory_space<hbm>>) target(%arg9 : memref<96x128xf32, #tpu.memory_space<vmem>>) offsets(%dma_start3A_135 : memref<96xi32, #tpu.memory_space<vmem>>) semaphore(%arg13 : memref<!tpu.dma_semaphore, #tpu.memory_space<semaphore_mem>>)
      } else {
      }
      %add3A_96 = arith.constant 4 : i32
      %add3A_97 = arith.addi %mul3A_74, %add3A_96 : i32
      %lt3A_98 = arith.cmpi slt, %add3A_97, %select_n3A_8 : i32
      %convert_element_type3A_99 = arith.extui %lt3A_98 : i1 to i32
      %cond3A_100 = arith.constant 0 : i32
      %cond3A_101 = arith.cmpi ne, %convert_element_type3A_99, %cond3A_100 : i32
      scf.if %cond3A_101 {
        %add3A_121 = arith.addi %select_n3A, %mul3A_74 : i32
        %add3A_122 = arith.constant 4 : i32
        %add3A_123 = arith.addi %add3A_121, %add3A_122 : i32
        %dma_start3A_124 = arith.constant 0 : i32
        %dma_start3A_125 = arith.constant 0 : i32
        %dma_start3A_126 = tpu.memref_slice %arg3[%add3A_123, %dma_start3A_124, %dma_start3A_125] : memref<3360x2x96xi32, #tpu.memory_space<hbm>> -> memref<1x2x96xi32, #tpu.memory_space<hbm>>
        %dma_start3A_127 = tpu.memref_squeeze %dma_start3A_126 : memref<1x2x96xi32, #tpu.memory_space<hbm>> -> memref<2x96xi32, #tpu.memory_space<hbm>>
        %dma_start3A_128 = arith.constant 0 : i32
        %dma_start3A_129 = arith.constant 0 : i32
        %dma_start3A_130 = tpu.memref_slice %arg3[%add3A_123, %dma_start3A_128, %dma_start3A_129] : memref<3360x2x96xi32, #tpu.memory_space<hbm>> -> memref<1x2x96xi32, #tpu.memory_space<hbm>>
        %dma_start3A_131 = tpu.memref_squeeze %dma_start3A_130 : memref<1x2x96xi32, #tpu.memory_space<hbm>> -> memref<2x96xi32, #tpu.memory_space<hbm>>
        tpu.enqueue_dma source(%dma_start3A_131 : memref<2x96xi32, #tpu.memory_space<hbm>>) target(%arg7 : memref<2x96xi32, #tpu.memory_space<vmem>>) target_semaphore(%arg17 : memref<!tpu.dma_semaphore, #tpu.memory_space<semaphore_mem>>)
      } else {
      }
      %add3A_102 = arith.constant 2 : i32
      %add3A_103 = arith.addi %mul3A_74, %add3A_102 : i32
      %lt3A_104 = arith.cmpi slt, %add3A_103, %select_n3A_8 : i32
      %convert_element_type3A_105 = arith.extui %lt3A_104 : i1 to i32
      %cond3A_106 = arith.constant 0 : i32
      %cond3A_107 = arith.cmpi ne, %convert_element_type3A_105, %cond3A_106 : i32
      scf.if %cond3A_107 {
        %dma_wait3A_121 = arith.constant 0 : i32
        %dma_wait3A_122 = arith.constant 0 : i32
        %dma_wait3A_123 = tpu.memref_slice %arg8[%dma_wait3A_121, %dma_wait3A_122] : memref<2x96xi32, #tpu.memory_space<vmem>> -> memref<1x96xi32, #tpu.memory_space<vmem>>
        %dma_wait3A_124 = tpu.memref_squeeze %dma_wait3A_123 : memref<1x96xi32, #tpu.memory_space<vmem>> -> memref<96xi32, #tpu.memory_space<vmem>>
        %dma_wait3A_125 = arith.constant 0 : i32
        %dma_wait3A_126 = arith.constant 0 : i32
        %dma_wait3A_127 = tpu.memref_slice %arg2[%dma_wait3A_125, %dma_wait3A_126] : memref<10000x128xf32, #tpu.memory_space<hbm>> -> memref<10000x128xf32, #tpu.memory_space<hbm>>
        tpu.wait_indirect_dma semaphore(%arg15 : memref<!tpu.dma_semaphore, #tpu.memory_space<semaphore_mem>>) src(%dma_wait3A_127 : memref<10000x128xf32, #tpu.memory_space<hbm>>) dst(%arg11 : memref<96x128xf32, #tpu.memory_space<vmem>>)
        %run_scoped3A_128 = arith.constant 1 : i32
        "tpu.region"() ({
          %run_scoped3A_129 = tpu.sem_alloc : memref<!tpu.dma_semaphore, #tpu.memory_space<semaphore_mem>>
          %dma_start3A_130 = arith.constant 0 : i32
          %dma_start3A_131 = tpu.memref_slice %arg8[%run_scoped3A_128, %dma_start3A_130] : memref<2x96xi32, #tpu.memory_space<vmem>> -> memref<1x96xi32, #tpu.memory_space<vmem>>
          %dma_start3A_132 = tpu.memref_squeeze %dma_start3A_131 : memref<1x96xi32, #tpu.memory_space<vmem>> -> memref<96xi32, #tpu.memory_space<vmem>>
          %dma_start3A_133 = arith.constant 0 : i32
          %dma_start3A_134 = arith.constant 0 : i32
          %dma_start3A_135 = tpu.memref_slice %arg12[%dma_start3A_133, %dma_start3A_134] : memref<10240x128xf32, #tpu.memory_space<vmem_shared>> -> memref<10240x128xf32, #tpu.memory_space<vmem_shared>>
          tpu.enqueue_indirect_dma source(%arg11 : memref<96x128xf32, #tpu.memory_space<vmem>>) target(%dma_start3A_135 : memref<10240x128xf32, #tpu.memory_space<vmem_shared>>) offsets(%dma_start3A_132 : memref<96xi32, #tpu.memory_space<vmem>>) semaphore(%run_scoped3A_129 : memref<!tpu.dma_semaphore, #tpu.memory_space<semaphore_mem>>) {add = true}
          %dma_wait3A_136 = arith.constant 0 : i32
          %dma_wait3A_137 = tpu.memref_slice %arg8[%run_scoped3A_128, %dma_wait3A_136] : memref<2x96xi32, #tpu.memory_space<vmem>> -> memref<1x96xi32, #tpu.memory_space<vmem>>
          %dma_wait3A_138 = tpu.memref_squeeze %dma_wait3A_137 : memref<1x96xi32, #tpu.memory_space<vmem>> -> memref<96xi32, #tpu.memory_space<vmem>>
          %dma_wait3A_139 = arith.constant 0 : i32
          %dma_wait3A_140 = arith.constant 0 : i32
          %dma_wait3A_141 = tpu.memref_slice %arg12[%dma_wait3A_139, %dma_wait3A_140] : memref<10240x128xf32, #tpu.memory_space<vmem_shared>> -> memref<10240x128xf32, #tpu.memory_space<vmem_shared>>
          tpu.wait_indirect_dma semaphore(%run_scoped3A_129 : memref<!tpu.dma_semaphore, #tpu.memory_space<semaphore_mem>>) src(%arg11 : memref<96x128xf32, #tpu.memory_space<vmem>>) dst(%dma_wait3A_141 : memref<10240x128xf32, #tpu.memory_space<vmem_shared>>)
          tpu.yield
        }) : () -> ()
      } else {
      }
      %add3A_108 = arith.constant 4 : i32
      %add3A_109 = arith.addi %mul3A_74, %add3A_108 : i32
      %lt3A_110 = arith.cmpi slt, %add3A_109, %select_n3A_8 : i32
      %convert_element_type3A_111 = arith.extui %lt3A_110 : i1 to i32
      %cond3A_112 = arith.constant 0 : i32
      %cond3A_113 = arith.cmpi ne, %convert_element_type3A_111, %cond3A_112 : i32
      scf.if %cond3A_113 {
        %add3A_121 = arith.addi %select_n3A, %mul3A_74 : i32
        %add3A_122 = arith.constant 4 : i32
        %add3A_123 = arith.addi %add3A_121, %add3A_122 : i32
        %dma_wait3A_124 = arith.constant 0 : i32
        %dma_wait3A_125 = arith.constant 0 : i32
        %dma_wait3A_126 = tpu.memref_slice %arg3[%add3A_123, %dma_wait3A_124, %dma_wait3A_125] : memref<3360x2x96xi32, #tpu.memory_space<hbm>> -> memref<1x2x96xi32, #tpu.memory_space<hbm>>
        %dma_wait3A_127 = tpu.memref_squeeze %dma_wait3A_126 : memref<1x2x96xi32, #tpu.memory_space<hbm>> -> memref<2x96xi32, #tpu.memory_space<hbm>>
        %dma_wait3A_128 = arith.constant 0 : i32
        %dma_wait3A_129 = arith.constant 0 : i32
        %dma_wait3A_130 = tpu.memref_slice %arg3[%add3A_123, %dma_wait3A_128, %dma_wait3A_129] : memref<3360x2x96xi32, #tpu.memory_space<hbm>> -> memref<1x2x96xi32, #tpu.memory_space<hbm>>
        %dma_wait3A_131 = tpu.memref_squeeze %dma_wait3A_130 : memref<1x2x96xi32, #tpu.memory_space<hbm>> -> memref<2x96xi32, #tpu.memory_space<hbm>>
        tpu.wait_dma2 semaphore(%arg17 : memref<!tpu.dma_semaphore, #tpu.memory_space<semaphore_mem>>) src(%dma_wait3A_131 : memref<2x96xi32, #tpu.memory_space<hbm>>) dst(%arg7 : memref<2x96xi32, #tpu.memory_space<vmem>>)
        %dma_start3A_132 = arith.constant 0 : i32
        %dma_start3A_133 = arith.constant 0 : i32
        %dma_start3A_134 = tpu.memref_slice %arg7[%dma_start3A_132, %dma_start3A_133] : memref<2x96xi32, #tpu.memory_space<vmem>> -> memref<1x96xi32, #tpu.memory_space<vmem>>
        %dma_start3A_135 = tpu.memref_squeeze %dma_start3A_134 : memref<1x96xi32, #tpu.memory_space<vmem>> -> memref<96xi32, #tpu.memory_space<vmem>>
        %dma_start3A_136 = arith.constant 0 : i32
        %dma_start3A_137 = arith.constant 0 : i32
        %dma_start3A_138 = tpu.memref_slice %arg2[%dma_start3A_136, %dma_start3A_137] : memref<10000x128xf32, #tpu.memory_space<hbm>> -> memref<10000x128xf32, #tpu.memory_space<hbm>>
        tpu.enqueue_indirect_dma source(%dma_start3A_138 : memref<10000x128xf32, #tpu.memory_space<hbm>>) target(%arg10 : memref<96x128xf32, #tpu.memory_space<vmem>>) offsets(%dma_start3A_135 : memref<96xi32, #tpu.memory_space<vmem>>) semaphore(%arg14 : memref<!tpu.dma_semaphore, #tpu.memory_space<semaphore_mem>>)
      } else {
      }
      %add3A_114 = arith.constant 5 : i32
      %add3A_115 = arith.addi %mul3A_74, %add3A_114 : i32
      %lt3A_116 = arith.cmpi slt, %add3A_115, %select_n3A_8 : i32
      %convert_element_type3A_117 = arith.extui %lt3A_116 : i1 to i32
      %cond3A_118 = arith.constant 0 : i32
      %cond3A_119 = arith.cmpi ne, %convert_element_type3A_117, %cond3A_118 : i32
      scf.if %cond3A_119 {
        %add3A_121 = arith.addi %select_n3A, %mul3A_74 : i32
        %add3A_122 = arith.constant 5 : i32
        %add3A_123 = arith.addi %add3A_121, %add3A_122 : i32
        %dma_start3A_124 = arith.constant 0 : i32
        %dma_start3A_125 = arith.constant 0 : i32
        %dma_start3A_126 = tpu.memref_slice %arg3[%add3A_123, %dma_start3A_124, %dma_start3A_125] : memref<3360x2x96xi32, #tpu.memory_space<hbm>> -> memref<1x2x96xi32, #tpu.memory_space<hbm>>
        %dma_start3A_127 = tpu.memref_squeeze %dma_start3A_126 : memref<1x2x96xi32, #tpu.memory_space<hbm>> -> memref<2x96xi32, #tpu.memory_space<hbm>>
        %dma_start3A_128 = arith.constant 0 : i32
        %dma_start3A_129 = arith.constant 0 : i32
        %dma_start3A_130 = tpu.memref_slice %arg3[%add3A_123, %dma_start3A_128, %dma_start3A_129] : memref<3360x2x96xi32, #tpu.memory_space<hbm>> -> memref<1x2x96xi32, #tpu.memory_space<hbm>>
        %dma_start3A_131 = tpu.memref_squeeze %dma_start3A_130 : memref<1x2x96xi32, #tpu.memory_space<hbm>> -> memref<2x96xi32, #tpu.memory_space<hbm>>
        tpu.enqueue_dma source(%dma_start3A_131 : memref<2x96xi32, #tpu.memory_space<hbm>>) target(%arg8 : memref<2x96xi32, #tpu.memory_space<vmem>>) target_semaphore(%arg18 : memref<!tpu.dma_semaphore, #tpu.memory_space<semaphore_mem>>)
        %add3A_132 = arith.addi %select_n3A, %mul3A_74 : i32
        %add3A_133 = arith.constant 5 : i32
        %add3A_134 = arith.addi %add3A_132, %add3A_133 : i32
        %dma_wait3A_135 = arith.constant 0 : i32
        %dma_wait3A_136 = arith.constant 0 : i32
        %dma_wait3A_137 = tpu.memref_slice %arg3[%add3A_134, %dma_wait3A_135, %dma_wait3A_136] : memref<3360x2x96xi32, #tpu.memory_space<hbm>> -> memref<1x2x96xi32, #tpu.memory_space<hbm>>
        %dma_wait3A_138 = tpu.memref_squeeze %dma_wait3A_137 : memref<1x2x96xi32, #tpu.memory_space<hbm>> -> memref<2x96xi32, #tpu.memory_space<hbm>>
        %dma_wait3A_139 = arith.constant 0 : i32
        %dma_wait3A_140 = arith.constant 0 : i32
        %dma_wait3A_141 = tpu.memref_slice %arg3[%add3A_134, %dma_wait3A_139, %dma_wait3A_140] : memref<3360x2x96xi32, #tpu.memory_space<hbm>> -> memref<1x2x96xi32, #tpu.memory_space<hbm>>
        %dma_wait3A_142 = tpu.memref_squeeze %dma_wait3A_141 : memref<1x2x96xi32, #tpu.memory_space<hbm>> -> memref<2x96xi32, #tpu.memory_space<hbm>>
        tpu.wait_dma2 semaphore(%arg18 : memref<!tpu.dma_semaphore, #tpu.memory_space<semaphore_mem>>) src(%dma_wait3A_142 : memref<2x96xi32, #tpu.memory_space<hbm>>) dst(%arg8 : memref<2x96xi32, #tpu.memory_space<vmem>>)
        %dma_start3A_143 = arith.constant 0 : i32
        %dma_start3A_144 = arith.constant 0 : i32
        %dma_start3A_145 = tpu.memref_slice %arg8[%dma_start3A_143, %dma_start3A_144] : memref<2x96xi32, #tpu.memory_space<vmem>> -> memref<1x96xi32, #tpu.memory_space<vmem>>
        %dma_start3A_146 = tpu.memref_squeeze %dma_start3A_145 : memref<1x96xi32, #tpu.memory_space<vmem>> -> memref<96xi32, #tpu.memory_space<vmem>>
        %dma_start3A_147 = arith.constant 0 : i32
        %dma_start3A_148 = arith.constant 0 : i32
        %dma_start3A_149 = tpu.memref_slice %arg2[%dma_start3A_147, %dma_start3A_148] : memref<10000x128xf32, #tpu.memory_space<hbm>> -> memref<10000x128xf32, #tpu.memory_space<hbm>>
        tpu.enqueue_indirect_dma source(%dma_start3A_149 : memref<10000x128xf32, #tpu.memory_space<hbm>>) target(%arg11 : memref<96x128xf32, #tpu.memory_space<vmem>>) offsets(%dma_start3A_146 : memref<96xi32, #tpu.memory_space<vmem>>) semaphore(%arg15 : memref<!tpu.dma_semaphore, #tpu.memory_space<semaphore_mem>>)
      } else {
      }
      %while3A_120 = arith.constant 0 : i32
      scf.yield %while3A_120 : i32
    }
    %while3A_64 = arith.constant 1 : i32
    %while3A_65 = scf.for %while3A_71 = %while3A_61 to %while3A_57 step %while3A_64 iter_args(%while3A_72 = %while3A_63) -> (i32)  : i32 {
      %mul3A_73 = arith.constant 3 : i32
      %mul3A_74 = arith.muli %mul3A_73, %while3A_71 : i32
      %dma_wait3A = arith.constant 0 : i32
      %dma_wait3A_75 = arith.constant 0 : i32
      %dma_wait3A_76 = tpu.memref_slice %arg6[%dma_wait3A, %dma_wait3A_75] : memref<2x96xi32, #tpu.memory_space<vmem>> -> memref<1x96xi32, #tpu.memory_space<vmem>>
      %dma_wait3A_77 = tpu.memref_squeeze %dma_wait3A_76 : memref<1x96xi32, #tpu.memory_space<vmem>> -> memref<96xi32, #tpu.memory_space<vmem>>
      %dma_wait3A_78 = arith.constant 0 : i32
      %dma_wait3A_79 = arith.constant 0 : i32
      %dma_wait3A_80 = tpu.memref_slice %arg2[%dma_wait3A_78, %dma_wait3A_79] : memref<10000x128xf32, #tpu.memory_space<hbm>> -> memref<10000x128xf32, #tpu.memory_space<hbm>>
      tpu.wait_indirect_dma semaphore(%arg13 : memref<!tpu.dma_semaphore, #tpu.memory_space<semaphore_mem>>) src(%dma_wait3A_80 : memref<10000x128xf32, #tpu.memory_space<hbm>>) dst(%arg9 : memref<96x128xf32, #tpu.memory_space<vmem>>)
      %run_scoped3A = arith.constant 1 : i32
      "tpu.region"() ({
        %run_scoped3A_121 = tpu.sem_alloc : memref<!tpu.dma_semaphore, #tpu.memory_space<semaphore_mem>>
        %dma_start3A_122 = arith.constant 0 : i32
        %dma_start3A_123 = tpu.memref_slice %arg6[%run_scoped3A, %dma_start3A_122] : memref<2x96xi32, #tpu.memory_space<vmem>> -> memref<1x96xi32, #tpu.memory_space<vmem>>
        %dma_start3A_124 = tpu.memref_squeeze %dma_start3A_123 : memref<1x96xi32, #tpu.memory_space<vmem>> -> memref<96xi32, #tpu.memory_space<vmem>>
        %dma_start3A_125 = arith.constant 0 : i32
        %dma_start3A_126 = arith.constant 0 : i32
        %dma_start3A_127 = tpu.memref_slice %arg12[%dma_start3A_125, %dma_start3A_126] : memref<10240x128xf32, #tpu.memory_space<vmem_shared>> -> memref<10240x128xf32, #tpu.memory_space<vmem_shared>>
        tpu.enqueue_indirect_dma source(%arg9 : memref<96x128xf32, #tpu.memory_space<vmem>>) target(%dma_start3A_127 : memref<10240x128xf32, #tpu.memory_space<vmem_shared>>) offsets(%dma_start3A_124 : memref<96xi32, #tpu.memory_space<vmem>>) semaphore(%run_scoped3A_121 : memref<!tpu.dma_semaphore, #tpu.memory_space<semaphore_mem>>) {add = true}
        %dma_wait3A_128 = arith.constant 0 : i32
        %dma_wait3A_129 = tpu.memref_slice %arg6[%run_scoped3A, %dma_wait3A_128] : memref<2x96xi32, #tpu.memory_space<vmem>> -> memref<1x96xi32, #tpu.memory_space<vmem>>
        %dma_wait3A_130 = tpu.memref_squeeze %dma_wait3A_129 : memref<1x96xi32, #tpu.memory_space<vmem>> -> memref<96xi32, #tpu.memory_space<vmem>>
        %dma_wait3A_131 = arith.constant 0 : i32
        %dma_wait3A_132 = arith.constant 0 : i32
        %dma_wait3A_133 = tpu.memref_slice %arg12[%dma_wait3A_131, %dma_wait3A_132] : memref<10240x128xf32, #tpu.memory_space<vmem_shared>> -> memref<10240x128xf32, #tpu.memory_space<vmem_shared>>
        tpu.wait_indirect_dma semaphore(%run_scoped3A_121 : memref<!tpu.dma_semaphore, #tpu.memory_space<semaphore_mem>>) src(%arg9 : memref<96x128xf32, #tpu.memory_space<vmem>>) dst(%dma_wait3A_133 : memref<10240x128xf32, #tpu.memory_space<vmem_shared>>)
        tpu.yield
      }) : () -> ()
      %add3A_81 = arith.constant 3 : i32
      %add3A_82 = arith.addi %mul3A_74, %add3A_81 : i32
      %lt3A = arith.cmpi slt, %add3A_82, %select_n3A_8 : i32
      %convert_element_type3A = arith.extui %lt3A : i1 to i32
      %cond3A = arith.constant 0 : i32
      %cond3A_83 = arith.cmpi ne, %convert_element_type3A, %cond3A : i32
      scf.if %cond3A_83 {
        %add3A_121 = arith.addi %select_n3A, %mul3A_74 : i32
        %add3A_122 = arith.constant 3 : i32
        %add3A_123 = arith.addi %add3A_121, %add3A_122 : i32
        %dma_start3A_124 = arith.constant 0 : i32
        %dma_start3A_125 = arith.constant 0 : i32
        %dma_start3A_126 = tpu.memref_slice %arg3[%add3A_123, %dma_start3A_124, %dma_start3A_125] : memref<3360x2x96xi32, #tpu.memory_space<hbm>> -> memref<1x2x96xi32, #tpu.memory_space<hbm>>
        %dma_start3A_127 = tpu.memref_squeeze %dma_start3A_126 : memref<1x2x96xi32, #tpu.memory_space<hbm>> -> memref<2x96xi32, #tpu.memory_space<hbm>>
        %dma_start3A_128 = arith.constant 0 : i32
        %dma_start3A_129 = arith.constant 0 : i32
        %dma_start3A_130 = tpu.memref_slice %arg3[%add3A_123, %dma_start3A_128, %dma_start3A_129] : memref<3360x2x96xi32, #tpu.memory_space<hbm>> -> memref<1x2x96xi32, #tpu.memory_space<hbm>>
        %dma_start3A_131 = tpu.memref_squeeze %dma_start3A_130 : memref<1x2x96xi32, #tpu.memory_space<hbm>> -> memref<2x96xi32, #tpu.memory_space<hbm>>
        tpu.enqueue_dma source(%dma_start3A_131 : memref<2x96xi32, #tpu.memory_space<hbm>>) target(%arg6 : memref<2x96xi32, #tpu.memory_space<vmem>>) target_semaphore(%arg16 : memref<!tpu.dma_semaphore, #tpu.memory_space<semaphore_mem>>)
      } else {
      }
      %add3A_84 = arith.constant 1 : i32
      %add3A_85 = arith.addi %mul3A_74, %add3A_84 : i32
      %lt3A_86 = arith.cmpi slt, %add3A_85, %select_n3A_8 : i32
      %convert_element_type3A_87 = arith.extui %lt3A_86 : i1 to i32
      %cond3A_88 = arith.constant 0 : i32
      %cond3A_89 = arith.cmpi ne, %convert_element_type3A_87, %cond3A_88 : i32
      scf.if %cond3A_89 {
        %dma_wait3A_121 = arith.constant 0 : i32
        %dma_wait3A_122 = arith.constant 0 : i32
        %dma_wait3A_123 = tpu.memref_slice %arg7[%dma_wait3A_121, %dma_wait3A_122] : memref<2x96xi32, #tpu.memory_space<vmem>> -> memref<1x96xi32, #tpu.memory_space<vmem>>
        %dma_wait3A_124 = tpu.memref_squeeze %dma_wait3A_123 : memref<1x96xi32, #tpu.memory_space<vmem>> -> memref<96xi32, #tpu.memory_space<vmem>>
        %dma_wait3A_125 = arith.constant 0 : i32
        %dma_wait3A_126 = arith.constant 0 : i32
        %dma_wait3A_127 = tpu.memref_slice %arg2[%dma_wait3A_125, %dma_wait3A_126] : memref<10000x128xf32, #tpu.memory_space<hbm>> -> memref<10000x128xf32, #tpu.memory_space<hbm>>
        tpu.wait_indirect_dma semaphore(%arg14 : memref<!tpu.dma_semaphore, #tpu.memory_space<semaphore_mem>>) src(%dma_wait3A_127 : memref<10000x128xf32, #tpu.memory_space<hbm>>) dst(%arg10 : memref<96x128xf32, #tpu.memory_space<vmem>>)
        %run_scoped3A_128 = arith.constant 1 : i32
        "tpu.region"() ({
          %run_scoped3A_129 = tpu.sem_alloc : memref<!tpu.dma_semaphore, #tpu.memory_space<semaphore_mem>>
          %dma_start3A_130 = arith.constant 0 : i32
          %dma_start3A_131 = tpu.memref_slice %arg7[%run_scoped3A_128, %dma_start3A_130] : memref<2x96xi32, #tpu.memory_space<vmem>> -> memref<1x96xi32, #tpu.memory_space<vmem>>
          %dma_start3A_132 = tpu.memref_squeeze %dma_start3A_131 : memref<1x96xi32, #tpu.memory_space<vmem>> -> memref<96xi32, #tpu.memory_space<vmem>>
          %dma_start3A_133 = arith.constant 0 : i32
          %dma_start3A_134 = arith.constant 0 : i32
          %dma_start3A_135 = tpu.memref_slice %arg12[%dma_start3A_133, %dma_start3A_134] : memref<10240x128xf32, #tpu.memory_space<vmem_shared>> -> memref<10240x128xf32, #tpu.memory_space<vmem_shared>>
          tpu.enqueue_indirect_dma source(%arg10 : memref<96x128xf32, #tpu.memory_space<vmem>>) target(%dma_start3A_135 : memref<10240x128xf32, #tpu.memory_space<vmem_shared>>) offsets(%dma_start3A_132 : memref<96xi32, #tpu.memory_space<vmem>>) semaphore(%run_scoped3A_129 : memref<!tpu.dma_semaphore, #tpu.memory_space<semaphore_mem>>) {add = true}
          %dma_wait3A_136 = arith.constant 0 : i32
          %dma_wait3A_137 = tpu.memref_slice %arg7[%run_scoped3A_128, %dma_wait3A_136] : memref<2x96xi32, #tpu.memory_space<vmem>> -> memref<1x96xi32, #tpu.memory_space<vmem>>
          %dma_wait3A_138 = tpu.memref_squeeze %dma_wait3A_137 : memref<1x96xi32, #tpu.memory_space<vmem>> -> memref<96xi32, #tpu.memory_space<vmem>>
          %dma_wait3A_139 = arith.constant 0 : i32
          %dma_wait3A_140 = arith.constant 0 : i32
          %dma_wait3A_141 = tpu.memref_slice %arg12[%dma_wait3A_139, %dma_wait3A_140] : memref<10240x128xf32, #tpu.memory_space<vmem_shared>> -> memref<10240x128xf32, #tpu.memory_space<vmem_shared>>
          tpu.wait_indirect_dma semaphore(%run_scoped3A_129 : memref<!tpu.dma_semaphore, #tpu.memory_space<semaphore_mem>>) src(%arg10 : memref<96x128xf32, #tpu.memory_space<vmem>>) dst(%dma_wait3A_141 : memref<10240x128xf32, #tpu.memory_space<vmem_shared>>)
          tpu.yield
        }) : () -> ()
      } else {
      }
      %add3A_90 = arith.constant 3 : i32
      %add3A_91 = arith.addi %mul3A_74, %add3A_90 : i32
      %lt3A_92 = arith.cmpi slt, %add3A_91, %select_n3A_8 : i32
      %convert_element_type3A_93 = arith.extui %lt3A_92 : i1 to i32
      %cond3A_94 = arith.constant 0 : i32
      %cond3A_95 = arith.cmpi ne, %convert_element_type3A_93, %cond3A_94 : i32
      scf.if %cond3A_95 {
        %add3A_121 = arith.addi %select_n3A, %mul3A_74 : i32
        %add3A_122 = arith.constant 3 : i32
        %add3A_123 = arith.addi %add3A_121, %add3A_122 : i32
        %dma_wait3A_124 = arith.constant 0 : i32
        %dma_wait3A_125 = arith.constant 0 : i32
        %dma_wait3A_126 = tpu.memref_slice %arg3[%add3A_123, %dma_wait3A_124, %dma_wait3A_125] : memref<3360x2x96xi32, #tpu.memory_space<hbm>> -> memref<1x2x96xi32, #tpu.memory_space<hbm>>
        %dma_wait3A_127 = tpu.memref_squeeze %dma_wait3A_126 : memref<1x2x96xi32, #tpu.memory_space<hbm>> -> memref<2x96xi32, #tpu.memory_space<hbm>>
        %dma_wait3A_128 = arith.constant 0 : i32
        %dma_wait3A_129 = arith.constant 0 : i32
        %dma_wait3A_130 = tpu.memref_slice %arg3[%add3A_123, %dma_wait3A_128, %dma_wait3A_129] : memref<3360x2x96xi32, #tpu.memory_space<hbm>> -> memref<1x2x96xi32, #tpu.memory_space<hbm>>
        %dma_wait3A_131 = tpu.memref_squeeze %dma_wait3A_130 : memref<1x2x96xi32, #tpu.memory_space<hbm>> -> memref<2x96xi32, #tpu.memory_space<hbm>>
        tpu.wait_dma2 semaphore(%arg16 : memref<!tpu.dma_semaphore, #tpu.memory_space<semaphore_mem>>) src(%dma_wait3A_131 : memref<2x96xi32, #tpu.memory_space<hbm>>) dst(%arg6 : memref<2x96xi32, #tpu.memory_space<vmem>>)
        %dma_start3A_132 = arith.constant 0 : i32
        %dma_start3A_133 = arith.constant 0 : i32
        %dma_start3A_134 = tpu.memref_slice %arg6[%dma_start3A_132, %dma_start3A_133] : memref<2x96xi32, #tpu.memory_space<vmem>> -> memref<1x96xi32, #tpu.memory_space<vmem>>
        %dma_start3A_135 = tpu.memref_squeeze %dma_start3A_134 : memref<1x96xi32, #tpu.memory_space<vmem>> -> memref<96xi32, #tpu.memory_space<vmem>>
        %dma_start3A_136 = arith.constant 0 : i32
        %dma_start3A_137 = arith.constant 0 : i32
        %dma_start3A_138 = tpu.memref_slice %arg2[%dma_start3A_136, %dma_start3A_137] : memref<10000x128xf32, #tpu.memory_space<hbm>> -> memref<10000x128xf32, #tpu.memory_space<hbm>>
        tpu.enqueue_indirect_dma source(%dma_start3A_138 : memref<10000x128xf32, #tpu.memory_space<hbm>>) target(%arg9 : memref<96x128xf32, #tpu.memory_space<vmem>>) offsets(%dma_start3A_135 : memref<96xi32, #tpu.memory_space<vmem>>) semaphore(%arg13 : memref<!tpu.dma_semaphore, #tpu.memory_space<semaphore_mem>>)
      } else {
      }
      %add3A_96 = arith.constant 4 : i32
      %add3A_97 = arith.addi %mul3A_74, %add3A_96 : i32
      %lt3A_98 = arith.cmpi slt, %add3A_97, %select_n3A_8 : i32
      %convert_element_type3A_99 = arith.extui %lt3A_98 : i1 to i32
      %cond3A_100 = arith.constant 0 : i32
      %cond3A_101 = arith.cmpi ne, %convert_element_type3A_99, %cond3A_100 : i32
      scf.if %cond3A_101 {
        %add3A_121 = arith.addi %select_n3A, %mul3A_74 : i32
        %add3A_122 = arith.constant 4 : i32
        %add3A_123 = arith.addi %add3A_121, %add3A_122 : i32
        %dma_start3A_124 = arith.constant 0 : i32
        %dma_start3A_125 = arith.constant 0 : i32
        %dma_start3A_126 = tpu.memref_slice %arg3[%add3A_123, %dma_start3A_124, %dma_start3A_125] : memref<3360x2x96xi32, #tpu.memory_space<hbm>> -> memref<1x2x96xi32, #tpu.memory_space<hbm>>
        %dma_start3A_127 = tpu.memref_squeeze %dma_start3A_126 : memref<1x2x96xi32, #tpu.memory_space<hbm>> -> memref<2x96xi32, #tpu.memory_space<hbm>>
        %dma_start3A_128 = arith.constant 0 : i32
        %dma_start3A_129 = arith.constant 0 : i32
        %dma_start3A_130 = tpu.memref_slice %arg3[%add3A_123, %dma_start3A_128, %dma_start3A_129] : memref<3360x2x96xi32, #tpu.memory_space<hbm>> -> memref<1x2x96xi32, #tpu.memory_space<hbm>>
        %dma_start3A_131 = tpu.memref_squeeze %dma_start3A_130 : memref<1x2x96xi32, #tpu.memory_space<hbm>> -> memref<2x96xi32, #tpu.memory_space<hbm>>
        tpu.enqueue_dma source(%dma_start3A_131 : memref<2x96xi32, #tpu.memory_space<hbm>>) target(%arg7 : memref<2x96xi32, #tpu.memory_space<vmem>>) target_semaphore(%arg17 : memref<!tpu.dma_semaphore, #tpu.memory_space<semaphore_mem>>)
      } else {
      }
      %add3A_102 = arith.constant 2 : i32
      %add3A_103 = arith.addi %mul3A_74, %add3A_102 : i32
      %lt3A_104 = arith.cmpi slt, %add3A_103, %select_n3A_8 : i32
      %convert_element_type3A_105 = arith.extui %lt3A_104 : i1 to i32
      %cond3A_106 = arith.constant 0 : i32
      %cond3A_107 = arith.cmpi ne, %convert_element_type3A_105, %cond3A_106 : i32
      scf.if %cond3A_107 {
        %dma_wait3A_121 = arith.constant 0 : i32
        %dma_wait3A_122 = arith.constant 0 : i32
        %dma_wait3A_123 = tpu.memref_slice %arg8[%dma_wait3A_121, %dma_wait3A_122] : memref<2x96xi32, #tpu.memory_space<vmem>> -> memref<1x96xi32, #tpu.memory_space<vmem>>
        %dma_wait3A_124 = tpu.memref_squeeze %dma_wait3A_123 : memref<1x96xi32, #tpu.memory_space<vmem>> -> memref<96xi32, #tpu.memory_space<vmem>>
        %dma_wait3A_125 = arith.constant 0 : i32
        %dma_wait3A_126 = arith.constant 0 : i32
        %dma_wait3A_127 = tpu.memref_slice %arg2[%dma_wait3A_125, %dma_wait3A_126] : memref<10000x128xf32, #tpu.memory_space<hbm>> -> memref<10000x128xf32, #tpu.memory_space<hbm>>
        tpu.wait_indirect_dma semaphore(%arg15 : memref<!tpu.dma_semaphore, #tpu.memory_space<semaphore_mem>>) src(%dma_wait3A_127 : memref<10000x128xf32, #tpu.memory_space<hbm>>) dst(%arg11 : memref<96x128xf32, #tpu.memory_space<vmem>>)
        %run_scoped3A_128 = arith.constant 1 : i32
        "tpu.region"() ({
          %run_scoped3A_129 = tpu.sem_alloc : memref<!tpu.dma_semaphore, #tpu.memory_space<semaphore_mem>>
          %dma_start3A_130 = arith.constant 0 : i32
          %dma_start3A_131 = tpu.memref_slice %arg8[%run_scoped3A_128, %dma_start3A_130] : memref<2x96xi32, #tpu.memory_space<vmem>> -> memref<1x96xi32, #tpu.memory_space<vmem>>
          %dma_start3A_132 = tpu.memref_squeeze %dma_start3A_131 : memref<1x96xi32, #tpu.memory_space<vmem>> -> memref<96xi32, #tpu.memory_space<vmem>>
          %dma_start3A_133 = arith.constant 0 : i32
          %dma_start3A_134 = arith.constant 0 : i32
          %dma_start3A_135 = tpu.memref_slice %arg12[%dma_start3A_133, %dma_start3A_134] : memref<10240x128xf32, #tpu.memory_space<vmem_shared>> -> memref<10240x128xf32, #tpu.memory_space<vmem_shared>>
          tpu.enqueue_indirect_dma source(%arg11 : memref<96x128xf32, #tpu.memory_space<vmem>>) target(%dma_start3A_135 : memref<10240x128xf32, #tpu.memory_space<vmem_shared>>) offsets(%dma_start3A_132 : memref<96xi32, #tpu.memory_space<vmem>>) semaphore(%run_scoped3A_129 : memref<!tpu.dma_semaphore, #tpu.memory_space<semaphore_mem>>) {add = true}
          %dma_wait3A_136 = arith.constant 0 : i32
          %dma_wait3A_137 = tpu.memref_slice %arg8[%run_scoped3A_128, %dma_wait3A_136] : memref<2x96xi32, #tpu.memory_space<vmem>> -> memref<1x96xi32, #tpu.memory_space<vmem>>
          %dma_wait3A_138 = tpu.memref_squeeze %dma_wait3A_137 : memref<1x96xi32, #tpu.memory_space<vmem>> -> memref<96xi32, #tpu.memory_space<vmem>>
          %dma_wait3A_139 = arith.constant 0 : i32
          %dma_wait3A_140 = arith.constant 0 : i32
          %dma_wait3A_141 = tpu.memref_slice %arg12[%dma_wait3A_139, %dma_wait3A_140] : memref<10240x128xf32, #tpu.memory_space<vmem_shared>> -> memref<10240x128xf32, #tpu.memory_space<vmem_shared>>
          tpu.wait_indirect_dma semaphore(%run_scoped3A_129 : memref<!tpu.dma_semaphore, #tpu.memory_space<semaphore_mem>>) src(%arg11 : memref<96x128xf32, #tpu.memory_space<vmem>>) dst(%dma_wait3A_141 : memref<10240x128xf32, #tpu.memory_space<vmem_shared>>)
          tpu.yield
        }) : () -> ()
      } else {
      }
      %add3A_108 = arith.constant 4 : i32
      %add3A_109 = arith.addi %mul3A_74, %add3A_108 : i32
      %lt3A_110 = arith.cmpi slt, %add3A_109, %select_n3A_8 : i32
      %convert_element_type3A_111 = arith.extui %lt3A_110 : i1 to i32
      %cond3A_112 = arith.constant 0 : i32
      %cond3A_113 = arith.cmpi ne, %convert_element_type3A_111, %cond3A_112 : i32
      scf.if %cond3A_113 {
        %add3A_121 = arith.addi %select_n3A, %mul3A_74 : i32
        %add3A_122 = arith.constant 4 : i32
        %add3A_123 = arith.addi %add3A_121, %add3A_122 : i32
        %dma_wait3A_124 = arith.constant 0 : i32
        %dma_wait3A_125 = arith.constant 0 : i32
        %dma_wait3A_126 = tpu.memref_slice %arg3[%add3A_123, %dma_wait3A_124, %dma_wait3A_125] : memref<3360x2x96xi32, #tpu.memory_space<hbm>> -> memref<1x2x96xi32, #tpu.memory_space<hbm>>
        %dma_wait3A_127 = tpu.memref_squeeze %dma_wait3A_126 : memref<1x2x96xi32, #tpu.memory_space<hbm>> -> memref<2x96xi32, #tpu.memory_space<hbm>>
        %dma_wait3A_128 = arith.constant 0 : i32
        %dma_wait3A_129 = arith.constant 0 : i32
        %dma_wait3A_130 = tpu.memref_slice %arg3[%add3A_123, %dma_wait3A_128, %dma_wait3A_129] : memref<3360x2x96xi32, #tpu.memory_space<hbm>> -> memref<1x2x96xi32, #tpu.memory_space<hbm>>
        %dma_wait3A_131 = tpu.memref_squeeze %dma_wait3A_130 : memref<1x2x96xi32, #tpu.memory_space<hbm>> -> memref<2x96xi32, #tpu.memory_space<hbm>>
        tpu.wait_dma2 semaphore(%arg17 : memref<!tpu.dma_semaphore, #tpu.memory_space<semaphore_mem>>) src(%dma_wait3A_131 : memref<2x96xi32, #tpu.memory_space<hbm>>) dst(%arg7 : memref<2x96xi32, #tpu.memory_space<vmem>>)
        %dma_start3A_132 = arith.constant 0 : i32
        %dma_start3A_133 = arith.constant 0 : i32
        %dma_start3A_134 = tpu.memref_slice %arg7[%dma_start3A_132, %dma_start3A_133] : memref<2x96xi32, #tpu.memory_space<vmem>> -> memref<1x96xi32, #tpu.memory_space<vmem>>
        %dma_start3A_135 = tpu.memref_squeeze %dma_start3A_134 : memref<1x96xi32, #tpu.memory_space<vmem>> -> memref<96xi32, #tpu.memory_space<vmem>>
        %dma_start3A_136 = arith.constant 0 : i32
        %dma_start3A_137 = arith.constant 0 : i32
        %dma_start3A_138 = tpu.memref_slice %arg2[%dma_start3A_136, %dma_start3A_137] : memref<10000x128xf32, #tpu.memory_space<hbm>> -> memref<10000x128xf32, #tpu.memory_space<hbm>>
        tpu.enqueue_indirect_dma source(%dma_start3A_138 : memref<10000x128xf32, #tpu.memory_space<hbm>>) target(%arg10 : memref<96x128xf32, #tpu.memory_space<vmem>>) offsets(%dma_start3A_135 : memref<96xi32, #tpu.memory_space<vmem>>) semaphore(%arg14 : memref<!tpu.dma_semaphore, #tpu.memory_space<semaphore_mem>>)
      } else {
      }
      %add3A_114 = arith.constant 5 : i32
      %add3A_115 = arith.addi %mul3A_74, %add3A_114 : i32
      %lt3A_116 = arith.cmpi slt, %add3A_115, %select_n3A_8 : i32
      %convert_element_type3A_117 = arith.extui %lt3A_116 : i1 to i32
      %cond3A_118 = arith.constant 0 : i32
      %cond3A_119 = arith.cmpi ne, %convert_element_type3A_117, %cond3A_118 : i32
      scf.if %cond3A_119 {
        %add3A_121 = arith.addi %select_n3A, %mul3A_74 : i32
        %add3A_122 = arith.constant 5 : i32
        %add3A_123 = arith.addi %add3A_121, %add3A_122 : i32
        %dma_start3A_124 = arith.constant 0 : i32
        %dma_start3A_125 = arith.constant 0 : i32
        %dma_start3A_126 = tpu.memref_slice %arg3[%add3A_123, %dma_start3A_124, %dma_start3A_125] : memref<3360x2x96xi32, #tpu.memory_space<hbm>> -> memref<1x2x96xi32, #tpu.memory_space<hbm>>
        %dma_start3A_127 = tpu.memref_squeeze %dma_start3A_126 : memref<1x2x96xi32, #tpu.memory_space<hbm>> -> memref<2x96xi32, #tpu.memory_space<hbm>>
        %dma_start3A_128 = arith.constant 0 : i32
        %dma_start3A_129 = arith.constant 0 : i32
        %dma_start3A_130 = tpu.memref_slice %arg3[%add3A_123, %dma_start3A_128, %dma_start3A_129] : memref<3360x2x96xi32, #tpu.memory_space<hbm>> -> memref<1x2x96xi32, #tpu.memory_space<hbm>>
        %dma_start3A_131 = tpu.memref_squeeze %dma_start3A_130 : memref<1x2x96xi32, #tpu.memory_space<hbm>> -> memref<2x96xi32, #tpu.memory_space<hbm>>
        tpu.enqueue_dma source(%dma_start3A_131 : memref<2x96xi32, #tpu.memory_space<hbm>>) target(%arg8 : memref<2x96xi32, #tpu.memory_space<vmem>>) target_semaphore(%arg18 : memref<!tpu.dma_semaphore, #tpu.memory_space<semaphore_mem>>)
        %add3A_132 = arith.addi %select_n3A, %mul3A_74 : i32
        %add3A_133 = arith.constant 5 : i32
        %add3A_134 = arith.addi %add3A_132, %add3A_133 : i32
        %dma_wait3A_135 = arith.constant 0 : i32
        %dma_wait3A_136 = arith.constant 0 : i32
        %dma_wait3A_137 = tpu.memref_slice %arg3[%add3A_134, %dma_wait3A_135, %dma_wait3A_136] : memref<3360x2x96xi32, #tpu.memory_space<hbm>> -> memref<1x2x96xi32, #tpu.memory_space<hbm>>
        %dma_wait3A_138 = tpu.memref_squeeze %dma_wait3A_137 : memref<1x2x96xi32, #tpu.memory_space<hbm>> -> memref<2x96xi32, #tpu.memory_space<hbm>>
        %dma_wait3A_139 = arith.constant 0 : i32
        %dma_wait3A_140 = arith.constant 0 : i32
        %dma_wait3A_141 = tpu.memref_slice %arg3[%add3A_134, %dma_wait3A_139, %dma_wait3A_140] : memref<3360x2x96xi32, #tpu.memory_space<hbm>> -> memref<1x2x96xi32, #tpu.memory_space<hbm>>
        %dma_wait3A_142 = tpu.memref_squeeze %dma_wait3A_141 : memref<1x2x96xi32, #tpu.memory_space<hbm>> -> memref<2x96xi32, #tpu.memory_space<hbm>>
        tpu.wait_dma2 semaphore(%arg18 : memref<!tpu.dma_semaphore, #tpu.memory_space<semaphore_mem>>) src(%dma_wait3A_142 : memref<2x96xi32, #tpu.memory_space<hbm>>) dst(%arg8 : memref<2x96xi32, #tpu.memory_space<vmem>>)
        %dma_start3A_143 = arith.constant 0 : i32
        %dma_start3A_144 = arith.constant 0 : i32
        %dma_start3A_145 = tpu.memref_slice %arg8[%dma_start3A_143, %dma_start3A_144] : memref<2x96xi32, #tpu.memory_space<vmem>> -> memref<1x96xi32, #tpu.memory_space<vmem>>
        %dma_start3A_146 = tpu.memref_squeeze %dma_start3A_145 : memref<1x96xi32, #tpu.memory_space<vmem>> -> memref<96xi32, #tpu.memory_space<vmem>>
        %dma_start3A_147 = arith.constant 0 : i32
        %dma_start3A_148 = arith.constant 0 : i32
        %dma_start3A_149 = tpu.memref_slice %arg2[%dma_start3A_147, %dma_start3A_148] : memref<10000x128xf32, #tpu.memory_space<hbm>> -> memref<10000x128xf32, #tpu.memory_space<hbm>>
        tpu.enqueue_indirect_dma source(%dma_start3A_149 : memref<10000x128xf32, #tpu.memory_space<hbm>>) target(%arg11 : memref<96x128xf32, #tpu.memory_space<vmem>>) offsets(%dma_start3A_146 : memref<96xi32, #tpu.memory_space<vmem>>) semaphore(%arg15 : memref<!tpu.dma_semaphore, #tpu.memory_space<semaphore_mem>>)
      } else {
      }
      %while3A_120 = arith.constant 0 : i32
      scf.yield %while3A_120 : i32
    }
    %barrier3A_66 = arith.constant 0 : index
    tpu.barrier barrier_id(%barrier3A_66)
    %mul3A_67 = arith.constant 640 : i32
    %mul3A_68 = arith.muli %arg1, %mul3A_67 : i32
    %mul3A_69 = arith.constant 640 : i32
    %mul3A_70 = arith.muli %arg1, %mul3A_69 : i32
    "tpu.region"() ({
      %run_scoped3A = tpu.sem_alloc : memref<!tpu.dma_semaphore, #tpu.memory_space<semaphore_mem>>
      %dma_start3A_71 = arith.constant 0 : i32
      %dma_start3A_72 = tpu.memref_slice %arg5[%arg0, %mul3A_70, %dma_start3A_71] : memref<2x10240x128xf32, #tpu.memory_space<hbm>> -> memref<1x640x128xf32, #tpu.memory_space<hbm>>
      %dma_start3A_73 = tpu.memref_squeeze %dma_start3A_72 : memref<1x640x128xf32, #tpu.memory_space<hbm>> -> memref<640x128xf32, #tpu.memory_space<hbm>>
      %dma_start3A_74 = arith.constant 0 : i32
      %dma_start3A_75 = tpu.memref_slice %arg12[%mul3A_68, %dma_start3A_74] : memref<10240x128xf32, #tpu.memory_space<vmem_shared>> -> memref<640x128xf32, #tpu.memory_space<vmem_shared>>
      tpu.enqueue_dma source(%dma_start3A_75 : memref<640x128xf32, #tpu.memory_space<vmem_shared>>) target(%dma_start3A_73 : memref<640x128xf32, #tpu.memory_space<hbm>>) target_semaphore(%run_scoped3A : memref<!tpu.dma_semaphore, #tpu.memory_space<semaphore_mem>>)
      %dma_wait3A = arith.constant 0 : i32
      %dma_wait3A_76 = tpu.memref_slice %arg5[%arg0, %mul3A_70, %dma_wait3A] : memref<2x10240x128xf32, #tpu.memory_space<hbm>> -> memref<1x640x128xf32, #tpu.memory_space<hbm>>
      %dma_wait3A_77 = tpu.memref_squeeze %dma_wait3A_76 : memref<1x640x128xf32, #tpu.memory_space<hbm>> -> memref<640x128xf32, #tpu.memory_space<hbm>>
      %dma_wait3A_78 = arith.constant 0 : i32
      %dma_wait3A_79 = tpu.memref_slice %arg12[%mul3A_68, %dma_wait3A_78] : memref<10240x128xf32, #tpu.memory_space<vmem_shared>> -> memref<640x128xf32, #tpu.memory_space<vmem_shared>>
      tpu.wait_dma2 semaphore(%run_scoped3A : memref<!tpu.dma_semaphore, #tpu.memory_space<semaphore_mem>>) src(%dma_wait3A_79 : memref<640x128xf32, #tpu.memory_space<vmem_shared>>) dst(%dma_wait3A_77 : memref<640x128xf32, #tpu.memory_space<hbm>>)
      tpu.yield
    }) : () -> ()
    return
  }
}

module attributes {stable_mosaic.version = 14 : i64} {
  func.func @body(%arg0: i32, %arg1: memref<1000x128xf32, #tpu.memory_space<vmem>>, %arg2: memref<128x128xf32, #tpu.memory_space<vmem>>, %arg3: memref<1000x1xf32, #tpu.memory_space<vmem>>, %arg4: memref<1000x128xf32, #tpu.memory_space<vmem>>) attributes {dimension_semantics = [#tpu.dimension_semantics<arbitrary>], iteration_bounds = array<i64: 10>, scalar_prefetch = 0 : i64, scratch_operands = 0 : i64, tpu.core_type = #tpu.core_type<tc>, window_params = [{transform_indices = @transform_0, window_bounds = array<i64: 1000, 128>}, {pipeline_mode = #tpu.pipeline_mode<synchronous>, transform_indices = @transform_1, window_bounds = array<i64: 128, 128>}, {transform_indices = @transform_2, window_bounds = array<i64: 1000, 1>}, {transform_indices = @transform_3, window_bounds = array<i64: 1000, 128>}]} {
    %get3A = arith.constant 0 : index
    %get3A_0 = arith.constant 0 : index
    %get3A_1 = vector.load %arg1[%get3A, %get3A_0] : memref<1000x128xf32, #tpu.memory_space<vmem>>, vector<1000x128xf32>
    %get3A_2 = arith.constant 0 : index
    %get3A_3 = arith.constant 0 : index
    %get3A_4 = vector.load %arg2[%get3A_2, %get3A_3] : memref<128x128xf32, #tpu.memory_space<vmem>>, vector<128x128xf32>
    %dot_general3A = arith.constant dense<0.000000e+00> : vector<1000x128xf32>
    %dot_general3A_5 = tpu.matmul %get3A_1, %get3A_4, %dot_general3A {dimension_numbers = #tpu.dot_dimension_numbers<[1], [0], [0], [1], [0, 0, 1, 1], [], []>, transpose_lhs_hint = false} : vector<1000x128xf32>, vector<128x128xf32>, vector<1000x128xf32> -> vector<1000x128xf32>
    %get3A_6 = arith.constant 0 : index
    %get3A_7 = arith.constant 0 : index
    %get3A_8 = vector.load %arg3[%get3A_6, %get3A_7] : memref<1000x1xf32, #tpu.memory_space<vmem>>, vector<1000x1xf32>
    %mul3A = vector.broadcast %get3A_8 : vector<1000x1xf32> to vector<1000x128xf32>
    %mul3A_9 = arith.mulf %dot_general3A_5, %mul3A : vector<1000x128xf32>
    %swap3A = arith.constant 0 : index
    %swap3A_10 = arith.constant 0 : index
    %swap3A_11 = vector.load %arg4[%swap3A, %swap3A_10] : memref<1000x128xf32, #tpu.memory_space<vmem>>, vector<1000x128xf32>
    tpu.vector_store %arg4[%swap3A, %swap3A_10], %mul3A_9 {strides = array<i32>} : memref<1000x128xf32, #tpu.memory_space<vmem>>, vector<1000x128xf32>,
    return
  }
  func.func @transform_0(%arg0: i32) -> (i32, i32) {
    %c0_i32 = arith.constant 0 : i32
    %c0_i32_0 = arith.constant 0 : i32
    return %arg0, %c0_i32 : i32, i32
  }
  func.func @transform_1(%arg0: i32) -> (i32, i32) {
    %c0_i32 = arith.constant 0 : i32
    %c0_i32_0 = arith.constant 0 : i32
    %c0_i32_1 = arith.constant 0 : i32
    return %c0_i32, %c0_i32_0 : i32, i32
  }
  func.func @transform_2(%arg0: i32) -> (i32, i32) {
    %c0_i32 = arith.constant 0 : i32
    %c0_i32_0 = arith.constant 0 : i32
    return %arg0, %c0_i32 : i32, i32
  }
  func.func @transform_3(%arg0: i32) -> (i32, i32) {
    %c0_i32 = arith.constant 0 : i32
    %c0_i32_0 = arith.constant 0 : i32
    return %arg0, %c0_i32 : i32, i32
  }
}

module attributes {stable_mosaic.version = 14 : i64} {
  func.func @body(%arg0: i32, %arg1: memref<2x1000x128xf32, #tpu.memory_space<vmem>>, %arg2: memref<1000x128xf32, #tpu.memory_space<vmem>>, %arg3: memref<1000x1xf32, #tpu.memory_space<vmem>>, %arg4: memref<1x128xf32, #tpu.memory_space<vmem>>, %arg5: memref<128x128xf32, #tpu.memory_space<vmem>>, %arg6: memref<1000x128xf32, #tpu.memory_space<vmem>>) attributes {dimension_semantics = [#tpu.dimension_semantics<arbitrary>], iteration_bounds = array<i64: 10>, scalar_prefetch = 0 : i64, scratch_operands = 0 : i64, tpu.core_type = #tpu.core_type<tc>, window_params = [{transform_indices = @transform_0, window_bounds = array<i64: 2, 1000, 128>}, {transform_indices = @transform_1, window_bounds = array<i64: 1000, 128>}, {transform_indices = @transform_2, window_bounds = array<i64: 1000, 1>}, {pipeline_mode = #tpu.pipeline_mode<synchronous>, transform_indices = @transform_3, window_bounds = array<i64: 1, 128>}, {pipeline_mode = #tpu.pipeline_mode<synchronous>, transform_indices = @transform_4, window_bounds = array<i64: 128, 128>}, {transform_indices = @transform_5, window_bounds = array<i64: 1000, 128>}]} {
    %get3A = arith.constant 0 : index
    %get3A_0 = arith.constant 0 : index
    %get3A_1 = arith.constant 0 : index
    %get3A_2 = vector.load %arg1[%get3A, %get3A_0, %get3A_1] : memref<2x1000x128xf32, #tpu.memory_space<vmem>>, vector<1x1000x128xf32>
    %get3A_3 = vector.shape_cast %get3A_2 : vector<1x1000x128xf32> to vector<1000x128xf32>
    %get3A_4 = arith.constant 1 : index
    %get3A_5 = arith.constant 0 : index
    %get3A_6 = arith.constant 0 : index
    %get3A_7 = vector.load %arg1[%get3A_4, %get3A_5, %get3A_6] : memref<2x1000x128xf32, #tpu.memory_space<vmem>>, vector<1x1000x128xf32>
    %get3A_8 = vector.shape_cast %get3A_7 : vector<1x1000x128xf32> to vector<1000x128xf32>
    %add3A = arith.addf %get3A_3, %get3A_8 : vector<1000x128xf32>
    %get3A_9 = arith.constant 0 : index
    %get3A_10 = arith.constant 0 : index
    %get3A_11 = vector.load %arg2[%get3A_9, %get3A_10] : memref<1000x128xf32, #tpu.memory_space<vmem>>, vector<1000x128xf32>
    %add3A_12 = arith.addf %add3A, %get3A_11 : vector<1000x128xf32>
    %get3A_13 = arith.constant 0 : index
    %get3A_14 = arith.constant 0 : index
    %get3A_15 = vector.load %arg3[%get3A_13, %get3A_14] : memref<1000x1xf32, #tpu.memory_space<vmem>>, vector<1000x1xf32>
    %mul3A = vector.broadcast %get3A_15 : vector<1000x1xf32> to vector<1000x128xf32>
    %mul3A_16 = arith.mulf %add3A_12, %mul3A : vector<1000x128xf32>
    %get3A_17 = arith.constant 0 : index
    %get3A_18 = arith.constant 0 : index
    %get3A_19 = vector.load %arg4[%get3A_17, %get3A_18] : memref<1x128xf32, #tpu.memory_space<vmem>>, vector<1x128xf32>
    %add3A_20 = vector.broadcast %get3A_19 : vector<1x128xf32> to vector<1000x128xf32>
    %add3A_21 = arith.addf %mul3A_16, %add3A_20 : vector<1000x128xf32>
    %max3A = arith.constant 0.000000e+00 : f32
    %max3A_22 = vector.broadcast %max3A : f32 to vector<1000x128xf32>
    %max3A_23 = arith.maximumf %add3A_21, %max3A_22 : vector<1000x128xf32>
    %get3A_24 = arith.constant 0 : index
    %get3A_25 = arith.constant 0 : index
    %get3A_26 = vector.load %arg5[%get3A_24, %get3A_25] : memref<128x128xf32, #tpu.memory_space<vmem>>, vector<128x128xf32>
    %dot_general3A = arith.constant dense<0.000000e+00> : vector<1000x128xf32>
    %dot_general3A_27 = tpu.matmul %max3A_23, %get3A_26, %dot_general3A {dimension_numbers = #tpu.dot_dimension_numbers<[1], [0], [0], [1], [0, 0, 1, 1], [], []>, transpose_lhs_hint = false} : vector<1000x128xf32>, vector<128x128xf32>, vector<1000x128xf32> -> vector<1000x128xf32>
    %get3A_28 = arith.constant 0 : index
    %get3A_29 = arith.constant 0 : index
    %get3A_30 = vector.load %arg3[%get3A_28, %get3A_29] : memref<1000x1xf32, #tpu.memory_space<vmem>>, vector<1000x1xf32>
    %mul3A_31 = vector.broadcast %get3A_30 : vector<1000x1xf32> to vector<1000x128xf32>
    %mul3A_32 = arith.mulf %dot_general3A_27, %mul3A_31 : vector<1000x128xf32>
    %swap3A = arith.constant 0 : index
    %swap3A_33 = arith.constant 0 : index
    %swap3A_34 = vector.load %arg6[%swap3A, %swap3A_33] : memref<1000x128xf32, #tpu.memory_space<vmem>>, vector<1000x128xf32>
    tpu.vector_store %arg6[%swap3A, %swap3A_33], %mul3A_32 {strides = array<i32>} : memref<1000x128xf32, #tpu.memory_space<vmem>>, vector<1000x128xf32>,
    return
  }
  func.func @transform_0(%arg0: i32) -> (i32, i32, i32) {
    %c0_i32 = arith.constant 0 : i32
    %c0_i32_0 = arith.constant 0 : i32
    %c0_i32_1 = arith.constant 0 : i32
    return %c0_i32, %arg0, %c0_i32_0 : i32, i32, i32
  }
  func.func @transform_1(%arg0: i32) -> (i32, i32) {
    %c0_i32 = arith.constant 0 : i32
    %c0_i32_0 = arith.constant 0 : i32
    return %arg0, %c0_i32 : i32, i32
  }
  func.func @transform_2(%arg0: i32) -> (i32, i32) {
    %c0_i32 = arith.constant 0 : i32
    %c0_i32_0 = arith.constant 0 : i32
    return %arg0, %c0_i32 : i32, i32
  }
  func.func @transform_3(%arg0: i32) -> (i32, i32) {
    %c0_i32 = arith.constant 0 : i32
    %c0_i32_0 = arith.constant 0 : i32
    %c0_i32_1 = arith.constant 0 : i32
    return %c0_i32, %c0_i32_0 : i32, i32
  }
  func.func @transform_4(%arg0: i32) -> (i32, i32) {
    %c0_i32 = arith.constant 0 : i32
    %c0_i32_0 = arith.constant 0 : i32
    %c0_i32_1 = arith.constant 0 : i32
    return %c0_i32, %c0_i32_0 : i32, i32
  }
  func.func @transform_5(%arg0: i32) -> (i32, i32) {
    %c0_i32 = arith.constant 0 : i32
    %c0_i32_0 = arith.constant 0 : i32
    return %arg0, %c0_i32 : i32, i32
  }
}

module attributes {stable_mosaic.version = 14 : i64} {
  func.func @body(%arg0: i32, %arg1: memref<2x1000x128xf32, #tpu.memory_space<vmem>>, %arg2: memref<1000x128xf32, #tpu.memory_space<vmem>>, %arg3: memref<1000x1xf32, #tpu.memory_space<vmem>>, %arg4: memref<1x128xf32, #tpu.memory_space<vmem>>, %arg5: memref<1000x128xf32, #tpu.memory_space<vmem>>) attributes {dimension_semantics = [#tpu.dimension_semantics<arbitrary>], iteration_bounds = array<i64: 10>, scalar_prefetch = 0 : i64, scratch_operands = 0 : i64, tpu.core_type = #tpu.core_type<tc>, window_params = [{transform_indices = @transform_0, window_bounds = array<i64: 2, 1000, 128>}, {transform_indices = @transform_1, window_bounds = array<i64: 1000, 128>}, {transform_indices = @transform_2, window_bounds = array<i64: 1000, 1>}, {pipeline_mode = #tpu.pipeline_mode<synchronous>, transform_indices = @transform_3, window_bounds = array<i64: 1, 128>}, {transform_indices = @transform_4, window_bounds = array<i64: 1000, 128>}]} {
    %get3A = arith.constant 0 : index
    %get3A_0 = arith.constant 0 : index
    %get3A_1 = arith.constant 0 : index
    %get3A_2 = vector.load %arg1[%get3A, %get3A_0, %get3A_1] : memref<2x1000x128xf32, #tpu.memory_space<vmem>>, vector<1x1000x128xf32>
    %get3A_3 = vector.shape_cast %get3A_2 : vector<1x1000x128xf32> to vector<1000x128xf32>
    %get3A_4 = arith.constant 1 : index
    %get3A_5 = arith.constant 0 : index
    %get3A_6 = arith.constant 0 : index
    %get3A_7 = vector.load %arg1[%get3A_4, %get3A_5, %get3A_6] : memref<2x1000x128xf32, #tpu.memory_space<vmem>>, vector<1x1000x128xf32>
    %get3A_8 = vector.shape_cast %get3A_7 : vector<1x1000x128xf32> to vector<1000x128xf32>
    %add3A = arith.addf %get3A_3, %get3A_8 : vector<1000x128xf32>
    %get3A_9 = arith.constant 0 : index
    %get3A_10 = arith.constant 0 : index
    %get3A_11 = vector.load %arg2[%get3A_9, %get3A_10] : memref<1000x128xf32, #tpu.memory_space<vmem>>, vector<1000x128xf32>
    %add3A_12 = arith.addf %add3A, %get3A_11 : vector<1000x128xf32>
    %get3A_13 = arith.constant 0 : index
    %get3A_14 = arith.constant 0 : index
    %get3A_15 = vector.load %arg3[%get3A_13, %get3A_14] : memref<1000x1xf32, #tpu.memory_space<vmem>>, vector<1000x1xf32>
    %mul3A = vector.broadcast %get3A_15 : vector<1000x1xf32> to vector<1000x128xf32>
    %mul3A_16 = arith.mulf %add3A_12, %mul3A : vector<1000x128xf32>
    %get3A_17 = arith.constant 0 : index
    %get3A_18 = arith.constant 0 : index
    %get3A_19 = vector.load %arg4[%get3A_17, %get3A_18] : memref<1x128xf32, #tpu.memory_space<vmem>>, vector<1x128xf32>
    %add3A_20 = vector.broadcast %get3A_19 : vector<1x128xf32> to vector<1000x128xf32>
    %add3A_21 = arith.addf %mul3A_16, %add3A_20 : vector<1000x128xf32>
    %reduce_max3A = arith.constant dense<0xFF800000> : vector<1000xf32>
    %reduce_max3A_22 = vector.multi_reduction <maximumf>, %add3A_21, %reduce_max3A [1] : vector<1000x128xf32> to vector<1000xf32>
    %broadcast_in_dim3A = vector.shape_cast %reduce_max3A_22 : vector<1000xf32> to vector<1000x1xf32>
    %sub3A = vector.broadcast %broadcast_in_dim3A : vector<1000x1xf32> to vector<1000x128xf32>
    %sub3A_23 = arith.subf %add3A_21, %sub3A : vector<1000x128xf32>
    %exp3A = math.exp %sub3A_23 : vector<1000x128xf32>
    %reduce_sum3A = arith.constant dense<0.000000e+00> : vector<1000xf32>
    %reduce_sum3A_24 = vector.multi_reduction <add>, %exp3A, %reduce_sum3A [1] : vector<1000x128xf32> to vector<1000xf32>
    %broadcast_in_dim3A_25 = vector.shape_cast %reduce_sum3A_24 : vector<1000xf32> to vector<1000x1xf32>
    %sub3A_26 = vector.broadcast %broadcast_in_dim3A : vector<1000x1xf32> to vector<1000x128xf32>
    %sub3A_27 = arith.subf %add3A_21, %sub3A_26 : vector<1000x128xf32>
    %log3A = math.log %broadcast_in_dim3A_25 : vector<1000x1xf32>
    %sub3A_28 = vector.broadcast %log3A : vector<1000x1xf32> to vector<1000x128xf32>
    %sub3A_29 = arith.subf %sub3A_27, %sub3A_28 : vector<1000x128xf32>
    %swap3A = arith.constant 0 : index
    %swap3A_30 = arith.constant 0 : index
    %swap3A_31 = vector.load %arg5[%swap3A, %swap3A_30] : memref<1000x128xf32, #tpu.memory_space<vmem>>, vector<1000x128xf32>
    tpu.vector_store %arg5[%swap3A, %swap3A_30], %sub3A_29 {strides = array<i32>} : memref<1000x128xf32, #tpu.memory_space<vmem>>, vector<1000x128xf32>,
    return
  }
  func.func @transform_0(%arg0: i32) -> (i32, i32, i32) {
    %c0_i32 = arith.constant 0 : i32
    %c0_i32_0 = arith.constant 0 : i32
    %c0_i32_1 = arith.constant 0 : i32
    return %c0_i32, %arg0, %c0_i32_0 : i32, i32, i32
  }
  func.func @transform_1(%arg0: i32) -> (i32, i32) {
    %c0_i32 = arith.constant 0 : i32
    %c0_i32_0 = arith.constant 0 : i32
    return %arg0, %c0_i32 : i32, i32
  }
  func.func @transform_2(%arg0: i32) -> (i32, i32) {
    %c0_i32 = arith.constant 0 : i32
    %c0_i32_0 = arith.constant 0 : i32
    return %arg0, %c0_i32 : i32, i32
  }
  func.func @transform_3(%arg0: i32) -> (i32, i32) {
    %c0_i32 = arith.constant 0 : i32
    %c0_i32_0 = arith.constant 0 : i32
    %c0_i32_1 = arith.constant 0 : i32
    return %c0_i32, %c0_i32_0 : i32, i32
  }
  func.func @transform_4(%arg0: i32) -> (i32, i32) {
    %c0_i32 = arith.constant 0 : i32
    %c0_i32_0 = arith.constant 0 : i32
    return %arg0, %c0_i32 : i32, i32
  }
}

</mosaic_0001>

<sc_bundles>
// kernel: kernel.11.cloned.1.call-start
scs
__scs_entry_jumppad:
0x0: {  	(pc) =	sbr.rel $0x88, $3  }
0x1: {  	(tag) =	ssettag $0x0;
	lr =	simm.s32 $0x1  }
0x2: {  	[smem:$0x3F9B] =	sst lr;
	_ =	strace $0xD0000000  }
0x3: {  	_ = 	snop  }
0x4: {  	_ = 	snop  }
0x5: {  	_ = 	snop  }
0x6: {  	_ = 	snop  }
0x7: {  	_ = 	snop  }
__scs_overlays_trampoline_lowered:
0x8: {  	[smem:$0x3FAA] =	sst s0  }
0x9: {  	[smem:$0x3FAB] =	sst s1  }
0xa: {  	[smem:$0x3FAC] =	sst s2  }
0xb: {  	[smem:$0x3FAD] =	sst s3  }
0xc: {  	[smem:$0x3FAE] =	sst s4  }
0xd: {  	[smem:$0x3FAF] =	sst s5  }
0xe: {  	[smem:$0x3FB0] =	sst s6  }
0xf: {  	[smem:$0x3FB1] =	sst s7  }
0x10: {  	[smem:$0x3FB2] =	sst s8  }
0x11: {  	[smem:$0x3FB3] =	sst s9;
	s0 =	simm.s32 @!p0 $0x0  }
0x12: {  	s1 =	sld [smem:$0x3F99];
	s0 =	simm.s32 @p0 $0x1  }
0x13: {  	[smem:$0x3FB4] =	sst s0;
	s0 =	simm.s32 @!p1 $0x0  }
0x14: {  	s2 =	sld [smem:$0x3F98];
	s0 =	simm.s32 @p1 $0x1  }
0x15: {  	[smem:$0x3FB5] =	sst s0;
	s0 =	simm.s32 @!p2 $0x0  }
0x16: {  	s3 =	sld [smem:$0x3FDB];
	s0 =	simm.s32 @p2 $0x1  }
0x17: {  	s4 =	simm.s32 $0x1BF5;
	[smem:$0x3FB7] =	sst s0  }
0x18: {  	s0 =	sld [smem:$0x3F9A];
	_ =	swait.ge [sflag:s4], $0x0  }
0x19: {  	s7 =	sld [smem:$0x3F9B]  }
0x1a: {  	s8 =	sadd.s32 $0xFFFFE003, lr  }
0x1b: {  	s9 =	sadd.s32 $0xFFFFFEF7, lr;
	s5 =	simm.s32 $0xFFFFFFFF;
	p2 =	slt.u32 s8, $0xFFFFF086  }
0x1c: {  	p1 =	slt.u32 s9, $0xF7A;
	s5 =	simm.s32 @!p2 $0x0  }
0x1d: {  	s5 =	simm.s32 @p1 $0x1;
	p0 =	seq.s32 s7, s2  }
0x1e: {  	s7 =	smul.u32 @!p0 $0xF7A, s2;
	p2 =	seq.s32 @!p0 s5, $0x0  }
0x1f: {  	s9 =	smul.u32 $0xF7A, s1;
	s8 =	simm.s32 @!p0 $0x1BF5;
	p2 =	por !p2, p0  }
0x20: {  	[sflag:s8] =	ssyncset.s32 @!p0 $0xFFFFF086;
	s6 =	sadd.s32 @!p0 s3, s7;
	s7 =	simm.s32 @!p0 $0x108  }
0x21: {  	s3 =	sadd.s32 s3, s9;
	s6 =	sadd.s32 @!p0 $0x88, s6;
	s7 =	simm.s32 @p2 $0x1082  }
0x22: {  	[simem:s7], [sflag:s8] =	dma.local @!p0 [hbm:s6], $0xF7A  }
0x23: {  	s9 =	sor.u32 $0xD0000000, s2;
	s6 =	simm.s32 $0x108;
	_ =	swait.ge @!p0 [sflag:s8], $0x0  }
0x24: {  	s3 =	sadd.s32 $0x88, s3;
	s6 =	simm.s32 @!p1 $0x1082;
	[sflag:s4] =	ssyncset.s32 $0xFFFFF086  }
0x25: {  	[simem:s6], [sflag:s4] =	dma.local [hbm:s3], $0xF7A  }
0x26: {  	[smem:$0x3F9B] =	sst s1;
	(tag) =	ssettag s2;
	_ =	strace s9  }
0x27: {  	s1 =	sld [smem:$0x3FAB]  }
0x28: {  	s2 =	sld [smem:$0x3FAC]  }
0x29: {  	s4 =	sld [smem:$0x3FAE]  }
0x2a: {  	p0 =	seq.s32 s5, $0x0;
	s5 =	sld [smem:$0x3FAF]  }
0x2b: {  	s6 =	sld [smem:$0x3FB0]  }
0x2c: {  	s7 =	sld [smem:$0x3FB1]  }
0x2d: {  	s3 =	simm.s32 $0x108;
	s8 =	sld [smem:$0x3FB2]  }
0x2e: {  	s3 =	simm.s32 @!p0 $0x1082;
	s9 =	sld [smem:$0x3FB3]  }
0x2f: {  	lr =	sadd.s32 s0, s3;
	s0 =	sld [smem:$0x3FAA]  }
0x30: {  	s3 =	sld [smem:$0x3FAD]  }
0x31: {  	[smem:$0x3FB6] =	sst s10  }
0x32: {  	s10 =	sld [smem:$0x3FB4];
	_ =	sdelay $0x3  }
0x33: {  	p0 =	seq.s32 s10, $0x1;
	s10 =	sld [smem:$0x3FB6];
	_ =	sdelay $0x3  }
0x34: {  	[smem:$0x3FB6] =	sst s10  }
0x35: {  	s10 =	sld [smem:$0x3FB5];
	_ =	sdelay $0x3  }
0x36: {  	p1 =	seq.s32 s10, $0x1;
	s10 =	sld [smem:$0x3FB6];
	_ =	sdelay $0x3  }
0x37: {  	[smem:$0x3FB6] =	sst s10  }
0x38: {  	s10 =	sld [smem:$0x3FB7]  }
0x39: {  	_ = 	snop;
	(pc) =	sbr.ind lr, $3  }
0x3a: {  	_ = 	snop  }
0x3b: {  	_ = 	snop  }
0x3c: {  	p2 =	seq.s32 s10, $0x1;
	s10 =	sld [smem:$0x3FB6]  }
0x3d: {  	_ =	shalt  }
0x3e: {  	_ =	shalt  }
0x3f: {  	_ =	shalt  }
0x40: {  	_ =	shalt  }
0x41: {  	_ =	shalt  }
0x42: {  	_ =	shalt  }
0x43: {  	_ =	shalt  }
0x44: {  	_ =	shalt  }
0x45: {  	_ =	shalt  }
0x46: {  	_ =	shalt  }
0x47: {  	_ =	shalt  }
0x48: {  	_ =	shalt  }
0x49: {  	_ =	shalt  }
0x4a: {  	_ =	shalt  }
0x4b: {  	_ =	shalt  }
0x4c: {  	_ =	shalt  }
0x4d: {  	_ =	shalt  }
0x4e: {  	_ =	shalt  }
0x4f: {  	_ =	shalt  }
0x50: {  	_ =	shalt  }
0x51: {  	_ =	shalt  }
0x52: {  	_ =	shalt  }
0x53: {  	_ =	shalt  }
0x54: {  	_ =	shalt  }
0x55: {  	_ =	shalt  }
0x56: {  	_ =	shalt  }
0x57: {  	_ =	shalt  }
0x58: {  	_ =	shalt  }
0x59: {  	_ =	shalt  }
0x5a: {  	_ =	shalt  }
0x5b: {  	_ =	shalt  }
0x5c: {  	_ =	shalt  }
0x5d: {  	_ =	shalt  }
0x5e: {  	_ =	shalt  }
0x5f: {  	_ =	shalt  }
0x60: {  	_ =	shalt  }
0x61: {  	_ =	shalt  }
0x62: {  	_ =	shalt  }
0x63: {  	_ =	shalt  }
0x64: {  	_ =	shalt  }
0x65: {  	_ =	shalt  }
0x66: {  	_ =	shalt  }
0x67: {  	_ =	shalt  }
0x68: {  	_ =	shalt  }
0x69: {  	_ =	shalt  }
0x6a: {  	_ =	shalt  }
0x6b: {  	_ =	shalt  }
0x6c: {  	_ =	shalt  }
0x6d: {  	_ =	shalt  }
0x6e: {  	_ =	shalt  }
0x6f: {  	_ =	shalt  }
0x70: {  	_ =	shalt  }
0x71: {  	_ =	shalt  }
0x72: {  	_ =	shalt  }
0x73: {  	_ =	shalt  }
0x74: {  	_ =	shalt  }
0x75: {  	_ =	shalt  }
0x76: {  	_ =	shalt  }
0x77: {  	_ =	shalt  }
0x78: {  	_ =	shalt  }
0x79: {  	_ =	shalt  }
0x7a: {  	_ =	shalt  }
0x7b: {  	_ =	shalt  }
0x7c: {  	_ =	shalt  }
0x7d: {  	_ =	shalt  }
0x7e: {  	_ =	shalt  }
0x7f: {  	_ =	shalt  }
0x80: {  	_ =	shalt  }
0x81: {  	_ =	shalt  }
0x82: {  	_ =	shalt  }
0x83: {  	_ =	shalt  }
0x84: {  	_ =	shalt  }
0x85: {  	_ =	shalt  }
0x86: {  	_ =	shalt  }
0x87: {  	_ =	shalt  }
.Lfunc_end0:
.L_simem_size_0:
called_computation.1_lowered:
.L_overlay_start_0:
0x88: {  	s2 =	sld [smem:$0x3FD9]  }
0x89: {  	s3 =	sld [smem:$0x3FFE];
	_ =	sdelay $0x1  }
0x8a: {  	s1 =	srdreg.scid  }
0x8b: {  	s0 =	sand.u32 $0x1, s1  }
0x8c: {  	s17 =	sshll.u32 s0, $0xA;
	s2 =	sadd.s32 s3, s2  }
0x8d: {  	s2 =	sadd.s32 s2, s17  }
0x8e: {  	[smem:$0x3FC2] =	sst s2  }
0x8f: {  	_ = 	snop  }
0x90: {  	s2 =	sld [smem:$0x3FD0];
	(tm) =	ssettm $0x1  }
0x91: {  	s18 =	sld [smem:$0x3FFB];
	_ =	sdelay $0x3  }
0x92: {  	_ =	strace s18  }
0x93: {  	s3 =	sld [smem:$0x3FFC];
	_ =	sdelay $0x3  }
0x94: {  	_ =	strace s3  }
0x95: {  	s3 =	sld [smem:$0x3FFD];
	_ =	sdelay $0x3  }
0x96: {  	_ =	strace s3  }
0x97: {  	_ =	strace $0x8FFFFFFF  }
0x98: {  	s19 =	sld [smem:$0x3FDB];
	_ =	sdelay $0x1  }
0x99: {  	s4 =	simm.s32 $_scs_section_size  }
0x9a: {  	s5 =	simm.s32 $_size__tile_overlayer_lowered;
	s6 =	simm.s32 $_tile_overlayer_lowered  }
0x9b: {  	s22 =	simm.s32 $0x1BFF;
	s21 =	sshll.u32 s6, $0x1;
	s3 =	sadd.s32 s4, s19  }
0x9c: {  	s7 =	simm.s32 $0x0;
	s20 =	sshll.u32 s5, $0x1;
	s5 =	sadd.s32 s21, s3  }
0x9d: {  	[timem:s7], [sflag:s22] =	dma.local [hbm:s5], s20  }
0x9e: {  	_ =	swait.ge [sflag:s22], s20  }
0x9f: {  	s4 =	ssub.s32 $0x0, s20;
	[sflag:s22] =	ssyncset.done $0x0  }
0xa0: {  	[sflag:s22] =	ssyncadd.s32 s4;
	_ =	sdelay $0x1  }
0xa1: {  	s23 =	simm.s32 $0x1B8B  }
0xa2: {  	_ =	swait.ge [sflag:s23], $0x1  }
0xa3: {  	[sflag:s23] =	ssyncset.done $0x0  }
0xa4: {  	s25 =	simm.s32 $0x1B8E;
	s24 =	sld [smem:$0x3FFE];
	[sflag:s23] =	ssyncadd.s32 $0xFFFFFFFF  }
0xa5: {  	s26 =	simm.s32 $execute0_lowered;
	[smem:$0x3FD2] =	sst s25  }
0xa6: {  	s5 =	sshll.u32 s26, $0x1;
	_ =	strace $0x80000049;
	[dreg:$0x1] =	wrdreg $0xFFFFFFFF  }
0xa7: {  	s28 =	simm.s32 $_size_execute0_lowered;
	s3 =	sadd.s32 s3, s5;
	[dreg:$0x0] =	wrdreg $0x0  }
0xa8: {  	s5 =	sshll.u32 s28, $0x1;
	[dreg:$0x2] =	wrdreg s3  }
0xa9: {  	[dreg:$0x3] =	wrdreg s5  }
0xaa: {  	[dreg:$0x4] =	wrdreg $0xC0  }
0xab: {  	_ =	task [dreg:s7], $0x5FFFF  }
0xac: {  	[dreg:$0x1] =	wrdreg $0xFFFFFFFF  }
0xad: {  	[dreg:$0x0] =	wrdreg $0x60  }
0xae: {  	[dreg:$0x2] =	wrdreg s2  }
0xaf: {  	[dreg:$0x3] =	wrdreg s24  }
0xb0: {  	[dreg:$0x4] =	wrdreg $0x93000  }
0xb1: {  	[dreg:$0x5] =	wrdreg $0x9  }
0xb2: {  	_ =	task.clear_ibuf [dreg:s7], $0x6FFFF;
	_ =	strace $0x90000049  }
0xb3: {  	s29 =	simm.s32 $0x9;
	_ =	strace $0x8000004B  }
0xb4: {  	_ =	swait.ge [sflag:s29], $0x1  }
0xb5: {  	[sflag:s29] =	ssyncadd.s32 $0xFFFFFFFF  }
0xb6: {  	_ =	strace $0x9000004B  }
0xb7: {  	_ =	sfence  }
0xb8: {  	s30 =	sld [smem:$0x0];
	_ =	sdelay $0x2  }
0xb9: {  	s31 =	sshll.u32 s1, $0xD;
	s1 =	sshrl.u32 s1, $0x2  }
0xba: {  	s3 =	sand.u32 $0x4000, s31;
	s1 =	sadd.s32 s1, s30  }
0xbb: {  	s0 =	sor.u32 s3, s0;
	s1 =	sshll.u32 s1, $0x11  }
0xbc: {  	s0 =	sor.u32 s1, s0  }
0xbd: {  	s0 =	sadd.s32 $0x8F2B, s0  }
0xbe: {  	[sflag:s0] =	ssyncadd.remote.s32 $0x1  }
0xbf: {  	_ =	sfence.sel $0xFFFF  }
0xc0: {  	[dreg:$0x0] =	wrdreg $0xFFFFFFFF;
	(pc) =	sbr.abs _section_cstart, $3  }
0xc1: {  	[dreg:$0x1] =	wrdreg $0xFFFFFFFF  }
0xc2: {  	_ =	task.clear_ibuf [dreg:s7], $0x2FFFF;
	_ =	strace $0x9FFFFFFF  }
0xc3: {  	(tm) =	ssettm $0x7FFFFFFF  }
tec
execute0_lowered:
.L_overlay_start_1:
0x0: {  	(tag) =	ssettag $0x1  }
0x1: {  	s2 =	rddreg [dreg:$0x0]  }
0x2: {  	s6 =	rddreg [dreg:$0x1]  }
0x3: {  	s3 =	rddreg [dreg:$0x2]  }
0x4: {  	s0 =	rddreg [dreg:$0x3];
	s1 =	stileid.u32;
	s4 =	simm.s32 $0x0  }
0x5: {  	s5 =	srdreg.scid;
	s17 =	simm.s32 $0x60;
	s7 =	smul.u32 $0x2E, s1  }
0x6: {  	s18 =	simm.s32 $0x300;
	s19 =	simm.s32 $0x3300;
	s8 =	smul.u32 $0xA4, s1  }
0x7: {  	[smem:$0x7FF] =	sst s4;
	s5 =	sand.u32 $0x1, s5;
	s20 =	smul.u32 $0x14000, s1  }
0x8: {  	s10 =	smul.u32 $0x50000, s1;
	s25 =	sshll.u32 s1, $0x6;
	p0 =	seq.s32 s5, $0x0  }
0x9: {  	s9 =	smul.u32 $0x140000, s5;
	_ =	strace $0x8000004A;
	s22 =	ssub.s32 $0x2, s5  }
0xa: {  	s5 =	sadd.s32 $0x1600, s6;
	s7 =	sadd.s32 $0xA40, s7;
	s23 =	sshrl.u32 s22, $0x1  }
0xb: {  	s24 =	sshrl.u32 s10, $0x2;
	s7 =	smov.u32 @p0 s8;
	s21 =	sadd.s32 s20, s9  }
0xc: {  	s13 =	ssub.s32 s22, s23;
	s9 =	simm.s32 $0xA4;
	s14 =	sadd.s32 s24, s3  }
0xd: {  	s20 =	simm.s32 $0x6300;
	s22 =	simm.s32 $0x80;
	s7 =	sshll.u32 s7, $0x5  }
0xe: {  	s9 =	simm.s32 @!p0 $0x2E;
	[dreg:$0x4] =	wrdreg s22;
	s22 =	simm.s32 $0x0  }
0xf: {  	s12 =	sadd.s32 s7, s6;
	s7 =	sshrl.u32 s21, $0x3;
	s26 =	smul.u32 $0xAB, s9  }
0x10: {  	s15 =	sadd.s32 $0xFFFFFFFD, s9;
	s28 =	sadd.s32 $0xFFFFFFFF, s9;
	s29 =	sadd.s32 $0xFFFFFFFC, s9  }
0x11: {  	s30 =	sadd.s32 $0xFFFFFFFE, s9;
	s31 =	sadd.s32 $0xFFFFFFFB, s9;
	[dreg:$0x5] =	wrdreg s15  }
0x12: {  	s21 =	simm.s32 $0x1;
	s11 =	sadd.s32 s7, s6;
	[dreg:$0x6] =	wrdreg s28  }
0x13: {  	s6 =	sor.u32 $0x1C07, s25;
	s7 =	sadd.s32 $0x53E00, s12;
	[dreg:$0x7] =	wrdreg s29  }
0x14: {  	s8 =	sadd.s32 $0x53E20, s12;
	[dreg:$0x8] =	wrdreg s30;
	s10 =	sadd.s32 $0x156, s26  }
0x15: {  	s9 =	sadd.s32 $0x53E40, s12;
	[dreg:$0x9] =	wrdreg s31;
	s10 =	sshrl.u32 s10, $0x9  }
0x16: {  	s12 =	sadd.s32 $0x53EA0, s12;
	s15 =	simm.s32 $0x100;
	s16 =	smul.u32 $0x3, s10  }
0x17: {  	s10 =	sadd.s32 $0x3E00, s11;
	s11 =	smax.u32 s13, $0x1;
	s13 =	sshrl.u32 s14, $0x3  }
0x18: {  	s14 =	simm.s32 $0x7;
	[dreg:$0xa] =	wrdreg s16;
	s16 =	simm.s32 $0x200  }
.LBB2_1:
0x19: {  	[spmem:s13], [sflag:s6] =	dma.local [hbm:s5], $0x2800  }
0x1a: {  	_ =	swait.ge [sflag:s14], $0x2800  }
0x1b: {  	[sflag:s14] =	ssyncset.done $0x0  }
0x1c: {  	[sflag:s14] =	ssyncadd.s32 $0xFFFFD800  }
0x1d: {  	[bflag:$0x0] =	sbarrier.arrive $0xFFFF  }
0x1e: {  	[tilespmem:s4], [sflag:$0x7] =	stream.linear.gather [hbm4b:s7+s4], $0x100, $0x38;
	[tilespmem:$0x1D300] =	vst v63  }
0x1f: {  	_ =	swait.ge [sflag:s14], $0x100  }
0x20: {  	[sflag:s14] =	ssyncset.done $0x0  }
0x21: {  	[sflag:s14] =	ssyncadd.s32 $0xFFFFFF00  }
0x22: {  	[tilespmem:s15], [sflag:$0x7] =	stream.linear.gather [hbm4b:s8+s4], $0x100, $0x38;
	[tilespmem:$0x1D300] =	vst v63  }
0x23: {  	_ =	swait.ge [sflag:s14], $0x100  }
0x24: {  	[sflag:s14] =	ssyncset.done $0x0  }
0x25: {  	[sflag:s14] =	ssyncadd.s32 $0xFFFFFF00  }
0x26: {  	[tilespmem:s16], [sflag:$0x7] =	stream.linear.gather [hbm4b:s9+s4], $0x100, $0x38;
	[tilespmem:$0x1D300] =	vst v63  }
0x27: {  	_ =	swait.ge [sflag:s14], $0x100  }
0x28: {  	[sflag:s14] =	ssyncset.done $0x0  }
0x29: {  	[sflag:s14] =	ssyncadd.s32 $0xFFFFFF00  }
0x2a: {  	[tilespmem:s18], [sflag:$0x1] =	stream.indirect.gather [hbm4b:s2+s17], $0x80, s4, s17, $0xb8;
	[tilespmem:$0x1D300] =	vst v63  }
0x2b: {  	_ = 	snop  }
0x2c: {  	[tilespmem:s19], [sflag:$0x2] =	stream.indirect.gather [hbm4b:s2+s17], $0x80, s15, s17, $0xb8;
	[tilespmem:$0x1D300] =	vst v63  }
0x2d: {  	s23 =	smov.u32 s12;
	s24 =	simm.s32 $0x0  }
0x2e: {  	[tilespmem:s20], [sflag:$0x3] =	stream.indirect.gather [hbm4b:s2+s17], $0x80, s16, s17, $0xb8;
	[tilespmem:$0x1D300] =	vst v63  }
.LBB2_2:
0x2f: {  	_ =	swait.ge [sflag:s21], $0x3000  }
0x30: {  	[sflag:s21] =	ssyncset.done $0x0  }
0x31: {  	s25 =	rddreg [dreg:$0x4];
	[sflag:s21] =	ssyncadd.s32 $0xFFFFD000  }
0x32: {  	[spmem:s3] =	stream.indirect.scatter.add.f32 [tilespmem:s18], [sflag:$0x7], $0x80, s25, s17, $0xb8;
	[tilespmem:$0x1D300] =	vst v63  }
0x33: {  	_ =	swait.ge [sflag:s14], $0x3000  }
0x34: {  	s28 =	rddreg [dreg:$0x5]  }
0x35: {  	[sflag:s14] =	ssyncset.done $0x0;
	s29 =	rddreg [dreg:$0x6]  }
0x36: {  	p0 =	sge.u32 s24, s28;
	[sflag:s14] =	ssyncadd.s32 $0xFFFFD000;
	p1 =	sge.u32 s24, s29  }
0x37: {  	s26 =	sadd.s32 @!p0 $0xFFFFFFC0, s23;
	s28 =	simm.s32 @!p0 $0x0;
	s25 =	simm.s32 @!p1 $0x2  }
0x38: {  	[tilespmem:s28], [sflag:$0x4] =	stream.linear.gather @!p0 [hbm4b:s26+s28], $0x100, $0x38;
	[tilespmem:$0x1D300] =	vst v63  }
0x39: {  	_ =	swait.ge @!p1 [sflag:s25], $0x3000  }
0x3a: {  	s29 =	simm.s32 @!p1 $0x3300;
	[sflag:s25] =	ssyncset.done @!p1 $0x0  }
0x3b: {  	s26 =	simm.s32 @!p1 $0x180;
	[sflag:s25] =	ssyncadd.s32 @!p1 $0xFFFFD000;
	s25 =	simm.s32 @!p1 $0x60  }
0x3c: {  	[spmem:s3] =	stream.indirect.scatter.add.f32 @!p1 [tilespmem:s29], [sflag:$0x7], $0x80, s26, s25, $0xb8;
	[tilespmem:$0x1D300] =	vst v63  }
0x3d: {  	s25 =	simm.s32 @!p1 $0x7  }
0x3e: {  	_ =	swait.ge @!p1 [sflag:s25], $0x3000  }
0x3f: {  	[sflag:s25] =	ssyncset.done @!p1 $0x0  }
0x40: {  	[sflag:s25] =	ssyncadd.s32 @!p1 $0xFFFFD000;
	s25 =	simm.s32 @!p0 $0x4  }
0x41: {  	_ =	swait.ge @!p0 [sflag:s25], $0x100  }
0x42: {  	s30 =	rddreg [dreg:$0x7]  }
0x43: {  	s29 =	simm.s32 @!p0 $0x300;
	[sflag:s25] =	ssyncset.done @!p0 $0x0;
	s31 =	rddreg [dreg:$0x8]  }
0x44: {  	[sflag:s25] =	ssyncadd.s32 @!p0 $0xFFFFFF00;
	s25 =	simm.s32 @!p0 $0x60;
	p1 =	sge.u32 s24, s31  }
0x45: {  	[tilespmem:s29], [sflag:$0x1] =	stream.indirect.gather @!p0 [hbm4b:s2+s25], $0x80, s28, s25, $0xb8;
	[tilespmem:$0x1D300] =	vst v63  }
0x46: {  	p0 =	sge.u32 s24, s30;
	s25 =	simm.s32 @!p1 $0x3  }
0x47: {  	s26 =	sadd.s32 @!p0 $0xFFFFFFE0, s23;
	s28 =	simm.s32 @!p0 $0x0;
	s29 =	simm.s32 @!p0 $0x100  }
0x48: {  	[tilespmem:s29], [sflag:$0x5] =	stream.linear.gather @!p0 [hbm4b:s26+s28], $0x100, $0x38;
	[tilespmem:$0x1D300] =	vst v63  }
0x49: {  	_ =	swait.ge @!p1 [sflag:s25], $0x3000  }
0x4a: {  	s26 =	simm.s32 @!p1 $0x280;
	[sflag:s25] =	ssyncset.done @!p1 $0x0  }
0x4b: {  	s28 =	simm.s32 @!p1 $0x6300;
	[sflag:s25] =	ssyncadd.s32 @!p1 $0xFFFFD000;
	s25 =	simm.s32 @!p1 $0x60  }
0x4c: {  	[spmem:s3] =	stream.indirect.scatter.add.f32 @!p1 [tilespmem:s28], [sflag:$0x7], $0x80, s26, s25, $0xb8;
	[tilespmem:$0x1D300] =	vst v63  }
0x4d: {  	s25 =	simm.s32 @!p1 $0x7  }
0x4e: {  	_ =	swait.ge @!p1 [sflag:s25], $0x3000  }
0x4f: {  	[sflag:s25] =	ssyncset.done @!p1 $0x0  }
0x50: {  	[sflag:s25] =	ssyncadd.s32 @!p1 $0xFFFFD000;
	s25 =	simm.s32 @!p0 $0x5  }
0x51: {  	_ =	swait.ge @!p0 [sflag:s25], $0x100  }
0x52: {  	s28 =	simm.s32 @!p0 $0x3300;
	[sflag:s25] =	ssyncset.done @!p0 $0x0  }
0x53: {  	s30 =	rddreg [dreg:$0x9];
	[sflag:s25] =	ssyncadd.s32 @!p0 $0xFFFFFF00;
	s25 =	simm.s32 @!p0 $0x60  }
0x54: {  	[tilespmem:s28], [sflag:$0x2] =	stream.indirect.gather @!p0 [hbm4b:s2+s25], $0x80, s29, s25, $0xb8;
	[tilespmem:$0x1D300] =	vst v63  }
0x55: {  	p0 =	sge.u32 s24, s30  }
0x56: {  	s25 =	simm.s32 @!p0 $0x0;
	s26 =	simm.s32 @!p0 $0x200  }
0x57: {  	[tilespmem:s26], [sflag:$0x6] =	stream.linear.gather @!p0 [hbm4b:s23+s25], $0x100, $0x38;
	[tilespmem:$0x1D300] =	vst v63  }
0x58: {  	s25 =	simm.s32 @!p0 $0x6  }
0x59: {  	_ =	swait.ge @!p0 [sflag:s25], $0x100  }
0x5a: {  	s24 =	sadd.s32 $0x3, s24;
	s28 =	simm.s32 @!p0 $0x6300;
	[sflag:s25] =	ssyncset.done @!p0 $0x0  }
0x5b: {  	s31 =	rddreg [dreg:$0xa];
	[sflag:s25] =	ssyncadd.s32 @!p0 $0xFFFFFF00;
	s25 =	simm.s32 @!p0 $0x60  }
0x5c: {  	[tilespmem:s28], [sflag:$0x3] =	stream.indirect.gather @!p0 [hbm4b:s2+s25], $0x80, s26, s25, $0xb8;
	[tilespmem:$0x1D300] =	vst v63  }
0x5d: {  	p0 =	sne.s32 s31, s24  }
.Ltmp0:
0x5e: {  	_ = 	snop;
	(pc) =	sbr.rel @p0 .LBB2_2-.Ltmp0, $2  }
0x5f: {  	_ =	sdelay $0x2  }
0x60: {  	s23 =	sadd.s32 $0x60, s23  }
0x61: {  	s22 =	sadd.s32 $0x1, s22  }
0x62: {  	p0 =	sne.s32 s22, s11  }
.Ltmp1:
0x63: {  	[bflag:$0x0] =	sbarrier.arrive $0xFFFF;
	(pc) =	sbr.rel @p0 .LBB2_1-.Ltmp1, $4  }
0x64: {  	[hbm:s10], [sflag:s6] =	dma.local [spmem:s13], $0x2800  }
0x65: {  	_ =	swait.ge [sflag:s14], $0x2800  }
0x66: {  	[sflag:s14] =	ssyncset.done $0x0  }
0x67: {  	[sflag:s14] =	ssyncadd.s32 $0xFFFFD800  }
0x68: {  	_ =	sfence.sel $0x180000  }
0x69: {  	[bflag:$0x0] =	sbarrier.arrive $0xFFFF  }
0x6a: {  	p0 =	sne.s32 s1, $0x0;
	_ =	strace $0x9000004A  }
0x6b: {  	s0 =	sadd.s32 @!p0 $0x100000, s0;
	[bflag:$0x2] =	sbarrier.arrive $0xFFFF  }
0x6c: {  	[sflag:s0] =	ssyncadd.tile.s32 @!p0 $0x1;
	_ =	shalt  }
.Lfunc_end2:
_tile_overlayer_lowered:
.L_overlay_start_2:
0x6d: {  	(tag) =	ssettag $0x2  }
0x6e: {  	s0 =	rddreg [dreg:$0x0];
	s2 =	stileid.u32  }
0x6f: {  	s1 =	rddreg [dreg:$0x1];
	p0 =	sne.s32 s2, $0x0  }
0x70: {  	s3 =	rddreg [dreg:$0x2];
	[bflag:$0x3] =	sbarrier.arrive $0xFFFF;
	s2 =	simm.s32 @!p0 $0x1C07  }
0x71: {  	[timem:s3], [sflag:s2] =	dma.local @!p0 [hbm:s0], s1  }
0x72: {  	s0 =	simm.s32 @!p0 $0x7  }
0x73: {  	_ =	swait.ge @!p0 [sflag:s0], s1  }
0x74: {  	s1 =	ssub.s32 @!p0 $0x0, s1;
	[sflag:s0] =	ssyncset.done @!p0 $0x0  }
0x75: {  	[sflag:s0] =	ssyncadd.s32 @!p0 s1  }
0x76: {  	[bflag:$0x3] =	sbarrier.arrive $0xFFFF  }
0x77: {  	_ =	shalt  }

// kernel: kernel.14.cloned.1.call-start
scs
__scs_entry_jumppad:
0x0: {  	(pc) =	sbr.rel $0x88, $3  }
0x1: {  	(tag) =	ssettag $0x0;
	lr =	simm.s32 $0x1  }
0x2: {  	[smem:$0x3F9B] =	sst lr;
	_ =	strace $0xD0000000  }
0x3: {  	_ = 	snop  }
0x4: {  	_ = 	snop  }
0x5: {  	_ = 	snop  }
0x6: {  	_ = 	snop  }
0x7: {  	_ = 	snop  }
__scs_overlays_trampoline_lowered:
0x8: {  	[smem:$0x3FAA] =	sst s0  }
0x9: {  	[smem:$0x3FAB] =	sst s1  }
0xa: {  	[smem:$0x3FAC] =	sst s2  }
0xb: {  	[smem:$0x3FAD] =	sst s3  }
0xc: {  	[smem:$0x3FAE] =	sst s4  }
0xd: {  	[smem:$0x3FAF] =	sst s5  }
0xe: {  	[smem:$0x3FB0] =	sst s6  }
0xf: {  	[smem:$0x3FB1] =	sst s7  }
0x10: {  	[smem:$0x3FB2] =	sst s8  }
0x11: {  	[smem:$0x3FB3] =	sst s9;
	s0 =	simm.s32 @!p0 $0x0  }
0x12: {  	s1 =	sld [smem:$0x3F99];
	s0 =	simm.s32 @p0 $0x1  }
0x13: {  	[smem:$0x3FB4] =	sst s0;
	s0 =	simm.s32 @!p1 $0x0  }
0x14: {  	s2 =	sld [smem:$0x3F98];
	s0 =	simm.s32 @p1 $0x1  }
0x15: {  	[smem:$0x3FB5] =	sst s0;
	s0 =	simm.s32 @!p2 $0x0  }
0x16: {  	s3 =	sld [smem:$0x3FDB];
	s0 =	simm.s32 @p2 $0x1  }
0x17: {  	s4 =	simm.s32 $0x1BF5;
	[smem:$0x3FB7] =	sst s0  }
0x18: {  	s0 =	sld [smem:$0x3F9A];
	_ =	swait.ge [sflag:s4], $0x0  }
0x19: {  	s7 =	sld [smem:$0x3F9B]  }
0x1a: {  	s8 =	sadd.s32 $0xFFFFE003, lr  }
0x1b: {  	s9 =	sadd.s32 $0xFFFFFEF7, lr;
	s5 =	simm.s32 $0xFFFFFFFF;
	p2 =	slt.u32 s8, $0xFFFFF086  }
0x1c: {  	p1 =	slt.u32 s9, $0xF7A;
	s5 =	simm.s32 @!p2 $0x0  }
0x1d: {  	s5 =	simm.s32 @p1 $0x1;
	p0 =	seq.s32 s7, s2  }
0x1e: {  	s7 =	smul.u32 @!p0 $0xF7A, s2;
	p2 =	seq.s32 @!p0 s5, $0x0  }
0x1f: {  	s9 =	smul.u32 $0xF7A, s1;
	s8 =	simm.s32 @!p0 $0x1BF5;
	p2 =	por !p2, p0  }
0x20: {  	[sflag:s8] =	ssyncset.s32 @!p0 $0xFFFFF086;
	s6 =	sadd.s32 @!p0 s3, s7;
	s7 =	simm.s32 @!p0 $0x108  }
0x21: {  	s3 =	sadd.s32 s3, s9;
	s6 =	sadd.s32 @!p0 $0x88, s6;
	s7 =	simm.s32 @p2 $0x1082  }
0x22: {  	[simem:s7], [sflag:s8] =	dma.local @!p0 [hbm:s6], $0xF7A  }
0x23: {  	s9 =	sor.u32 $0xD0000000, s2;
	s6 =	simm.s32 $0x108;
	_ =	swait.ge @!p0 [sflag:s8], $0x0  }
0x24: {  	s3 =	sadd.s32 $0x88, s3;
	s6 =	simm.s32 @!p1 $0x1082;
	[sflag:s4] =	ssyncset.s32 $0xFFFFF086  }
0x25: {  	[simem:s6], [sflag:s4] =	dma.local [hbm:s3], $0xF7A  }
0x26: {  	[smem:$0x3F9B] =	sst s1;
	(tag) =	ssettag s2;
	_ =	strace s9  }
0x27: {  	s1 =	sld [smem:$0x3FAB]  }
0x28: {  	s2 =	sld [smem:$0x3FAC]  }
0x29: {  	s4 =	sld [smem:$0x3FAE]  }
0x2a: {  	p0 =	seq.s32 s5, $0x0;
	s5 =	sld [smem:$0x3FAF]  }
0x2b: {  	s6 =	sld [smem:$0x3FB0]  }
0x2c: {  	s7 =	sld [smem:$0x3FB1]  }
0x2d: {  	s3 =	simm.s32 $0x108;
	s8 =	sld [smem:$0x3FB2]  }
0x2e: {  	s3 =	simm.s32 @!p0 $0x1082;
	s9 =	sld [smem:$0x3FB3]  }
0x2f: {  	lr =	sadd.s32 s0, s3;
	s0 =	sld [smem:$0x3FAA]  }
0x30: {  	s3 =	sld [smem:$0x3FAD]  }
0x31: {  	[smem:$0x3FB6] =	sst s10  }
0x32: {  	s10 =	sld [smem:$0x3FB4];
	_ =	sdelay $0x3  }
0x33: {  	p0 =	seq.s32 s10, $0x1;
	s10 =	sld [smem:$0x3FB6];
	_ =	sdelay $0x3  }
0x34: {  	[smem:$0x3FB6] =	sst s10  }
0x35: {  	s10 =	sld [smem:$0x3FB5];
	_ =	sdelay $0x3  }
0x36: {  	p1 =	seq.s32 s10, $0x1;
	s10 =	sld [smem:$0x3FB6];
	_ =	sdelay $0x3  }
0x37: {  	[smem:$0x3FB6] =	sst s10  }
0x38: {  	s10 =	sld [smem:$0x3FB7]  }
0x39: {  	_ = 	snop;
	(pc) =	sbr.ind lr, $3  }
0x3a: {  	_ = 	snop  }
0x3b: {  	_ = 	snop  }
0x3c: {  	p2 =	seq.s32 s10, $0x1;
	s10 =	sld [smem:$0x3FB6]  }
0x3d: {  	_ =	shalt  }
0x3e: {  	_ =	shalt  }
0x3f: {  	_ =	shalt  }
0x40: {  	_ =	shalt  }
0x41: {  	_ =	shalt  }
0x42: {  	_ =	shalt  }
0x43: {  	_ =	shalt  }
0x44: {  	_ =	shalt  }
0x45: {  	_ =	shalt  }
0x46: {  	_ =	shalt  }
0x47: {  	_ =	shalt  }
0x48: {  	_ =	shalt  }
0x49: {  	_ =	shalt  }
0x4a: {  	_ =	shalt  }
0x4b: {  	_ =	shalt  }
0x4c: {  	_ =	shalt  }
0x4d: {  	_ =	shalt  }
0x4e: {  	_ =	shalt  }
0x4f: {  	_ =	shalt  }
0x50: {  	_ =	shalt  }
0x51: {  	_ =	shalt  }
0x52: {  	_ =	shalt  }
0x53: {  	_ =	shalt  }
0x54: {  	_ =	shalt  }
0x55: {  	_ =	shalt  }
0x56: {  	_ =	shalt  }
0x57: {  	_ =	shalt  }
0x58: {  	_ =	shalt  }
0x59: {  	_ =	shalt  }
0x5a: {  	_ =	shalt  }
0x5b: {  	_ =	shalt  }
0x5c: {  	_ =	shalt  }
0x5d: {  	_ =	shalt  }
0x5e: {  	_ =	shalt  }
0x5f: {  	_ =	shalt  }
0x60: {  	_ =	shalt  }
0x61: {  	_ =	shalt  }
0x62: {  	_ =	shalt  }
0x63: {  	_ =	shalt  }
0x64: {  	_ =	shalt  }
0x65: {  	_ =	shalt  }
0x66: {  	_ =	shalt  }
0x67: {  	_ =	shalt  }
0x68: {  	_ =	shalt  }
0x69: {  	_ =	shalt  }
0x6a: {  	_ =	shalt  }
0x6b: {  	_ =	shalt  }
0x6c: {  	_ =	shalt  }
0x6d: {  	_ =	shalt  }
0x6e: {  	_ =	shalt  }
0x6f: {  	_ =	shalt  }
0x70: {  	_ =	shalt  }
0x71: {  	_ =	shalt  }
0x72: {  	_ =	shalt  }
0x73: {  	_ =	shalt  }
0x74: {  	_ =	shalt  }
0x75: {  	_ =	shalt  }
0x76: {  	_ =	shalt  }
0x77: {  	_ =	shalt  }
0x78: {  	_ =	shalt  }
0x79: {  	_ =	shalt  }
0x7a: {  	_ =	shalt  }
0x7b: {  	_ =	shalt  }
0x7c: {  	_ =	shalt  }
0x7d: {  	_ =	shalt  }
0x7e: {  	_ =	shalt  }
0x7f: {  	_ =	shalt  }
0x80: {  	_ =	shalt  }
0x81: {  	_ =	shalt  }
0x82: {  	_ =	shalt  }
0x83: {  	_ =	shalt  }
0x84: {  	_ =	shalt  }
0x85: {  	_ =	shalt  }
0x86: {  	_ =	shalt  }
0x87: {  	_ =	shalt  }
.Lfunc_end0:
.L_simem_size_0:
called_computation.2_lowered:
.L_overlay_start_0:
0x88: {  	s2 =	sld [smem:$0x3FD9]  }
0x89: {  	s3 =	sld [smem:$0x3FFE];
	_ =	sdelay $0x1  }
0x8a: {  	s1 =	srdreg.scid  }
0x8b: {  	s0 =	sand.u32 $0x1, s1  }
0x8c: {  	s17 =	sshll.u32 s0, $0xA;
	s2 =	sadd.s32 s3, s2  }
0x8d: {  	s2 =	sadd.s32 s2, s17  }
0x8e: {  	[smem:$0x3FC2] =	sst s2  }
0x8f: {  	_ = 	snop  }
0x90: {  	s2 =	sld [smem:$0x3FD0];
	(tm) =	ssettm $0x1  }
0x91: {  	s18 =	sld [smem:$0x3FFB];
	_ =	sdelay $0x3  }
0x92: {  	_ =	strace s18  }
0x93: {  	s3 =	sld [smem:$0x3FFC];
	_ =	sdelay $0x3  }
0x94: {  	_ =	strace s3  }
0x95: {  	s3 =	sld [smem:$0x3FFD];
	_ =	sdelay $0x3  }
0x96: {  	_ =	strace s3  }
0x97: {  	_ =	strace $0x8FFFFFFF  }
0x98: {  	s19 =	sld [smem:$0x3FDB];
	_ =	sdelay $0x1  }
0x99: {  	s4 =	simm.s32 $_scs_section_size  }
0x9a: {  	s5 =	simm.s32 $_size__tile_overlayer_lowered;
	s6 =	simm.s32 $_tile_overlayer_lowered  }
0x9b: {  	s22 =	simm.s32 $0x1BFF;
	s21 =	sshll.u32 s6, $0x1;
	s3 =	sadd.s32 s4, s19  }
0x9c: {  	s7 =	simm.s32 $0x0;
	s20 =	sshll.u32 s5, $0x1;
	s5 =	sadd.s32 s21, s3  }
0x9d: {  	[timem:s7], [sflag:s22] =	dma.local [hbm:s5], s20  }
0x9e: {  	_ =	swait.ge [sflag:s22], s20  }
0x9f: {  	s4 =	ssub.s32 $0x0, s20;
	[sflag:s22] =	ssyncset.done $0x0  }
0xa0: {  	[sflag:s22] =	ssyncadd.s32 s4;
	_ =	sdelay $0x1  }
0xa1: {  	s23 =	simm.s32 $0x1B8B  }
0xa2: {  	_ =	swait.ge [sflag:s23], $0x1  }
0xa3: {  	[sflag:s23] =	ssyncset.done $0x0  }
0xa4: {  	s25 =	simm.s32 $0x1B8E;
	s24 =	sld [smem:$0x3FFE];
	[sflag:s23] =	ssyncadd.s32 $0xFFFFFFFF  }
0xa5: {  	s26 =	simm.s32 $execute0_lowered;
	[smem:$0x3FD2] =	sst s25  }
0xa6: {  	s5 =	sshll.u32 s26, $0x1;
	_ =	strace $0x8000004C;
	[dreg:$0x1] =	wrdreg $0xFFFFFFFF  }
0xa7: {  	s28 =	simm.s32 $_size_execute0_lowered;
	s3 =	sadd.s32 s3, s5;
	[dreg:$0x0] =	wrdreg $0x0  }
0xa8: {  	s5 =	sshll.u32 s28, $0x1;
	[dreg:$0x2] =	wrdreg s3  }
0xa9: {  	[dreg:$0x3] =	wrdreg s5  }
0xaa: {  	[dreg:$0x4] =	wrdreg $0xC0  }
0xab: {  	_ =	task [dreg:s7], $0x5FFFF  }
0xac: {  	[dreg:$0x1] =	wrdreg $0xFFFFFFFF  }
0xad: {  	[dreg:$0x0] =	wrdreg $0x60  }
0xae: {  	[dreg:$0x2] =	wrdreg s2  }
0xaf: {  	[dreg:$0x3] =	wrdreg s24  }
0xb0: {  	[dreg:$0x4] =	wrdreg $0x93000  }
0xb1: {  	[dreg:$0x5] =	wrdreg $0x9  }
0xb2: {  	_ =	task.clear_ibuf [dreg:s7], $0x6FFFF;
	_ =	strace $0x9000004C  }
0xb3: {  	s29 =	simm.s32 $0x9;
	_ =	strace $0x8000004E  }
0xb4: {  	_ =	swait.ge [sflag:s29], $0x1  }
0xb5: {  	[sflag:s29] =	ssyncadd.s32 $0xFFFFFFFF  }
0xb6: {  	_ =	strace $0x9000004E  }
0xb7: {  	_ =	sfence  }
0xb8: {  	s30 =	sld [smem:$0x0];
	_ =	sdelay $0x2  }
0xb9: {  	s31 =	sshll.u32 s1, $0xD;
	s1 =	sshrl.u32 s1, $0x2  }
0xba: {  	s3 =	sand.u32 $0x4000, s31;
	s1 =	sadd.s32 s1, s30  }
0xbb: {  	s0 =	sor.u32 s3, s0;
	s1 =	sshll.u32 s1, $0x11  }
0xbc: {  	s0 =	sor.u32 s1, s0  }
0xbd: {  	s0 =	sadd.s32 $0x8F2B, s0  }
0xbe: {  	[sflag:s0] =	ssyncadd.remote.s32 $0x1  }
0xbf: {  	_ =	sfence.sel $0xFFFF  }
0xc0: {  	[dreg:$0x0] =	wrdreg $0xFFFFFFFF;
	(pc) =	sbr.abs _section_cstart, $3  }
0xc1: {  	[dreg:$0x1] =	wrdreg $0xFFFFFFFF  }
0xc2: {  	_ =	task.clear_ibuf [dreg:s7], $0x2FFFF;
	_ =	strace $0x9FFFFFFF  }
0xc3: {  	(tm) =	ssettm $0x7FFFFFFF  }
tec
execute0_lowered:
.L_overlay_start_1:
0x0: {  	(tag) =	ssettag $0x1  }
0x1: {  	s2 =	rddreg [dreg:$0x0]  }
0x2: {  	s6 =	rddreg [dreg:$0x1]  }
0x3: {  	s3 =	rddreg [dreg:$0x2]  }
0x4: {  	s0 =	rddreg [dreg:$0x3];
	s1 =	stileid.u32;
	s4 =	simm.s32 $0x0  }
0x5: {  	s5 =	srdreg.scid;
	s17 =	simm.s32 $0x60;
	s7 =	smul.u32 $0x2E, s1  }
0x6: {  	s18 =	simm.s32 $0x300;
	s19 =	simm.s32 $0x3300;
	s8 =	smul.u32 $0xA4, s1  }
0x7: {  	[smem:$0x7FF] =	sst s4;
	s5 =	sand.u32 $0x1, s5;
	s20 =	smul.u32 $0x14000, s1  }
0x8: {  	s10 =	smul.u32 $0x50000, s1;
	s25 =	sshll.u32 s1, $0x6;
	p0 =	seq.s32 s5, $0x0  }
0x9: {  	s9 =	smul.u32 $0x140000, s5;
	_ =	strace $0x8000004D;
	s22 =	ssub.s32 $0x2, s5  }
0xa: {  	s5 =	sadd.s32 $0x1600, s6;
	s7 =	sadd.s32 $0xA40, s7;
	s23 =	sshrl.u32 s22, $0x1  }
0xb: {  	s24 =	sshrl.u32 s10, $0x2;
	s7 =	smov.u32 @p0 s8;
	s21 =	sadd.s32 s20, s9  }
0xc: {  	s13 =	ssub.s32 s22, s23;
	s9 =	simm.s32 $0xA4;
	s14 =	sadd.s32 s24, s3  }
0xd: {  	s20 =	simm.s32 $0x6300;
	s22 =	simm.s32 $0x80;
	s7 =	sshll.u32 s7, $0x5  }
0xe: {  	s9 =	simm.s32 @!p0 $0x2E;
	[dreg:$0x4] =	wrdreg s22;
	s22 =	simm.s32 $0x0  }
0xf: {  	s12 =	sadd.s32 s7, s6;
	s7 =	sshrl.u32 s21, $0x3;
	s26 =	smul.u32 $0xAB, s9  }
0x10: {  	s15 =	sadd.s32 $0xFFFFFFFD, s9;
	s28 =	sadd.s32 $0xFFFFFFFF, s9;
	s29 =	sadd.s32 $0xFFFFFFFC, s9  }
0x11: {  	s30 =	sadd.s32 $0xFFFFFFFE, s9;
	s31 =	sadd.s32 $0xFFFFFFFB, s9;
	[dreg:$0x5] =	wrdreg s15  }
0x12: {  	s21 =	simm.s32 $0x1;
	s11 =	sadd.s32 s7, s6;
	[dreg:$0x6] =	wrdreg s28  }
0x13: {  	s6 =	sor.u32 $0x1C07, s25;
	s7 =	sadd.s32 $0x53E00, s12;
	[dreg:$0x7] =	wrdreg s29  }
0x14: {  	s8 =	sadd.s32 $0x53E20, s12;
	[dreg:$0x8] =	wrdreg s30;
	s10 =	sadd.s32 $0x156, s26  }
0x15: {  	s9 =	sadd.s32 $0x53E40, s12;
	[dreg:$0x9] =	wrdreg s31;
	s10 =	sshrl.u32 s10, $0x9  }
0x16: {  	s12 =	sadd.s32 $0x53EA0, s12;
	s15 =	simm.s32 $0x100;
	s16 =	smul.u32 $0x3, s10  }
0x17: {  	s10 =	sadd.s32 $0x3E00, s11;
	s11 =	smax.u32 s13, $0x1;
	s13 =	sshrl.u32 s14, $0x3  }
0x18: {  	s14 =	simm.s32 $0x7;
	[dreg:$0xa] =	wrdreg s16;
	s16 =	simm.s32 $0x200  }
.LBB2_1:
0x19: {  	[spmem:s13], [sflag:s6] =	dma.local [hbm:s5], $0x2800  }
0x1a: {  	_ =	swait.ge [sflag:s14], $0x2800  }
0x1b: {  	[sflag:s14] =	ssyncset.done $0x0  }
0x1c: {  	[sflag:s14] =	ssyncadd.s32 $0xFFFFD800  }
0x1d: {  	[bflag:$0x0] =	sbarrier.arrive $0xFFFF  }
0x1e: {  	[tilespmem:s4], [sflag:$0x7] =	stream.linear.gather [hbm4b:s7+s4], $0x100, $0x38;
	[tilespmem:$0x1D300] =	vst v63  }
0x1f: {  	_ =	swait.ge [sflag:s14], $0x100  }
0x20: {  	[sflag:s14] =	ssyncset.done $0x0  }
0x21: {  	[sflag:s14] =	ssyncadd.s32 $0xFFFFFF00  }
0x22: {  	[tilespmem:s15], [sflag:$0x7] =	stream.linear.gather [hbm4b:s8+s4], $0x100, $0x38;
	[tilespmem:$0x1D300] =	vst v63  }
0x23: {  	_ =	swait.ge [sflag:s14], $0x100  }
0x24: {  	[sflag:s14] =	ssyncset.done $0x0  }
0x25: {  	[sflag:s14] =	ssyncadd.s32 $0xFFFFFF00  }
0x26: {  	[tilespmem:s16], [sflag:$0x7] =	stream.linear.gather [hbm4b:s9+s4], $0x100, $0x38;
	[tilespmem:$0x1D300] =	vst v63  }
0x27: {  	_ =	swait.ge [sflag:s14], $0x100  }
0x28: {  	[sflag:s14] =	ssyncset.done $0x0  }
0x29: {  	[sflag:s14] =	ssyncadd.s32 $0xFFFFFF00  }
0x2a: {  	[tilespmem:s18], [sflag:$0x1] =	stream.indirect.gather [hbm4b:s2+s17], $0x80, s4, s17, $0xb8;
	[tilespmem:$0x1D300] =	vst v63  }
0x2b: {  	_ = 	snop  }
0x2c: {  	[tilespmem:s19], [sflag:$0x2] =	stream.indirect.gather [hbm4b:s2+s17], $0x80, s15, s17, $0xb8;
	[tilespmem:$0x1D300] =	vst v63  }
0x2d: {  	s23 =	smov.u32 s12;
	s24 =	simm.s32 $0x0  }
0x2e: {  	[tilespmem:s20], [sflag:$0x3] =	stream.indirect.gather [hbm4b:s2+s17], $0x80, s16, s17, $0xb8;
	[tilespmem:$0x1D300] =	vst v63  }
.LBB2_2:
0x2f: {  	_ =	swait.ge [sflag:s21], $0x3000  }
0x30: {  	[sflag:s21] =	ssyncset.done $0x0  }
0x31: {  	s25 =	rddreg [dreg:$0x4];
	[sflag:s21] =	ssyncadd.s32 $0xFFFFD000  }
0x32: {  	[spmem:s3] =	stream.indirect.scatter.add.f32 [tilespmem:s18], [sflag:$0x7], $0x80, s25, s17, $0xb8;
	[tilespmem:$0x1D300] =	vst v63  }
0x33: {  	_ =	swait.ge [sflag:s14], $0x3000  }
0x34: {  	s28 =	rddreg [dreg:$0x5]  }
0x35: {  	[sflag:s14] =	ssyncset.done $0x0;
	s29 =	rddreg [dreg:$0x6]  }
0x36: {  	p0 =	sge.u32 s24, s28;
	[sflag:s14] =	ssyncadd.s32 $0xFFFFD000;
	p1 =	sge.u32 s24, s29  }
0x37: {  	s26 =	sadd.s32 @!p0 $0xFFFFFFC0, s23;
	s28 =	simm.s32 @!p0 $0x0;
	s25 =	simm.s32 @!p1 $0x2  }
0x38: {  	[tilespmem:s28], [sflag:$0x4] =	stream.linear.gather @!p0 [hbm4b:s26+s28], $0x100, $0x38;
	[tilespmem:$0x1D300] =	vst v63  }
0x39: {  	_ =	swait.ge @!p1 [sflag:s25], $0x3000  }
0x3a: {  	s29 =	simm.s32 @!p1 $0x3300;
	[sflag:s25] =	ssyncset.done @!p1 $0x0  }
0x3b: {  	s26 =	simm.s32 @!p1 $0x180;
	[sflag:s25] =	ssyncadd.s32 @!p1 $0xFFFFD000;
	s25 =	simm.s32 @!p1 $0x60  }
0x3c: {  	[spmem:s3] =	stream.indirect.scatter.add.f32 @!p1 [tilespmem:s29], [sflag:$0x7], $0x80, s26, s25, $0xb8;
	[tilespmem:$0x1D300] =	vst v63  }
0x3d: {  	s25 =	simm.s32 @!p1 $0x7  }
0x3e: {  	_ =	swait.ge @!p1 [sflag:s25], $0x3000  }
0x3f: {  	[sflag:s25] =	ssyncset.done @!p1 $0x0  }
0x40: {  	[sflag:s25] =	ssyncadd.s32 @!p1 $0xFFFFD000;
	s25 =	simm.s32 @!p0 $0x4  }
0x41: {  	_ =	swait.ge @!p0 [sflag:s25], $0x100  }
0x42: {  	s30 =	rddreg [dreg:$0x7]  }
0x43: {  	s29 =	simm.s32 @!p0 $0x300;
	[sflag:s25] =	ssyncset.done @!p0 $0x0;
	s31 =	rddreg [dreg:$0x8]  }
0x44: {  	[sflag:s25] =	ssyncadd.s32 @!p0 $0xFFFFFF00;
	s25 =	simm.s32 @!p0 $0x60;
	p1 =	sge.u32 s24, s31  }
0x45: {  	[tilespmem:s29], [sflag:$0x1] =	stream.indirect.gather @!p0 [hbm4b:s2+s25], $0x80, s28, s25, $0xb8;
	[tilespmem:$0x1D300] =	vst v63  }
0x46: {  	p0 =	sge.u32 s24, s30;
	s25 =	simm.s32 @!p1 $0x3  }
0x47: {  	s26 =	sadd.s32 @!p0 $0xFFFFFFE0, s23;
	s28 =	simm.s32 @!p0 $0x0;
	s29 =	simm.s32 @!p0 $0x100  }
0x48: {  	[tilespmem:s29], [sflag:$0x5] =	stream.linear.gather @!p0 [hbm4b:s26+s28], $0x100, $0x38;
	[tilespmem:$0x1D300] =	vst v63  }
0x49: {  	_ =	swait.ge @!p1 [sflag:s25], $0x3000  }
0x4a: {  	s26 =	simm.s32 @!p1 $0x280;
	[sflag:s25] =	ssyncset.done @!p1 $0x0  }
0x4b: {  	s28 =	simm.s32 @!p1 $0x6300;
	[sflag:s25] =	ssyncadd.s32 @!p1 $0xFFFFD000;
	s25 =	simm.s32 @!p1 $0x60  }
0x4c: {  	[spmem:s3] =	stream.indirect.scatter.add.f32 @!p1 [tilespmem:s28], [sflag:$0x7], $0x80, s26, s25, $0xb8;
	[tilespmem:$0x1D300] =	vst v63  }
0x4d: {  	s25 =	simm.s32 @!p1 $0x7  }
0x4e: {  	_ =	swait.ge @!p1 [sflag:s25], $0x3000  }
0x4f: {  	[sflag:s25] =	ssyncset.done @!p1 $0x0  }
0x50: {  	[sflag:s25] =	ssyncadd.s32 @!p1 $0xFFFFD000;
	s25 =	simm.s32 @!p0 $0x5  }
0x51: {  	_ =	swait.ge @!p0 [sflag:s25], $0x100  }
0x52: {  	s28 =	simm.s32 @!p0 $0x3300;
	[sflag:s25] =	ssyncset.done @!p0 $0x0  }
0x53: {  	s30 =	rddreg [dreg:$0x9];
	[sflag:s25] =	ssyncadd.s32 @!p0 $0xFFFFFF00;
	s25 =	simm.s32 @!p0 $0x60  }
0x54: {  	[tilespmem:s28], [sflag:$0x2] =	stream.indirect.gather @!p0 [hbm4b:s2+s25], $0x80, s29, s25, $0xb8;
	[tilespmem:$0x1D300] =	vst v63  }
0x55: {  	p0 =	sge.u32 s24, s30  }
0x56: {  	s25 =	simm.s32 @!p0 $0x0;
	s26 =	simm.s32 @!p0 $0x200  }
0x57: {  	[tilespmem:s26], [sflag:$0x6] =	stream.linear.gather @!p0 [hbm4b:s23+s25], $0x100, $0x38;
	[tilespmem:$0x1D300] =	vst v63  }
0x58: {  	s25 =	simm.s32 @!p0 $0x6  }
0x59: {  	_ =	swait.ge @!p0 [sflag:s25], $0x100  }
0x5a: {  	s24 =	sadd.s32 $0x3, s24;
	s28 =	simm.s32 @!p0 $0x6300;
	[sflag:s25] =	ssyncset.done @!p0 $0x0  }
0x5b: {  	s31 =	rddreg [dreg:$0xa];
	[sflag:s25] =	ssyncadd.s32 @!p0 $0xFFFFFF00;
	s25 =	simm.s32 @!p0 $0x60  }
0x5c: {  	[tilespmem:s28], [sflag:$0x3] =	stream.indirect.gather @!p0 [hbm4b:s2+s25], $0x80, s26, s25, $0xb8;
	[tilespmem:$0x1D300] =	vst v63  }
0x5d: {  	p0 =	sne.s32 s31, s24  }
.Ltmp0:
0x5e: {  	_ = 	snop;
	(pc) =	sbr.rel @p0 .LBB2_2-.Ltmp0, $2  }
0x5f: {  	_ =	sdelay $0x2  }
0x60: {  	s23 =	sadd.s32 $0x60, s23  }
0x61: {  	s22 =	sadd.s32 $0x1, s22  }
0x62: {  	p0 =	sne.s32 s22, s11  }
.Ltmp1:
0x63: {  	[bflag:$0x0] =	sbarrier.arrive $0xFFFF;
	(pc) =	sbr.rel @p0 .LBB2_1-.Ltmp1, $4  }
0x64: {  	[hbm:s10], [sflag:s6] =	dma.local [spmem:s13], $0x2800  }
0x65: {  	_ =	swait.ge [sflag:s14], $0x2800  }
0x66: {  	[sflag:s14] =	ssyncset.done $0x0  }
0x67: {  	[sflag:s14] =	ssyncadd.s32 $0xFFFFD800  }
0x68: {  	_ =	sfence.sel $0x180000  }
0x69: {  	[bflag:$0x0] =	sbarrier.arrive $0xFFFF  }
0x6a: {  	p0 =	sne.s32 s1, $0x0;
	_ =	strace $0x9000004D  }
0x6b: {  	s0 =	sadd.s32 @!p0 $0x100000, s0;
	[bflag:$0x2] =	sbarrier.arrive $0xFFFF  }
0x6c: {  	[sflag:s0] =	ssyncadd.tile.s32 @!p0 $0x1;
	_ =	shalt  }
.Lfunc_end2:
_tile_overlayer_lowered:
.L_overlay_start_2:
0x6d: {  	(tag) =	ssettag $0x2  }
0x6e: {  	s0 =	rddreg [dreg:$0x0];
	s2 =	stileid.u32  }
0x6f: {  	s1 =	rddreg [dreg:$0x1];
	p0 =	sne.s32 s2, $0x0  }
0x70: {  	s3 =	rddreg [dreg:$0x2];
	[bflag:$0x3] =	sbarrier.arrive $0xFFFF;
	s2 =	simm.s32 @!p0 $0x1C07  }
0x71: {  	[timem:s3], [sflag:s2] =	dma.local @!p0 [hbm:s0], s1  }
0x72: {  	s0 =	simm.s32 @!p0 $0x7  }
0x73: {  	_ =	swait.ge @!p0 [sflag:s0], s1  }
0x74: {  	s1 =	ssub.s32 @!p0 $0x0, s1;
	[sflag:s0] =	ssyncset.done @!p0 $0x0  }
0x75: {  	[sflag:s0] =	ssyncadd.s32 @!p0 s1  }
0x76: {  	[bflag:$0x3] =	sbarrier.arrive $0xFFFF  }
0x77: {  	_ =	shalt  }

// kernel: kernel.8.cloned.1.call-start
scs
__scs_entry_jumppad:
0x0: {  	(pc) =	sbr.rel $0x88, $3  }
0x1: {  	(tag) =	ssettag $0x0;
	lr =	simm.s32 $0x1  }
0x2: {  	[smem:$0x3F9B] =	sst lr;
	_ =	strace $0xD0000000  }
0x3: {  	_ = 	snop  }
0x4: {  	_ = 	snop  }
0x5: {  	_ = 	snop  }
0x6: {  	_ = 	snop  }
0x7: {  	_ = 	snop  }
__scs_overlays_trampoline_lowered:
0x8: {  	[smem:$0x3FAA] =	sst s0  }
0x9: {  	[smem:$0x3FAB] =	sst s1  }
0xa: {  	[smem:$0x3FAC] =	sst s2  }
0xb: {  	[smem:$0x3FAD] =	sst s3  }
0xc: {  	[smem:$0x3FAE] =	sst s4  }
0xd: {  	[smem:$0x3FAF] =	sst s5  }
0xe: {  	[smem:$0x3FB0] =	sst s6  }
0xf: {  	[smem:$0x3FB1] =	sst s7  }
0x10: {  	[smem:$0x3FB2] =	sst s8  }
0x11: {  	[smem:$0x3FB3] =	sst s9;
	s0 =	simm.s32 @!p0 $0x0  }
0x12: {  	s1 =	sld [smem:$0x3F99];
	s0 =	simm.s32 @p0 $0x1  }
0x13: {  	[smem:$0x3FB4] =	sst s0;
	s0 =	simm.s32 @!p1 $0x0  }
0x14: {  	s2 =	sld [smem:$0x3F98];
	s0 =	simm.s32 @p1 $0x1  }
0x15: {  	[smem:$0x3FB5] =	sst s0;
	s0 =	simm.s32 @!p2 $0x0  }
0x16: {  	s3 =	sld [smem:$0x3FDB];
	s0 =	simm.s32 @p2 $0x1  }
0x17: {  	s4 =	simm.s32 $0x1BF5;
	[smem:$0x3FB7] =	sst s0  }
0x18: {  	s0 =	sld [smem:$0x3F9A];
	_ =	swait.ge [sflag:s4], $0x0  }
0x19: {  	s7 =	sld [smem:$0x3F9B]  }
0x1a: {  	s8 =	sadd.s32 $0xFFFFE003, lr  }
0x1b: {  	s9 =	sadd.s32 $0xFFFFFEF7, lr;
	s5 =	simm.s32 $0xFFFFFFFF;
	p2 =	slt.u32 s8, $0xFFFFF086  }
0x1c: {  	p1 =	slt.u32 s9, $0xF7A;
	s5 =	simm.s32 @!p2 $0x0  }
0x1d: {  	s5 =	simm.s32 @p1 $0x1;
	p0 =	seq.s32 s7, s2  }
0x1e: {  	s7 =	smul.u32 @!p0 $0xF7A, s2;
	p2 =	seq.s32 @!p0 s5, $0x0  }
0x1f: {  	s9 =	smul.u32 $0xF7A, s1;
	s8 =	simm.s32 @!p0 $0x1BF5;
	p2 =	por !p2, p0  }
0x20: {  	[sflag:s8] =	ssyncset.s32 @!p0 $0xFFFFF086;
	s6 =	sadd.s32 @!p0 s3, s7;
	s7 =	simm.s32 @!p0 $0x108  }
0x21: {  	s3 =	sadd.s32 s3, s9;
	s6 =	sadd.s32 @!p0 $0x88, s6;
	s7 =	simm.s32 @p2 $0x1082  }
0x22: {  	[simem:s7], [sflag:s8] =	dma.local @!p0 [hbm:s6], $0xF7A  }
0x23: {  	s9 =	sor.u32 $0xD0000000, s2;
	s6 =	simm.s32 $0x108;
	_ =	swait.ge @!p0 [sflag:s8], $0x0  }
0x24: {  	s3 =	sadd.s32 $0x88, s3;
	s6 =	simm.s32 @!p1 $0x1082;
	[sflag:s4] =	ssyncset.s32 $0xFFFFF086  }
0x25: {  	[simem:s6], [sflag:s4] =	dma.local [hbm:s3], $0xF7A  }
0x26: {  	[smem:$0x3F9B] =	sst s1;
	(tag) =	ssettag s2;
	_ =	strace s9  }
0x27: {  	s1 =	sld [smem:$0x3FAB]  }
0x28: {  	s2 =	sld [smem:$0x3FAC]  }
0x29: {  	s4 =	sld [smem:$0x3FAE]  }
0x2a: {  	p0 =	seq.s32 s5, $0x0;
	s5 =	sld [smem:$0x3FAF]  }
0x2b: {  	s6 =	sld [smem:$0x3FB0]  }
0x2c: {  	s7 =	sld [smem:$0x3FB1]  }
0x2d: {  	s3 =	simm.s32 $0x108;
	s8 =	sld [smem:$0x3FB2]  }
0x2e: {  	s3 =	simm.s32 @!p0 $0x1082;
	s9 =	sld [smem:$0x3FB3]  }
0x2f: {  	lr =	sadd.s32 s0, s3;
	s0 =	sld [smem:$0x3FAA]  }
0x30: {  	s3 =	sld [smem:$0x3FAD]  }
0x31: {  	[smem:$0x3FB6] =	sst s10  }
0x32: {  	s10 =	sld [smem:$0x3FB4];
	_ =	sdelay $0x3  }
0x33: {  	p0 =	seq.s32 s10, $0x1;
	s10 =	sld [smem:$0x3FB6];
	_ =	sdelay $0x3  }
0x34: {  	[smem:$0x3FB6] =	sst s10  }
0x35: {  	s10 =	sld [smem:$0x3FB5];
	_ =	sdelay $0x3  }
0x36: {  	p1 =	seq.s32 s10, $0x1;
	s10 =	sld [smem:$0x3FB6];
	_ =	sdelay $0x3  }
0x37: {  	[smem:$0x3FB6] =	sst s10  }
0x38: {  	s10 =	sld [smem:$0x3FB7]  }
0x39: {  	_ = 	snop;
	(pc) =	sbr.ind lr, $3  }
0x3a: {  	_ = 	snop  }
0x3b: {  	_ = 	snop  }
0x3c: {  	p2 =	seq.s32 s10, $0x1;
	s10 =	sld [smem:$0x3FB6]  }
0x3d: {  	_ =	shalt  }
0x3e: {  	_ =	shalt  }
0x3f: {  	_ =	shalt  }
0x40: {  	_ =	shalt  }
0x41: {  	_ =	shalt  }
0x42: {  	_ =	shalt  }
0x43: {  	_ =	shalt  }
0x44: {  	_ =	shalt  }
0x45: {  	_ =	shalt  }
0x46: {  	_ =	shalt  }
0x47: {  	_ =	shalt  }
0x48: {  	_ =	shalt  }
0x49: {  	_ =	shalt  }
0x4a: {  	_ =	shalt  }
0x4b: {  	_ =	shalt  }
0x4c: {  	_ =	shalt  }
0x4d: {  	_ =	shalt  }
0x4e: {  	_ =	shalt  }
0x4f: {  	_ =	shalt  }
0x50: {  	_ =	shalt  }
0x51: {  	_ =	shalt  }
0x52: {  	_ =	shalt  }
0x53: {  	_ =	shalt  }
0x54: {  	_ =	shalt  }
0x55: {  	_ =	shalt  }
0x56: {  	_ =	shalt  }
0x57: {  	_ =	shalt  }
0x58: {  	_ =	shalt  }
0x59: {  	_ =	shalt  }
0x5a: {  	_ =	shalt  }
0x5b: {  	_ =	shalt  }
0x5c: {  	_ =	shalt  }
0x5d: {  	_ =	shalt  }
0x5e: {  	_ =	shalt  }
0x5f: {  	_ =	shalt  }
0x60: {  	_ =	shalt  }
0x61: {  	_ =	shalt  }
0x62: {  	_ =	shalt  }
0x63: {  	_ =	shalt  }
0x64: {  	_ =	shalt  }
0x65: {  	_ =	shalt  }
0x66: {  	_ =	shalt  }
0x67: {  	_ =	shalt  }
0x68: {  	_ =	shalt  }
0x69: {  	_ =	shalt  }
0x6a: {  	_ =	shalt  }
0x6b: {  	_ =	shalt  }
0x6c: {  	_ =	shalt  }
0x6d: {  	_ =	shalt  }
0x6e: {  	_ =	shalt  }
0x6f: {  	_ =	shalt  }
0x70: {  	_ =	shalt  }
0x71: {  	_ =	shalt  }
0x72: {  	_ =	shalt  }
0x73: {  	_ =	shalt  }
0x74: {  	_ =	shalt  }
0x75: {  	_ =	shalt  }
0x76: {  	_ =	shalt  }
0x77: {  	_ =	shalt  }
0x78: {  	_ =	shalt  }
0x79: {  	_ =	shalt  }
0x7a: {  	_ =	shalt  }
0x7b: {  	_ =	shalt  }
0x7c: {  	_ =	shalt  }
0x7d: {  	_ =	shalt  }
0x7e: {  	_ =	shalt  }
0x7f: {  	_ =	shalt  }
0x80: {  	_ =	shalt  }
0x81: {  	_ =	shalt  }
0x82: {  	_ =	shalt  }
0x83: {  	_ =	shalt  }
0x84: {  	_ =	shalt  }
0x85: {  	_ =	shalt  }
0x86: {  	_ =	shalt  }
0x87: {  	_ =	shalt  }
.Lfunc_end0:
.L_simem_size_0:
called_computation_lowered:
.L_overlay_start_0:
0x88: {  	s2 =	sld [smem:$0x3FD9]  }
0x89: {  	s3 =	sld [smem:$0x3FFE];
	_ =	sdelay $0x1  }
0x8a: {  	s1 =	srdreg.scid  }
0x8b: {  	s0 =	sand.u32 $0x1, s1  }
0x8c: {  	s17 =	sshll.u32 s0, $0xA;
	s2 =	sadd.s32 s3, s2  }
0x8d: {  	s2 =	sadd.s32 s2, s17  }
0x8e: {  	[smem:$0x3FC2] =	sst s2  }
0x8f: {  	_ = 	snop  }
0x90: {  	s2 =	sld [smem:$0x3FD0];
	(tm) =	ssettm $0x1  }
0x91: {  	s18 =	sld [smem:$0x3FFB];
	_ =	sdelay $0x3  }
0x92: {  	_ =	strace s18  }
0x93: {  	s3 =	sld [smem:$0x3FFC];
	_ =	sdelay $0x3  }
0x94: {  	_ =	strace s3  }
0x95: {  	s3 =	sld [smem:$0x3FFD];
	_ =	sdelay $0x3  }
0x96: {  	_ =	strace s3  }
0x97: {  	_ =	strace $0x8FFFFFFF  }
0x98: {  	s19 =	sld [smem:$0x3FDB];
	_ =	sdelay $0x1  }
0x99: {  	s4 =	simm.s32 $_scs_section_size  }
0x9a: {  	s5 =	simm.s32 $_size__tile_overlayer_lowered;
	s6 =	simm.s32 $_tile_overlayer_lowered  }
0x9b: {  	s22 =	simm.s32 $0x1BFF;
	s21 =	sshll.u32 s6, $0x1;
	s3 =	sadd.s32 s4, s19  }
0x9c: {  	s7 =	simm.s32 $0x0;
	s20 =	sshll.u32 s5, $0x1;
	s5 =	sadd.s32 s21, s3  }
0x9d: {  	[timem:s7], [sflag:s22] =	dma.local [hbm:s5], s20  }
0x9e: {  	_ =	swait.ge [sflag:s22], s20  }
0x9f: {  	s4 =	ssub.s32 $0x0, s20;
	[sflag:s22] =	ssyncset.done $0x0  }
0xa0: {  	[sflag:s22] =	ssyncadd.s32 s4;
	_ =	sdelay $0x1  }
0xa1: {  	s23 =	simm.s32 $0x1B8B  }
0xa2: {  	_ =	swait.ge [sflag:s23], $0x1  }
0xa3: {  	[sflag:s23] =	ssyncset.done $0x0  }
0xa4: {  	s25 =	simm.s32 $0x1B8E;
	s24 =	sld [smem:$0x3FFE];
	[sflag:s23] =	ssyncadd.s32 $0xFFFFFFFF  }
0xa5: {  	s26 =	simm.s32 $execute0_lowered;
	[smem:$0x3FD2] =	sst s25  }
0xa6: {  	s5 =	sshll.u32 s26, $0x1;
	_ =	strace $0x80000046;
	[dreg:$0x1] =	wrdreg $0xFFFFFFFF  }
0xa7: {  	s28 =	simm.s32 $_size_execute0_lowered;
	s3 =	sadd.s32 s3, s5;
	[dreg:$0x0] =	wrdreg $0x0  }
0xa8: {  	s5 =	sshll.u32 s28, $0x1;
	[dreg:$0x2] =	wrdreg s3  }
0xa9: {  	[dreg:$0x3] =	wrdreg s5  }
0xaa: {  	[dreg:$0x4] =	wrdreg $0xC0  }
0xab: {  	_ =	task [dreg:s7], $0x5FFFF  }
0xac: {  	[dreg:$0x1] =	wrdreg $0xFFFFFFFF  }
0xad: {  	[dreg:$0x0] =	wrdreg $0x60  }
0xae: {  	[dreg:$0x2] =	wrdreg s2  }
0xaf: {  	[dreg:$0x3] =	wrdreg s24  }
0xb0: {  	[dreg:$0x4] =	wrdreg $0x68000  }
0xb1: {  	[dreg:$0x5] =	wrdreg $0x9  }
0xb2: {  	_ =	task.clear_ibuf [dreg:s7], $0x6FFFF;
	_ =	strace $0x90000046  }
0xb3: {  	s29 =	simm.s32 $0x9;
	_ =	strace $0x80000048  }
0xb4: {  	_ =	swait.ge [sflag:s29], $0x1  }
0xb5: {  	[sflag:s29] =	ssyncadd.s32 $0xFFFFFFFF  }
0xb6: {  	_ =	strace $0x90000048  }
0xb7: {  	_ =	sfence  }
0xb8: {  	s30 =	sld [smem:$0x0];
	_ =	sdelay $0x2  }
0xb9: {  	s31 =	sshll.u32 s1, $0xD;
	s1 =	sshrl.u32 s1, $0x2  }
0xba: {  	s3 =	sand.u32 $0x4000, s31;
	s1 =	sadd.s32 s1, s30  }
0xbb: {  	s0 =	sor.u32 s3, s0;
	s1 =	sshll.u32 s1, $0x11  }
0xbc: {  	s0 =	sor.u32 s1, s0  }
0xbd: {  	s0 =	sadd.s32 $0x8F2B, s0  }
0xbe: {  	[sflag:s0] =	ssyncadd.remote.s32 $0x1  }
0xbf: {  	_ =	sfence.sel $0xFFFF  }
0xc0: {  	[dreg:$0x0] =	wrdreg $0xFFFFFFFF;
	(pc) =	sbr.abs _section_cstart, $3  }
0xc1: {  	[dreg:$0x1] =	wrdreg $0xFFFFFFFF  }
0xc2: {  	_ =	task.clear_ibuf [dreg:s7], $0x2FFFF;
	_ =	strace $0x9FFFFFFF  }
0xc3: {  	(tm) =	ssettm $0x7FFFFFFF  }
tec
execute0_lowered:
.L_overlay_start_1:
0x0: {  	(tag) =	ssettag $0x1  }
0x1: {  	s5 =	rddreg [dreg:$0x0]  }
0x2: {  	s6 =	rddreg [dreg:$0x1]  }
0x3: {  	s1 =	rddreg [dreg:$0x2]  }
0x4: {  	s2 =	srdreg.scid;
	s0 =	rddreg [dreg:$0x3]  }
0x5: {  	s3 =	simm.s32 $0x0;
	s11 =	simm.s32 $0x60;
	s12 =	simm.s32 $0x3800  }
0x6: {  	s13 =	simm.s32 $0x0;
	s7 =	sand.u32 $0x1, s2;
	s2 =	stileid.u32  }
0x7: {  	[smem:$0x7FF] =	sst s3;
	s4 =	sadd.s32 $0x1600, s6;
	s8 =	smul.u32 $0x140000, s7  }
0x8: {  	s9 =	smul.u32 $0x14000, s2;
	_ =	strace $0x80000047;
	s10 =	sshll.u32 s7, $0x4  }
0x9: {  	s29 =	smul.u32 $0x50000, s2;
	s7 =	ssub.s32 $0x2, s7;
	s31 =	sshll.u32 s2, $0x6  }
0xa: {  	s28 =	sor.u32 s2, s10;
	s30 =	sshrl.u32 s7, $0x1;
	s8 =	sadd.s32 s9, s8  }
0xb: {  	s9 =	smul.u32 $0x700, s28;
	s10 =	sshrl.u32 s29, $0x2;
	s7 =	ssub.s32 s7, s30  }
0xc: {  	s8 =	sshrl.u32 s8, $0x3;
	s10 =	sadd.s32 s10, s1;
	s7 =	smax.u32 s7, $0x1  }
0xd: {  	s6 =	sadd.s32 s8, s6;
	s5 =	sadd.s32 s5, s9;
	s8 =	simm.s32 $0x1  }
0xe: {  	v0 =	vimm.f32 $1.000000000e+00;
	s9 =	sor.u32 $0x1C01, s31;
	s10 =	sshrl.u32 s10, $0x3;
	s6 =	sadd.s32 $0x3E00, s6  }
.LBB2_1:
0xf: {  	[tilespmem:s3], [sflag:$0x1] =	stream.linear.gather [hbm4b:s5+s3], $0x3480, $0x38;
	[tilespmem:$0x1A800] =	vst v63  }
0x10: {  	s14 =	simm.s32 $0x0  }
0x11: {  	s15 =	sand.u32 $0xFFFFFF80, s14  }
0x12: {  	_ =	swait.ge [sflag:s8], $0x3480;
	s15 =	ssub.s32 $0x0, s15  }
0x13: {  	s14 =	sand.u32 $0x3FFFFF80, s14;
	[sflag:s8] =	ssyncset.done $0x0;
	s15 =	sand.u32 $0xFFFFFF80, s15  }
0x14: {  	s16 =	sand.u32 $0x70, s3;
	[sflag:s8] =	ssyncadd.s32 $0xFFFFCB80;
	s15 =	sadd.s32 s15, s14  }
0x15: {  	s14 =	simm.s32 $0x1;
	s16 =	sor.u32 s16, s15;
	s15 =	simm.s32 $0x0  }
.LBB2_2:
0x16: {  	s17 =	sshll.u32 s14, $0x4;
	p0 =	sne.s32 s14, $0x2FF;
	s14 =	sadd.s32 $0x1, s14;
	[tilespmem:s16+$0x3800] =	vst v0  }
.Ltmp0:
0x17: {  	s15 =	sadd.s32 $0x10, s15;
	s16 =	sand.u32 $0xFFFFFF80, s17;
	(pc) =	sbr.rel @p0 .LBB2_2-.Ltmp0, $4  }
0x18: {  	s16 =	ssub.s32 s15, s16  }
0x19: {  	s17 =	sand.u32 $0x3FFFFF80, s17;
	s16 =	sand.u32 $0xFFFFFF80, s16  }
0x1a: {  	s18 =	sand.u32 $0x70, s15;
	s16 =	sadd.s32 s16, s17  }
0x1b: {  	s16 =	sor.u32 s18, s16  }
0x1c: {  	[tilespmem:s16+$0x3800] =	vst v0  }
0x1d: {  	[spmem:s10], [sflag:s9] =	dma.local [hbm:s4], $0x2800  }
0x1e: {  	_ =	swait.ge [sflag:s8], $0x2800  }
0x1f: {  	[sflag:s8] =	ssyncset.done $0x0  }
0x20: {  	[sflag:s8] =	ssyncadd.s32 $0xFFFFD800  }
0x21: {  	s14 =	simm.s32 $0x0;
	[bflag:$0x0] =	sbarrier.arrive $0xFFFF  }
0x22: {  	[spmem:s1] =	stream.indirect.scatter.add.f32 [tilespmem:s12], [sflag:$0x1], $0x80, s14, s11, $0xb8;
	[tilespmem:$0x1A800] =	vst v63  }
0x23: {  	_ =	swait.ge [sflag:s8], $0x3000  }
0x24: {  	s14 =	simm.s32 $0x200;
	[sflag:s8] =	ssyncset.done $0x0  }
.LBB2_4:
0x25: {  	s15 =	sshra.s32 s14, $0x2;
	[sflag:s8] =	ssyncadd.s32 $0xFFFFD000;
	p0 =	sne.s32 s14, $0xD000  }
0x26: {  	[spmem:s1] =	stream.indirect.scatter.add.f32 [tilespmem:s12], [sflag:$0x1], $0x80, s15, s11, $0xb8;
	[tilespmem:$0x1A800] =	vst v63  }
.Ltmp1:
0x27: {  	_ = 	snop;
	(pc) =	sbr.rel @p0 .LBB2_4-.Ltmp1, $4  }
0x28: {  	_ = 	snop  }
0x29: {  	s14 =	sadd.s32 $0x200, s14  }
0x2a: {  	_ =	swait.ge [sflag:s8], $0x3000  }
0x2b: {  	[sflag:s8] =	ssyncset.done $0x0  }
0x2c: {  	s13 =	sadd.s32 $0x1, s13  }
0x2d: {  	[sflag:s8] =	ssyncadd.s32 $0xFFFFD000;
	p0 =	sne.s32 s13, s7  }
.Ltmp2:
0x2e: {  	[bflag:$0x0] =	sbarrier.arrive $0xFFFF;
	(pc) =	sbr.rel @p0 .LBB2_1-.Ltmp2, $4  }
0x2f: {  	[hbm:s6], [sflag:s9] =	dma.local [spmem:s10], $0x2800  }
0x30: {  	_ =	swait.ge [sflag:s8], $0x2800  }
0x31: {  	[sflag:s8] =	ssyncset.done $0x0  }
0x32: {  	[sflag:s8] =	ssyncadd.s32 $0xFFFFD800  }
0x33: {  	_ =	sfence.sel $0x180000  }
0x34: {  	[bflag:$0x0] =	sbarrier.arrive $0xFFFF  }
0x35: {  	p0 =	sne.s32 s2, $0x0;
	_ =	strace $0x90000047  }
0x36: {  	s0 =	sadd.s32 @!p0 $0x100000, s0;
	[bflag:$0x2] =	sbarrier.arrive $0xFFFF  }
0x37: {  	[sflag:s0] =	ssyncadd.tile.s32 @!p0 $0x1;
	_ =	shalt  }
.Lfunc_end2:
_tile_overlayer_lowered:
.L_overlay_start_2:
0x38: {  	(tag) =	ssettag $0x2  }
0x39: {  	s0 =	rddreg [dreg:$0x0];
	s2 =	stileid.u32  }
0x3a: {  	s1 =	rddreg [dreg:$0x1];
	p0 =	sne.s32 s2, $0x0  }
0x3b: {  	s3 =	rddreg [dreg:$0x2];
	[bflag:$0x3] =	sbarrier.arrive $0xFFFF;
	s2 =	simm.s32 @!p0 $0x1C01  }
0x3c: {  	[timem:s3], [sflag:s2] =	dma.local @!p0 [hbm:s0], s1  }
0x3d: {  	s0 =	simm.s32 @!p0 $0x1  }
0x3e: {  	_ =	swait.ge @!p0 [sflag:s0], s1  }
0x3f: {  	s1 =	ssub.s32 @!p0 $0x0, s1;
	[sflag:s0] =	ssyncset.done @!p0 $0x0  }
0x40: {  	[sflag:s0] =	ssyncadd.s32 @!p0 s1  }
0x41: {  	[bflag:$0x3] =	sbarrier.arrive $0xFFFF  }
0x42: {  	_ =	shalt  }

</sc_bundles>
